<compile_context>
chip_gen: v7x
topology: tpu7x:2x2x1
jax: 0.10.2.dev20260603
libtpu: 0.0.44.dev20260713+nightly
codegen_flags: <defaults>
</compile_context>

<pallas_src>
import jax
import jax.numpy as jnp
from jax import lax
from jax.experimental import pallas as pl
from jax.experimental.pallas import tpu as pltpu
from jax.experimental.pallas import tpu_sc as plsc

N = 10000
E = 320000
IN = 15
H = 128
HH = H // 2
G = 256

NC = 2
NS = 16
NW = NC * NS
NPAD = 10112
SUBD = 82
SUBS = 2 * SUBD
EPAD = SUBD * 128 * NW
RPS = NPAD // NS

_mesh = plsc.VectorSubcoreMesh(core_axis_name="c", subcore_axis_name="s")
_f32 = jnp.float32


def _deg_body(dst3, ones_h, zeros16, degp, dstv, onesv, dacc):
    c = lax.axis_index("c")
    s = lax.axis_index("s")
    wid = c * NS + s
    pltpu.sync_copy(dst3.at[wid], dstv)
    pltpu.sync_copy(ones_h, onesv)
    pltpu.sync_copy(zeros16.at[pl.ds(s * RPS, RPS)], dacc.at[pl.ds(s * RPS, RPS)])
    plsc.subcore_barrier()

    def body(j, carry):
        pltpu.sync_copy(onesv, dacc.at[dstv.at[j]], add=True)
        return carry

    lax.fori_loop(0, SUBD, body, 0)
    plsc.subcore_barrier()
    pltpu.sync_copy(dacc.at[pl.ds(s * RPS, RPS)], degp.at[c, pl.ds(s * RPS, RPS)])


_deg = pl.kernel(
    _deg_body,
    out_type=jax.ShapeDtypeStruct((NC, NPAD, 16), _f32),
    mesh=_mesh,
    scratch_types=[
        pltpu.VMEM((SUBD, 128), jnp.int32),
        pltpu.VMEM((128, 16), _f32),
        pltpu.VMEM_SHARED((NPAD, 16), _f32),
    ],
    compiler_params=pltpu.CompilerParams(use_tc_tiling_on_sc=False),
)


NBUF = 4


def _scat_body(srcb, dstb, ys, zeros_hh, accp, srcv, dstv, rows,
               g0, g1, g2, g3, s0, s1, s2, s3, acc):
    c = lax.axis_index("c")
    s = lax.axis_index("s")
    pltpu.sync_copy(srcb.at[c, s], srcv)
    pltpu.sync_copy(dstb.at[s], dstv)
    pltpu.sync_copy(zeros_hh.at[pl.ds(s * RPS, RPS)], acc.at[pl.ds(s * RPS, RPS)])
    plsc.subcore_barrier()

    gsem = (g0, g1, g2, g3)
    ssem = (s0, s1, s2, s3)

    def gather(j, b):
        pltpu.async_copy(ys.at[srcv.at[j]], rows.at[b], gsem[b])

    def wait_gather(j, b):
        pltpu.make_async_copy(ys.at[srcv.at[j]], rows.at[b], gsem[b]).wait()

    def scatter(j, b):
        pltpu.async_copy(rows.at[b], acc.at[dstv.at[j]], ssem[b], add=True)

    def wait_scatter(j, b):
        pltpu.make_async_copy(rows.at[b], acc.at[dstv.at[j]], ssem[b]).wait()

    def step(j, b, wait_s, fire_g):
        wait_gather(j, b)
        scatter(j, b)
        b2 = (b + 2) % NBUF
        if wait_s:
            wait_scatter(j - 2, b2)
        if fire_g:
            gather(j + 2, b2)

    gather(0, 0)
    gather(1, 1)
    step(0, 0, False, True)
    step(1, 1, False, True)

    def body(i, carry):
        for bb in range(NBUF):
            j = NBUF * i + 2 + bb
            step(j, (2 + bb) % NBUF, True, True)
        return carry

    lax.fori_loop(0, (SUBS - 4) // NBUF, body, 0)
    step(SUBS - 2, 2, True, False)
    step(SUBS - 1, 3, True, False)
    wait_scatter(SUBS - 2, 2)
    wait_scatter(SUBS - 1, 3)
    plsc.subcore_barrier()
    pltpu.sync_copy(acc.at[pl.ds(s * RPS, RPS)],
                    accp.at[pl.ds(s * RPS, RPS), pl.ds(c * HH, HH)])


_scat = pl.kernel(
    _scat_body,
    out_type=jax.ShapeDtypeStruct((NPAD, H), _f32),
    mesh=_mesh,
    scratch_types=[
        pltpu.VMEM((SUBS, 128), jnp.int32),
        pltpu.VMEM((SUBS, 128), jnp.int32),
        pltpu.VMEM((NBUF, 128, HH), _f32),
        pltpu.SemaphoreType.DMA,
        pltpu.SemaphoreType.DMA,
        pltpu.SemaphoreType.DMA,
        pltpu.SemaphoreType.DMA,
        pltpu.SemaphoreType.DMA,
        pltpu.SemaphoreType.DMA,
        pltpu.SemaphoreType.DMA,
        pltpu.SemaphoreType.DMA,
        pltpu.VMEM_SHARED((NPAD, HH), _f32),
    ],
    compiler_params=pltpu.CompilerParams(use_tc_tiling_on_sc=False),
)


NP8 = NPAD // 8
EP128 = EPAD // 128


def _prep_body(e3_ref, srcd_ref, dstd_ref):
    r = lax.broadcasted_iota(jnp.int32, (EP128, 128), 0)
    l = lax.broadcasted_iota(jnp.int32, (EP128, 128), 1)
    pos = r * 128 + l
    tail = jnp.where(pos < E + N, pos - E,
                     N + jnp.bitwise_and(pos - (E + N), 15))
    zpad = jnp.zeros((EP128 - E // 128, 128), jnp.int32)
    srcflat = jnp.where(pos < E,
                        jnp.concatenate([e3_ref[0], zpad], axis=0), tail)
    dstflat = jnp.where(pos < E,
                        jnp.concatenate([e3_ref[1], zpad], axis=0), tail)
    srcd_ref[0] = 2 * srcflat
    srcd_ref[1] = 2 * srcflat + 1
    dstd_ref[...] = dstflat


_prep = pl.pallas_call(
    _prep_body,
    out_shape=(
        jax.ShapeDtypeStruct((NC, EP128, 128), jnp.int32),
        jax.ShapeDtypeStruct((EP128, 128), jnp.int32),
    ),
)


def _dense0_body(x_ref, w_ref, xw_ref):
    xw = jnp.dot(x_ref[...], w_ref[...], preferred_element_type=_f32)
    xw_ref[...] = jnp.concatenate(
        [xw, jnp.zeros((NPAD - N, H), _f32)], axis=0)


_dense0 = pl.pallas_call(
    _dense0_body,
    out_shape=jax.ShapeDtypeStruct((NPAD, H), _f32),
)


def _sel8():
    ii = lax.broadcasted_iota(jnp.int32, (128, 8), 0)
    jj = lax.broadcasted_iota(jnp.int32, (128, 8), 1)
    return jnp.where(ii == 16 * jj, 1.0, 0.0).astype(_f32)


def _dense1_body(degp_ref, xw_ref, ys_ref, dinv_ref):
    sel = _sel8()
    deg8 = (jnp.dot(degp_ref[0], sel, preferred_element_type=_f32)
            + jnp.dot(degp_ref[1], sel, preferred_element_type=_f32))
    dinv8 = lax.rsqrt(jnp.maximum(deg8, 1.0))
    xw3 = xw_ref[...].reshape(NP8, 8, H)
    ys_ref[...] = (xw3 * dinv8[:, :, None]).reshape(NPAD, H)
    dinv_ref[...] = dinv8


_dense1 = pl.pallas_call(
    _dense1_body,
    out_shape=(
        jax.ShapeDtypeStruct((NPAD, H), _f32),
        jax.ShapeDtypeStruct((NP8, 8), _f32),
    ),
)


def _dense2_body(acc_ref, dinv_ref, b_ref, w_ref, ys_ref):
    rb = acc_ref.shape[0]
    dinv8 = dinv_ref[...]
    acc3 = acc_ref[...].reshape(rb // 8, 8, H)
    h = jnp.maximum(acc3 * dinv8[:, :, None] + b_ref[...], 0.0)
    y = jnp.dot(h.reshape(rb, H), w_ref[...], preferred_element_type=_f32)
    ys_ref[...] = (y.reshape(rb // 8, 8, H) * dinv8[:, :, None]).reshape(rb, H)


_dense2 = pl.pallas_call(
    _dense2_body,
    out_shape=jax.ShapeDtypeStruct((NPAD, H), _f32),
)


def _pool_body(acc_ref, dinv_ref, b_ref, batch_ref, out_ref):
    dinv8 = dinv_ref[...]
    acc3 = acc_ref[...].reshape(NP8, 8, H)
    h = jnp.maximum(acc3 * dinv8[:, :, None] + b_ref[...], 0.0).reshape(NPAD, H)
    gids = lax.broadcasted_iota(jnp.int32, (G, NPAD), 0)
    onehot = jnp.where(gids == batch_ref[...], 1.0, 0.0)
    out_ref[...] = jnp.dot(onehot, h, preferred_element_type=_f32)


_pool = pl.pallas_call(
    _pool_body,
    out_shape=jax.ShapeDtypeStruct((G, H), _f32),
)


def kernel(x, edge_index, batch, W1, b1, W2, b2, W3, b3):
    ei3 = edge_index.reshape(2, E // 128, 128)
    srcd, dstd = _prep(ei3)
    srcb = srcd.reshape(NC, NS, SUBS, 128)
    dstb = dstd.reshape(NS, SUBS, 128)
    dst3 = dstd.reshape(NW, SUBD, 128)

    zeros_hh = jnp.zeros((NPAD, HH), _f32)
    zeros16 = jnp.zeros((NPAD, 16), _f32)
    ones16 = jnp.ones((128, 16), _f32)
    batchp = jnp.full((1, NPAD), G, jnp.int32).at[0, :N].set(batch)

    degp = _deg(dst3, ones16, zeros16)
    xw1 = _dense0(x, W1)
    y1, dinv8 = _dense1(degp.reshape(NC, NP8, 128), xw1)
    acc1 = _scat(srcb, dstb, y1.reshape(2 * NPAD, HH), zeros_hh)
    y2 = _dense2(acc1, dinv8, b1.reshape(1, 1, H), W2)
    acc2 = _scat(srcb, dstb, y2.reshape(2 * NPAD, HH), zeros_hh)
    y3 = _dense2(acc2, dinv8, b2.reshape(1, 1, H), W3)
    acc3 = _scat(srcb, dstb, y3.reshape(2 * NPAD, HH), zeros_hh)
    return _pool(acc3, dinv8, b3.reshape(1, 1, H), batchp)

# --- scband reference (transcript-rebuilt; emitter-appended) ---
"""Pipeline reference for scband-small-gnn-9234179687243 (READ-ONLY COPY).

The authoritative reference and input builder live on the scoring server;
editing this copy changes nothing except your own understanding.
"""

import jax, jax.numpy as jnp
import numpy as np

N = 10000
E = 320000
IN = 15
H = 128
G = 256


def setup_inputs(seed: int = 0) -> dict:
    key = jax.random.key(seed)
    ks = jax.random.split(key, 10)
    x = jax.random.normal(ks[0], (N, IN), dtype=jnp.float32)
    edge_index = jax.random.randint(ks[1], (2, E), 0, N, dtype=jnp.int32)
    batch = jnp.sort(jax.random.randint(ks[2], (N,), 0, G, dtype=jnp.int32))
    W1 = jax.random.normal(ks[3], (IN, H), dtype=jnp.float32) * (1.0 / np.sqrt(IN))
    b1 = jnp.zeros((H,), dtype=jnp.float32)
    W2 = jax.random.normal(ks[4], (H, H), dtype=jnp.float32) * (1.0 / np.sqrt(H))
    b2 = jnp.zeros((H,), dtype=jnp.float32)
    W3 = jax.random.normal(ks[5], (H, H), dtype=jnp.float32) * (1.0 / np.sqrt(H))
    b3 = jnp.zeros((H,), dtype=jnp.float32)
    return {"x": x, "edge_index": edge_index, "batch": batch,
            "W1": W1, "b1": b1, "W2": W2, "b2": b2, "W3": W3, "b3": b3}


def gcn_conv(x, edge_index, W, b):
    # PyG GCNConv: add self-loops, symmetric deg^-1/2 normalization, linear (no lin bias), bias after aggregation
    num_nodes = x.shape[0]
    src = edge_index[0]
    dst = edge_index[1]
    loop = jnp.arange(num_nodes, dtype=src.dtype)
    src_f = jnp.concatenate([src, loop])
    dst_f = jnp.concatenate([dst, loop])
    deg = jnp.zeros((num_nodes,), dtype=jnp.float32).at[dst_f].add(1.0)
    dinv = jnp.where(deg > 0, 1.0 / jnp.sqrt(deg), 0.0)
    norm = dinv[src_f] * dinv[dst_f]
    xw = x @ W
    msg = xw[src_f] * norm[:, None]
    out = jnp.zeros((num_nodes, xw.shape[1]), dtype=jnp.float32).at[dst_f].add(msg)
    return out + b


def reference(x, edge_index, batch, W1, b1, W2, b2, W3, b3):
    h = jax.nn.relu(gcn_conv(x, edge_index, W1, b1))
    h = jax.nn.relu(gcn_conv(h, edge_index, W2, b2))
    h = jax.nn.relu(gcn_conv(h, edge_index, W3, b3))
    # global_add_pool over graph ids in `batch`
    return jax.ops.segment_sum(h, batch, num_segments=G)

if __name__ == "__main__":
    import jax
    _d = setup_inputs()
    print(jax.jit(kernel)(*tuple(_d.values())))

</pallas_src>

<mosaic_0001>
#map = affine_map<(d0, d1) -> (0, 0, 0)>
#map1 = affine_map<(d0, d1) -> (0, 0)>
module attributes {stable_mosaic.version = 14 : i64} {
  func.func @_deg_body(%arg0: i32, %arg1: i32, %arg2: memref<32x82x128xi32, #tpu.memory_space<hbm>>, %arg3: memref<128x16xf32, #tpu.memory_space<hbm>>, %arg4: memref<10112x16xf32, #tpu.memory_space<hbm>>, %arg5: memref<2x10112x16xf32, #tpu.memory_space<hbm>>, %arg6: memref<82x128xi32, #tpu.memory_space<vmem>>, %arg7: memref<128x16xf32, #tpu.memory_space<vmem>>, %arg8: memref<10112x16xf32, #tpu.memory_space<vmem_shared>>) attributes {dimension_semantics = [#tpu.dimension_semantics<core_parallel>, #tpu.dimension_semantics<subcore_parallel>], iteration_bounds = array<i64: 2, 16>, scalar_prefetch = 0 : i64, scratch_operands = 3 : i64, tpu.core_type = #tpu.core_type<sc_vector_subcore>, window_params = [{transform_indices = #map}, {transform_indices = #map1}, {transform_indices = #map1}, {transform_indices = #map}]} {
    %mul3A = arith.constant 16 : i32
    %mul3A_0 = arith.muli %arg0, %mul3A : i32
    %add3A = arith.addi %mul3A_0, %arg1 : i32
    "tpu.region"() ({
      %run_scoped3A = tpu.sem_alloc : memref<!tpu.dma_semaphore, #tpu.memory_space<semaphore_mem>>
      %dma_start3A = arith.constant 0 : i32
      %dma_start3A_15 = arith.constant 0 : i32
      %dma_start3A_16 = tpu.memref_slice %arg2[%add3A, %dma_start3A, %dma_start3A_15] : memref<32x82x128xi32, #tpu.memory_space<hbm>> -> memref<1x82x128xi32, #tpu.memory_space<hbm>>
      %dma_start3A_17 = tpu.memref_squeeze %dma_start3A_16 : memref<1x82x128xi32, #tpu.memory_space<hbm>> -> memref<82x128xi32, #tpu.memory_space<hbm>>
      %dma_start3A_18 = arith.constant 0 : i32
      %dma_start3A_19 = arith.constant 0 : i32
      %dma_start3A_20 = tpu.memref_slice %arg2[%add3A, %dma_start3A_18, %dma_start3A_19] : memref<32x82x128xi32, #tpu.memory_space<hbm>> -> memref<1x82x128xi32, #tpu.memory_space<hbm>>
      %dma_start3A_21 = tpu.memref_squeeze %dma_start3A_20 : memref<1x82x128xi32, #tpu.memory_space<hbm>> -> memref<82x128xi32, #tpu.memory_space<hbm>>
      tpu.enqueue_dma source(%dma_start3A_21 : memref<82x128xi32, #tpu.memory_space<hbm>>) target(%arg6 : memref<82x128xi32, #tpu.memory_space<vmem>>) target_semaphore(%run_scoped3A : memref<!tpu.dma_semaphore, #tpu.memory_space<semaphore_mem>>)
      %dma_wait3A = arith.constant 0 : i32
      %dma_wait3A_22 = arith.constant 0 : i32
      %dma_wait3A_23 = tpu.memref_slice %arg2[%add3A, %dma_wait3A, %dma_wait3A_22] : memref<32x82x128xi32, #tpu.memory_space<hbm>> -> memref<1x82x128xi32, #tpu.memory_space<hbm>>
      %dma_wait3A_24 = tpu.memref_squeeze %dma_wait3A_23 : memref<1x82x128xi32, #tpu.memory_space<hbm>> -> memref<82x128xi32, #tpu.memory_space<hbm>>
      %dma_wait3A_25 = arith.constant 0 : i32
      %dma_wait3A_26 = arith.constant 0 : i32
      %dma_wait3A_27 = tpu.memref_slice %arg2[%add3A, %dma_wait3A_25, %dma_wait3A_26] : memref<32x82x128xi32, #tpu.memory_space<hbm>> -> memref<1x82x128xi32, #tpu.memory_space<hbm>>
      %dma_wait3A_28 = tpu.memref_squeeze %dma_wait3A_27 : memref<1x82x128xi32, #tpu.memory_space<hbm>> -> memref<82x128xi32, #tpu.memory_space<hbm>>
      tpu.wait_dma2 semaphore(%run_scoped3A : memref<!tpu.dma_semaphore, #tpu.memory_space<semaphore_mem>>) src(%dma_wait3A_28 : memref<82x128xi32, #tpu.memory_space<hbm>>) dst(%arg6 : memref<82x128xi32, #tpu.memory_space<vmem>>)
      tpu.yield
    }) : () -> ()
    "tpu.region"() ({
      %run_scoped3A = tpu.sem_alloc : memref<!tpu.dma_semaphore, #tpu.memory_space<semaphore_mem>>
      tpu.enqueue_dma source(%arg3 : memref<128x16xf32, #tpu.memory_space<hbm>>) target(%arg7 : memref<128x16xf32, #tpu.memory_space<vmem>>) target_semaphore(%run_scoped3A : memref<!tpu.dma_semaphore, #tpu.memory_space<semaphore_mem>>)
      tpu.wait_dma2 semaphore(%run_scoped3A : memref<!tpu.dma_semaphore, #tpu.memory_space<semaphore_mem>>) src(%arg3 : memref<128x16xf32, #tpu.memory_space<hbm>>) dst(%arg7 : memref<128x16xf32, #tpu.memory_space<vmem>>)
      tpu.yield
    }) : () -> ()
    %mul3A_1 = arith.constant 632 : i32
    %mul3A_2 = arith.muli %arg1, %mul3A_1 : i32
    %mul3A_3 = arith.constant 632 : i32
    %mul3A_4 = arith.muli %arg1, %mul3A_3 : i32
    "tpu.region"() ({
      %run_scoped3A = tpu.sem_alloc : memref<!tpu.dma_semaphore, #tpu.memory_space<semaphore_mem>>
      %dma_start3A = arith.constant 0 : i32
      %dma_start3A_15 = tpu.memref_slice %arg8[%mul3A_4, %dma_start3A] : memref<10112x16xf32, #tpu.memory_space<vmem_shared>> -> memref<632x16xf32, #tpu.memory_space<vmem_shared>>
      %dma_start3A_16 = arith.constant 0 : i32
      %dma_start3A_17 = tpu.memref_slice %arg4[%mul3A_2, %dma_start3A_16] : memref<10112x16xf32, #tpu.memory_space<hbm>> -> memref<632x16xf32, #tpu.memory_space<hbm>>
      tpu.enqueue_dma source(%dma_start3A_17 : memref<632x16xf32, #tpu.memory_space<hbm>>) target(%dma_start3A_15 : memref<632x16xf32, #tpu.memory_space<vmem_shared>>) target_semaphore(%run_scoped3A : memref<!tpu.dma_semaphore, #tpu.memory_space<semaphore_mem>>)
      %dma_wait3A = arith.constant 0 : i32
      %dma_wait3A_18 = tpu.memref_slice %arg8[%mul3A_4, %dma_wait3A] : memref<10112x16xf32, #tpu.memory_space<vmem_shared>> -> memref<632x16xf32, #tpu.memory_space<vmem_shared>>
      %dma_wait3A_19 = arith.constant 0 : i32
      %dma_wait3A_20 = tpu.memref_slice %arg4[%mul3A_2, %dma_wait3A_19] : memref<10112x16xf32, #tpu.memory_space<hbm>> -> memref<632x16xf32, #tpu.memory_space<hbm>>
      tpu.wait_dma2 semaphore(%run_scoped3A : memref<!tpu.dma_semaphore, #tpu.memory_space<semaphore_mem>>) src(%dma_wait3A_20 : memref<632x16xf32, #tpu.memory_space<hbm>>) dst(%dma_wait3A_18 : memref<632x16xf32, #tpu.memory_space<vmem_shared>>)
      tpu.yield
    }) : () -> ()
    %barrier3A = arith.constant 0 : index
    tpu.barrier barrier_id(%barrier3A)
    %scan3A = arith.constant 0 : i32
    %scan3A_5 = arith.constant 0 : i32
    %scan3A_6 = arith.constant 82 : i32
    %scan3A_7 = arith.addi %scan3A_5, %scan3A_6 : i32
    %scan3A_8 = arith.constant 1 : i32
    scf.for %scan3A_15 = %scan3A_5 to %scan3A_7 step %scan3A_8  : i32 {
      "tpu.region"() ({
        %run_scoped3A = tpu.sem_alloc : memref<!tpu.dma_semaphore, #tpu.memory_space<semaphore_mem>>
        %dma_start3A = arith.constant 0 : i32
        %dma_start3A_16 = tpu.memref_slice %arg6[%scan3A_15, %dma_start3A] : memref<82x128xi32, #tpu.memory_space<vmem>> -> memref<1x128xi32, #tpu.memory_space<vmem>>
        %dma_start3A_17 = tpu.memref_squeeze %dma_start3A_16 : memref<1x128xi32, #tpu.memory_space<vmem>> -> memref<128xi32, #tpu.memory_space<vmem>>
        %dma_start3A_18 = arith.constant 0 : i32
        %dma_start3A_19 = arith.constant 0 : i32
        %dma_start3A_20 = tpu.memref_slice %arg8[%dma_start3A_18, %dma_start3A_19] : memref<10112x16xf32, #tpu.memory_space<vmem_shared>> -> memref<10112x16xf32, #tpu.memory_space<vmem_shared>>
        tpu.enqueue_indirect_dma source(%arg7 : memref<128x16xf32, #tpu.memory_space<vmem>>) target(%dma_start3A_20 : memref<10112x16xf32, #tpu.memory_space<vmem_shared>>) offsets(%dma_start3A_17 : memref<128xi32, #tpu.memory_space<vmem>>) semaphore(%run_scoped3A : memref<!tpu.dma_semaphore, #tpu.memory_space<semaphore_mem>>) {add = true}
        %dma_wait3A = arith.constant 0 : i32
        %dma_wait3A_21 = tpu.memref_slice %arg6[%scan3A_15, %dma_wait3A] : memref<82x128xi32, #tpu.memory_space<vmem>> -> memref<1x128xi32, #tpu.memory_space<vmem>>
        %dma_wait3A_22 = tpu.memref_squeeze %dma_wait3A_21 : memref<1x128xi32, #tpu.memory_space<vmem>> -> memref<128xi32, #tpu.memory_space<vmem>>
        %dma_wait3A_23 = arith.constant 0 : i32
        %dma_wait3A_24 = arith.constant 0 : i32
        %dma_wait3A_25 = tpu.memref_slice %arg8[%dma_wait3A_23, %dma_wait3A_24] : memref<10112x16xf32, #tpu.memory_space<vmem_shared>> -> memref<10112x16xf32, #tpu.memory_space<vmem_shared>>
        tpu.wait_indirect_dma semaphore(%run_scoped3A : memref<!tpu.dma_semaphore, #tpu.memory_space<semaphore_mem>>) src(%arg7 : memref<128x16xf32, #tpu.memory_space<vmem>>) dst(%dma_wait3A_25 : memref<10112x16xf32, #tpu.memory_space<vmem_shared>>)
        tpu.yield
      }) : () -> ()
    }
    %scan3A_9 = arith.constant 82 : i32
    %barrier3A_10 = arith.constant 0 : index
    tpu.barrier barrier_id(%barrier3A_10)
    %mul3A_11 = arith.constant 632 : i32
    %mul3A_12 = arith.muli %arg1, %mul3A_11 : i32
    %mul3A_13 = arith.constant 632 : i32
    %mul3A_14 = arith.muli %arg1, %mul3A_13 : i32
    "tpu.region"() ({
      %run_scoped3A = tpu.sem_alloc : memref<!tpu.dma_semaphore, #tpu.memory_space<semaphore_mem>>
      %dma_start3A = arith.constant 0 : i32
      %dma_start3A_15 = tpu.memref_slice %arg5[%arg0, %mul3A_14, %dma_start3A] : memref<2x10112x16xf32, #tpu.memory_space<hbm>> -> memref<1x632x16xf32, #tpu.memory_space<hbm>>
      %dma_start3A_16 = tpu.memref_squeeze %dma_start3A_15 : memref<1x632x16xf32, #tpu.memory_space<hbm>> -> memref<632x16xf32, #tpu.memory_space<hbm>>
      %dma_start3A_17 = arith.constant 0 : i32
      %dma_start3A_18 = tpu.memref_slice %arg8[%mul3A_12, %dma_start3A_17] : memref<10112x16xf32, #tpu.memory_space<vmem_shared>> -> memref<632x16xf32, #tpu.memory_space<vmem_shared>>
      tpu.enqueue_dma source(%dma_start3A_18 : memref<632x16xf32, #tpu.memory_space<vmem_shared>>) target(%dma_start3A_16 : memref<632x16xf32, #tpu.memory_space<hbm>>) target_semaphore(%run_scoped3A : memref<!tpu.dma_semaphore, #tpu.memory_space<semaphore_mem>>)
      %dma_wait3A = arith.constant 0 : i32
      %dma_wait3A_19 = tpu.memref_slice %arg5[%arg0, %mul3A_14, %dma_wait3A] : memref<2x10112x16xf32, #tpu.memory_space<hbm>> -> memref<1x632x16xf32, #tpu.memory_space<hbm>>
      %dma_wait3A_20 = tpu.memref_squeeze %dma_wait3A_19 : memref<1x632x16xf32, #tpu.memory_space<hbm>> -> memref<632x16xf32, #tpu.memory_space<hbm>>
      %dma_wait3A_21 = arith.constant 0 : i32
      %dma_wait3A_22 = tpu.memref_slice %arg8[%mul3A_12, %dma_wait3A_21] : memref<10112x16xf32, #tpu.memory_space<vmem_shared>> -> memref<632x16xf32, #tpu.memory_space<vmem_shared>>
      tpu.wait_dma2 semaphore(%run_scoped3A : memref<!tpu.dma_semaphore, #tpu.memory_space<semaphore_mem>>) src(%dma_wait3A_22 : memref<632x16xf32, #tpu.memory_space<vmem_shared>>) dst(%dma_wait3A_20 : memref<632x16xf32, #tpu.memory_space<hbm>>)
      tpu.yield
    }) : () -> ()
    return
  }
}

#map = affine_map<(d0, d1) -> (0, 0, 0, 0)>
#map1 = affine_map<(d0, d1) -> (0, 0, 0)>
#map2 = affine_map<(d0, d1) -> (0, 0)>
module attributes {stable_mosaic.version = 14 : i64} {
  func.func @_scat_body(%arg0: i32, %arg1: i32, %arg2: memref<2x16x164x128xi32, #tpu.memory_space<hbm>>, %arg3: memref<16x164x128xi32, #tpu.memory_space<hbm>>, %arg4: memref<20224x64xf32, #tpu.memory_space<hbm>>, %arg5: memref<10112x64xf32, #tpu.memory_space<hbm>>, %arg6: memref<10112x128xf32, #tpu.memory_space<hbm>>, %arg7: memref<164x128xi32, #tpu.memory_space<vmem>>, %arg8: memref<164x128xi32, #tpu.memory_space<vmem>>, %arg9: memref<4x128x64xf32, #tpu.memory_space<vmem>>, %arg10: memref<!tpu.dma_semaphore, #tpu.memory_space<semaphore_mem>>, %arg11: memref<!tpu.dma_semaphore, #tpu.memory_space<semaphore_mem>>, %arg12: memref<!tpu.dma_semaphore, #tpu.memory_space<semaphore_mem>>, %arg13: memref<!tpu.dma_semaphore, #tpu.memory_space<semaphore_mem>>, %arg14: memref<!tpu.dma_semaphore, #tpu.memory_space<semaphore_mem>>, %arg15: memref<!tpu.dma_semaphore, #tpu.memory_space<semaphore_mem>>, %arg16: memref<!tpu.dma_semaphore, #tpu.memory_space<semaphore_mem>>, %arg17: memref<!tpu.dma_semaphore, #tpu.memory_space<semaphore_mem>>, %arg18: memref<10112x64xf32, #tpu.memory_space<vmem_shared>>) attributes {dimension_semantics = [#tpu.dimension_semantics<core_parallel>, #tpu.dimension_semantics<subcore_parallel>], iteration_bounds = array<i64: 2, 16>, scalar_prefetch = 0 : i64, scratch_operands = 12 : i64, tpu.core_type = #tpu.core_type<sc_vector_subcore>, window_params = [{transform_indices = #map}, {transform_indices = #map1}, {transform_indices = #map2}, {transform_indices = #map2}, {transform_indices = #map2}]} {
    "tpu.region"() ({
      %run_scoped3A = tpu.sem_alloc : memref<!tpu.dma_semaphore, #tpu.memory_space<semaphore_mem>>
      %dma_start3A_205 = arith.constant 0 : i32
      %dma_start3A_206 = arith.constant 0 : i32
      %dma_start3A_207 = tpu.memref_slice %arg2[%arg0, %arg1, %dma_start3A_205, %dma_start3A_206] : memref<2x16x164x128xi32, #tpu.memory_space<hbm>> -> memref<1x1x164x128xi32, #tpu.memory_space<hbm>>
      %dma_start3A_208 = tpu.memref_squeeze %dma_start3A_207 : memref<1x1x164x128xi32, #tpu.memory_space<hbm>> -> memref<164x128xi32, #tpu.memory_space<hbm>>
      %dma_start3A_209 = arith.constant 0 : i32
      %dma_start3A_210 = arith.constant 0 : i32
      %dma_start3A_211 = tpu.memref_slice %arg2[%arg0, %arg1, %dma_start3A_209, %dma_start3A_210] : memref<2x16x164x128xi32, #tpu.memory_space<hbm>> -> memref<1x1x164x128xi32, #tpu.memory_space<hbm>>
      %dma_start3A_212 = tpu.memref_squeeze %dma_start3A_211 : memref<1x1x164x128xi32, #tpu.memory_space<hbm>> -> memref<164x128xi32, #tpu.memory_space<hbm>>
      tpu.enqueue_dma source(%dma_start3A_212 : memref<164x128xi32, #tpu.memory_space<hbm>>) target(%arg7 : memref<164x128xi32, #tpu.memory_space<vmem>>) target_semaphore(%run_scoped3A : memref<!tpu.dma_semaphore, #tpu.memory_space<semaphore_mem>>)
      %dma_wait3A_213 = arith.constant 0 : i32
      %dma_wait3A_214 = arith.constant 0 : i32
      %dma_wait3A_215 = tpu.memref_slice %arg2[%arg0, %arg1, %dma_wait3A_213, %dma_wait3A_214] : memref<2x16x164x128xi32, #tpu.memory_space<hbm>> -> memref<1x1x164x128xi32, #tpu.memory_space<hbm>>
      %dma_wait3A_216 = tpu.memref_squeeze %dma_wait3A_215 : memref<1x1x164x128xi32, #tpu.memory_space<hbm>> -> memref<164x128xi32, #tpu.memory_space<hbm>>
      %dma_wait3A_217 = arith.constant 0 : i32
      %dma_wait3A_218 = arith.constant 0 : i32
      %dma_wait3A_219 = tpu.memref_slice %arg2[%arg0, %arg1, %dma_wait3A_217, %dma_wait3A_218] : memref<2x16x164x128xi32, #tpu.memory_space<hbm>> -> memref<1x1x164x128xi32, #tpu.memory_space<hbm>>
      %dma_wait3A_220 = tpu.memref_squeeze %dma_wait3A_219 : memref<1x1x164x128xi32, #tpu.memory_space<hbm>> -> memref<164x128xi32, #tpu.memory_space<hbm>>
      tpu.wait_dma2 semaphore(%run_scoped3A : memref<!tpu.dma_semaphore, #tpu.memory_space<semaphore_mem>>) src(%dma_wait3A_220 : memref<164x128xi32, #tpu.memory_space<hbm>>) dst(%arg7 : memref<164x128xi32, #tpu.memory_space<vmem>>)
      tpu.yield
    }) : () -> ()
    "tpu.region"() ({
      %run_scoped3A = tpu.sem_alloc : memref<!tpu.dma_semaphore, #tpu.memory_space<semaphore_mem>>
      %dma_start3A_205 = arith.constant 0 : i32
      %dma_start3A_206 = arith.constant 0 : i32
      %dma_start3A_207 = tpu.memref_slice %arg3[%arg1, %dma_start3A_205, %dma_start3A_206] : memref<16x164x128xi32, #tpu.memory_space<hbm>> -> memref<1x164x128xi32, #tpu.memory_space<hbm>>
      %dma_start3A_208 = tpu.memref_squeeze %dma_start3A_207 : memref<1x164x128xi32, #tpu.memory_space<hbm>> -> memref<164x128xi32, #tpu.memory_space<hbm>>
      %dma_start3A_209 = arith.constant 0 : i32
      %dma_start3A_210 = arith.constant 0 : i32
      %dma_start3A_211 = tpu.memref_slice %arg3[%arg1, %dma_start3A_209, %dma_start3A_210] : memref<16x164x128xi32, #tpu.memory_space<hbm>> -> memref<1x164x128xi32, #tpu.memory_space<hbm>>
      %dma_start3A_212 = tpu.memref_squeeze %dma_start3A_211 : memref<1x164x128xi32, #tpu.memory_space<hbm>> -> memref<164x128xi32, #tpu.memory_space<hbm>>
      tpu.enqueue_dma source(%dma_start3A_212 : memref<164x128xi32, #tpu.memory_space<hbm>>) target(%arg8 : memref<164x128xi32, #tpu.memory_space<vmem>>) target_semaphore(%run_scoped3A : memref<!tpu.dma_semaphore, #tpu.memory_space<semaphore_mem>>)
      %dma_wait3A_213 = arith.constant 0 : i32
      %dma_wait3A_214 = arith.constant 0 : i32
      %dma_wait3A_215 = tpu.memref_slice %arg3[%arg1, %dma_wait3A_213, %dma_wait3A_214] : memref<16x164x128xi32, #tpu.memory_space<hbm>> -> memref<1x164x128xi32, #tpu.memory_space<hbm>>
      %dma_wait3A_216 = tpu.memref_squeeze %dma_wait3A_215 : memref<1x164x128xi32, #tpu.memory_space<hbm>> -> memref<164x128xi32, #tpu.memory_space<hbm>>
      %dma_wait3A_217 = arith.constant 0 : i32
      %dma_wait3A_218 = arith.constant 0 : i32
      %dma_wait3A_219 = tpu.memref_slice %arg3[%arg1, %dma_wait3A_217, %dma_wait3A_218] : memref<16x164x128xi32, #tpu.memory_space<hbm>> -> memref<1x164x128xi32, #tpu.memory_space<hbm>>
      %dma_wait3A_220 = tpu.memref_squeeze %dma_wait3A_219 : memref<1x164x128xi32, #tpu.memory_space<hbm>> -> memref<164x128xi32, #tpu.memory_space<hbm>>
      tpu.wait_dma2 semaphore(%run_scoped3A : memref<!tpu.dma_semaphore, #tpu.memory_space<semaphore_mem>>) src(%dma_wait3A_220 : memref<164x128xi32, #tpu.memory_space<hbm>>) dst(%arg8 : memref<164x128xi32, #tpu.memory_space<vmem>>)
      tpu.yield
    }) : () -> ()
    %mul3A = arith.constant 632 : i32
    %mul3A_0 = arith.muli %arg1, %mul3A : i32
    %mul3A_1 = arith.constant 632 : i32
    %mul3A_2 = arith.muli %arg1, %mul3A_1 : i32
    "tpu.region"() ({
      %run_scoped3A = tpu.sem_alloc : memref<!tpu.dma_semaphore, #tpu.memory_space<semaphore_mem>>
      %dma_start3A_205 = arith.constant 0 : i32
      %dma_start3A_206 = tpu.memref_slice %arg18[%mul3A_2, %dma_start3A_205] : memref<10112x64xf32, #tpu.memory_space<vmem_shared>> -> memref<632x64xf32, #tpu.memory_space<vmem_shared>>
      %dma_start3A_207 = arith.constant 0 : i32
      %dma_start3A_208 = tpu.memref_slice %arg5[%mul3A_0, %dma_start3A_207] : memref<10112x64xf32, #tpu.memory_space<hbm>> -> memref<632x64xf32, #tpu.memory_space<hbm>>
      tpu.enqueue_dma source(%dma_start3A_208 : memref<632x64xf32, #tpu.memory_space<hbm>>) target(%dma_start3A_206 : memref<632x64xf32, #tpu.memory_space<vmem_shared>>) target_semaphore(%run_scoped3A : memref<!tpu.dma_semaphore, #tpu.memory_space<semaphore_mem>>)
      %dma_wait3A_209 = arith.constant 0 : i32
      %dma_wait3A_210 = tpu.memref_slice %arg18[%mul3A_2, %dma_wait3A_209] : memref<10112x64xf32, #tpu.memory_space<vmem_shared>> -> memref<632x64xf32, #tpu.memory_space<vmem_shared>>
      %dma_wait3A_211 = arith.constant 0 : i32
      %dma_wait3A_212 = tpu.memref_slice %arg5[%mul3A_0, %dma_wait3A_211] : memref<10112x64xf32, #tpu.memory_space<hbm>> -> memref<632x64xf32, #tpu.memory_space<hbm>>
      tpu.wait_dma2 semaphore(%run_scoped3A : memref<!tpu.dma_semaphore, #tpu.memory_space<semaphore_mem>>) src(%dma_wait3A_212 : memref<632x64xf32, #tpu.memory_space<hbm>>) dst(%dma_wait3A_210 : memref<632x64xf32, #tpu.memory_space<vmem_shared>>)
      tpu.yield
    }) : () -> ()
    %barrier3A = arith.constant 0 : index
    tpu.barrier barrier_id(%barrier3A)
    %dma_start3A = arith.constant 0 : i32
    %dma_start3A_3 = arith.constant 0 : i32
    %dma_start3A_4 = arith.constant 0 : i32
    %dma_start3A_5 = arith.constant 0 : i32
    %dma_start3A_6 = tpu.memref_slice %arg9[%dma_start3A_3, %dma_start3A_4, %dma_start3A_5] : memref<4x128x64xf32, #tpu.memory_space<vmem>> -> memref<1x128x64xf32, #tpu.memory_space<vmem>>
    %dma_start3A_7 = tpu.memref_squeeze %dma_start3A_6 : memref<1x128x64xf32, #tpu.memory_space<vmem>> -> memref<128x64xf32, #tpu.memory_space<vmem>>
    %dma_start3A_8 = arith.constant 0 : i32
    %dma_start3A_9 = tpu.memref_slice %arg7[%dma_start3A, %dma_start3A_8] : memref<164x128xi32, #tpu.memory_space<vmem>> -> memref<1x128xi32, #tpu.memory_space<vmem>>
    %dma_start3A_10 = tpu.memref_squeeze %dma_start3A_9 : memref<1x128xi32, #tpu.memory_space<vmem>> -> memref<128xi32, #tpu.memory_space<vmem>>
    %dma_start3A_11 = arith.constant 0 : i32
    %dma_start3A_12 = arith.constant 0 : i32
    %dma_start3A_13 = tpu.memref_slice %arg4[%dma_start3A_11, %dma_start3A_12] : memref<20224x64xf32, #tpu.memory_space<hbm>> -> memref<20224x64xf32, #tpu.memory_space<hbm>>
    tpu.enqueue_indirect_dma source(%dma_start3A_13 : memref<20224x64xf32, #tpu.memory_space<hbm>>) target(%dma_start3A_7 : memref<128x64xf32, #tpu.memory_space<vmem>>) offsets(%dma_start3A_10 : memref<128xi32, #tpu.memory_space<vmem>>) semaphore(%arg10 : memref<!tpu.dma_semaphore, #tpu.memory_space<semaphore_mem>>)
    %dma_start3A_14 = arith.constant 1 : i32
    %dma_start3A_15 = arith.constant 1 : i32
    %dma_start3A_16 = arith.constant 0 : i32
    %dma_start3A_17 = arith.constant 0 : i32
    %dma_start3A_18 = tpu.memref_slice %arg9[%dma_start3A_15, %dma_start3A_16, %dma_start3A_17] : memref<4x128x64xf32, #tpu.memory_space<vmem>> -> memref<1x128x64xf32, #tpu.memory_space<vmem>>
    %dma_start3A_19 = tpu.memref_squeeze %dma_start3A_18 : memref<1x128x64xf32, #tpu.memory_space<vmem>> -> memref<128x64xf32, #tpu.memory_space<vmem>>
    %dma_start3A_20 = arith.constant 0 : i32
    %dma_start3A_21 = tpu.memref_slice %arg7[%dma_start3A_14, %dma_start3A_20] : memref<164x128xi32, #tpu.memory_space<vmem>> -> memref<1x128xi32, #tpu.memory_space<vmem>>
    %dma_start3A_22 = tpu.memref_squeeze %dma_start3A_21 : memref<1x128xi32, #tpu.memory_space<vmem>> -> memref<128xi32, #tpu.memory_space<vmem>>
    %dma_start3A_23 = arith.constant 0 : i32
    %dma_start3A_24 = arith.constant 0 : i32
    %dma_start3A_25 = tpu.memref_slice %arg4[%dma_start3A_23, %dma_start3A_24] : memref<20224x64xf32, #tpu.memory_space<hbm>> -> memref<20224x64xf32, #tpu.memory_space<hbm>>
    tpu.enqueue_indirect_dma source(%dma_start3A_25 : memref<20224x64xf32, #tpu.memory_space<hbm>>) target(%dma_start3A_19 : memref<128x64xf32, #tpu.memory_space<vmem>>) offsets(%dma_start3A_22 : memref<128xi32, #tpu.memory_space<vmem>>) semaphore(%arg11 : memref<!tpu.dma_semaphore, #tpu.memory_space<semaphore_mem>>)
    %dma_wait3A = arith.constant 0 : i32
    %dma_wait3A_26 = arith.constant 0 : i32
    %dma_wait3A_27 = arith.constant 0 : i32
    %dma_wait3A_28 = arith.constant 0 : i32
    %dma_wait3A_29 = tpu.memref_slice %arg9[%dma_wait3A_26, %dma_wait3A_27, %dma_wait3A_28] : memref<4x128x64xf32, #tpu.memory_space<vmem>> -> memref<1x128x64xf32, #tpu.memory_space<vmem>>
    %dma_wait3A_30 = tpu.memref_squeeze %dma_wait3A_29 : memref<1x128x64xf32, #tpu.memory_space<vmem>> -> memref<128x64xf32, #tpu.memory_space<vmem>>
    %dma_wait3A_31 = arith.constant 0 : i32
    %dma_wait3A_32 = tpu.memref_slice %arg7[%dma_wait3A, %dma_wait3A_31] : memref<164x128xi32, #tpu.memory_space<vmem>> -> memref<1x128xi32, #tpu.memory_space<vmem>>
    %dma_wait3A_33 = tpu.memref_squeeze %dma_wait3A_32 : memref<1x128xi32, #tpu.memory_space<vmem>> -> memref<128xi32, #tpu.memory_space<vmem>>
    %dma_wait3A_34 = arith.constant 0 : i32
    %dma_wait3A_35 = arith.constant 0 : i32
    %dma_wait3A_36 = tpu.memref_slice %arg4[%dma_wait3A_34, %dma_wait3A_35] : memref<20224x64xf32, #tpu.memory_space<hbm>> -> memref<20224x64xf32, #tpu.memory_space<hbm>>
    tpu.wait_indirect_dma semaphore(%arg10 : memref<!tpu.dma_semaphore, #tpu.memory_space<semaphore_mem>>) src(%dma_wait3A_36 : memref<20224x64xf32, #tpu.memory_space<hbm>>) dst(%dma_wait3A_30 : memref<128x64xf32, #tpu.memory_space<vmem>>)
    %dma_start3A_37 = arith.constant 0 : i32
    %dma_start3A_38 = arith.constant 0 : i32
    %dma_start3A_39 = arith.constant 0 : i32
    %dma_start3A_40 = arith.constant 0 : i32
    %dma_start3A_41 = tpu.memref_slice %arg9[%dma_start3A_37, %dma_start3A_39, %dma_start3A_40] : memref<4x128x64xf32, #tpu.memory_space<vmem>> -> memref<1x128x64xf32, #tpu.memory_space<vmem>>
    %dma_start3A_42 = tpu.memref_squeeze %dma_start3A_41 : memref<1x128x64xf32, #tpu.memory_space<vmem>> -> memref<128x64xf32, #tpu.memory_space<vmem>>
    %dma_start3A_43 = arith.constant 0 : i32
    %dma_start3A_44 = tpu.memref_slice %arg8[%dma_start3A_38, %dma_start3A_43] : memref<164x128xi32, #tpu.memory_space<vmem>> -> memref<1x128xi32, #tpu.memory_space<vmem>>
    %dma_start3A_45 = tpu.memref_squeeze %dma_start3A_44 : memref<1x128xi32, #tpu.memory_space<vmem>> -> memref<128xi32, #tpu.memory_space<vmem>>
    %dma_start3A_46 = arith.constant 0 : i32
    %dma_start3A_47 = arith.constant 0 : i32
    %dma_start3A_48 = tpu.memref_slice %arg18[%dma_start3A_46, %dma_start3A_47] : memref<10112x64xf32, #tpu.memory_space<vmem_shared>> -> memref<10112x64xf32, #tpu.memory_space<vmem_shared>>
    tpu.enqueue_indirect_dma source(%dma_start3A_42 : memref<128x64xf32, #tpu.memory_space<vmem>>) target(%dma_start3A_48 : memref<10112x64xf32, #tpu.memory_space<vmem_shared>>) offsets(%dma_start3A_45 : memref<128xi32, #tpu.memory_space<vmem>>) semaphore(%arg14 : memref<!tpu.dma_semaphore, #tpu.memory_space<semaphore_mem>>) {add = true}
    %dma_start3A_49 = arith.constant 2 : i32
    %dma_start3A_50 = arith.constant 2 : i32
    %dma_start3A_51 = arith.constant 0 : i32
    %dma_start3A_52 = arith.constant 0 : i32
    %dma_start3A_53 = tpu.memref_slice %arg9[%dma_start3A_50, %dma_start3A_51, %dma_start3A_52] : memref<4x128x64xf32, #tpu.memory_space<vmem>> -> memref<1x128x64xf32, #tpu.memory_space<vmem>>
    %dma_start3A_54 = tpu.memref_squeeze %dma_start3A_53 : memref<1x128x64xf32, #tpu.memory_space<vmem>> -> memref<128x64xf32, #tpu.memory_space<vmem>>
    %dma_start3A_55 = arith.constant 0 : i32
    %dma_start3A_56 = tpu.memref_slice %arg7[%dma_start3A_49, %dma_start3A_55] : memref<164x128xi32, #tpu.memory_space<vmem>> -> memref<1x128xi32, #tpu.memory_space<vmem>>
    %dma_start3A_57 = tpu.memref_squeeze %dma_start3A_56 : memref<1x128xi32, #tpu.memory_space<vmem>> -> memref<128xi32, #tpu.memory_space<vmem>>
    %dma_start3A_58 = arith.constant 0 : i32
    %dma_start3A_59 = arith.constant 0 : i32
    %dma_start3A_60 = tpu.memref_slice %arg4[%dma_start3A_58, %dma_start3A_59] : memref<20224x64xf32, #tpu.memory_space<hbm>> -> memref<20224x64xf32, #tpu.memory_space<hbm>>
    tpu.enqueue_indirect_dma source(%dma_start3A_60 : memref<20224x64xf32, #tpu.memory_space<hbm>>) target(%dma_start3A_54 : memref<128x64xf32, #tpu.memory_space<vmem>>) offsets(%dma_start3A_57 : memref<128xi32, #tpu.memory_space<vmem>>) semaphore(%arg12 : memref<!tpu.dma_semaphore, #tpu.memory_space<semaphore_mem>>)
    %dma_wait3A_61 = arith.constant 1 : i32
    %dma_wait3A_62 = arith.constant 1 : i32
    %dma_wait3A_63 = arith.constant 0 : i32
    %dma_wait3A_64 = arith.constant 0 : i32
    %dma_wait3A_65 = tpu.memref_slice %arg9[%dma_wait3A_62, %dma_wait3A_63, %dma_wait3A_64] : memref<4x128x64xf32, #tpu.memory_space<vmem>> -> memref<1x128x64xf32, #tpu.memory_space<vmem>>
    %dma_wait3A_66 = tpu.memref_squeeze %dma_wait3A_65 : memref<1x128x64xf32, #tpu.memory_space<vmem>> -> memref<128x64xf32, #tpu.memory_space<vmem>>
    %dma_wait3A_67 = arith.constant 0 : i32
    %dma_wait3A_68 = tpu.memref_slice %arg7[%dma_wait3A_61, %dma_wait3A_67] : memref<164x128xi32, #tpu.memory_space<vmem>> -> memref<1x128xi32, #tpu.memory_space<vmem>>
    %dma_wait3A_69 = tpu.memref_squeeze %dma_wait3A_68 : memref<1x128xi32, #tpu.memory_space<vmem>> -> memref<128xi32, #tpu.memory_space<vmem>>
    %dma_wait3A_70 = arith.constant 0 : i32
    %dma_wait3A_71 = arith.constant 0 : i32
    %dma_wait3A_72 = tpu.memref_slice %arg4[%dma_wait3A_70, %dma_wait3A_71] : memref<20224x64xf32, #tpu.memory_space<hbm>> -> memref<20224x64xf32, #tpu.memory_space<hbm>>
    tpu.wait_indirect_dma semaphore(%arg11 : memref<!tpu.dma_semaphore, #tpu.memory_space<semaphore_mem>>) src(%dma_wait3A_72 : memref<20224x64xf32, #tpu.memory_space<hbm>>) dst(%dma_wait3A_66 : memref<128x64xf32, #tpu.memory_space<vmem>>)
    %dma_start3A_73 = arith.constant 1 : i32
    %dma_start3A_74 = arith.constant 1 : i32
    %dma_start3A_75 = arith.constant 0 : i32
    %dma_start3A_76 = arith.constant 0 : i32
    %dma_start3A_77 = tpu.memref_slice %arg9[%dma_start3A_73, %dma_start3A_75, %dma_start3A_76] : memref<4x128x64xf32, #tpu.memory_space<vmem>> -> memref<1x128x64xf32, #tpu.memory_space<vmem>>
    %dma_start3A_78 = tpu.memref_squeeze %dma_start3A_77 : memref<1x128x64xf32, #tpu.memory_space<vmem>> -> memref<128x64xf32, #tpu.memory_space<vmem>>
    %dma_start3A_79 = arith.constant 0 : i32
    %dma_start3A_80 = tpu.memref_slice %arg8[%dma_start3A_74, %dma_start3A_79] : memref<164x128xi32, #tpu.memory_space<vmem>> -> memref<1x128xi32, #tpu.memory_space<vmem>>
    %dma_start3A_81 = tpu.memref_squeeze %dma_start3A_80 : memref<1x128xi32, #tpu.memory_space<vmem>> -> memref<128xi32, #tpu.memory_space<vmem>>
    %dma_start3A_82 = arith.constant 0 : i32
    %dma_start3A_83 = arith.constant 0 : i32
    %dma_start3A_84 = tpu.memref_slice %arg18[%dma_start3A_82, %dma_start3A_83] : memref<10112x64xf32, #tpu.memory_space<vmem_shared>> -> memref<10112x64xf32, #tpu.memory_space<vmem_shared>>
    tpu.enqueue_indirect_dma source(%dma_start3A_78 : memref<128x64xf32, #tpu.memory_space<vmem>>) target(%dma_start3A_84 : memref<10112x64xf32, #tpu.memory_space<vmem_shared>>) offsets(%dma_start3A_81 : memref<128xi32, #tpu.memory_space<vmem>>) semaphore(%arg15 : memref<!tpu.dma_semaphore, #tpu.memory_space<semaphore_mem>>) {add = true}
    %dma_start3A_85 = arith.constant 3 : i32
    %dma_start3A_86 = arith.constant 3 : i32
    %dma_start3A_87 = arith.constant 0 : i32
    %dma_start3A_88 = arith.constant 0 : i32
    %dma_start3A_89 = tpu.memref_slice %arg9[%dma_start3A_86, %dma_start3A_87, %dma_start3A_88] : memref<4x128x64xf32, #tpu.memory_space<vmem>> -> memref<1x128x64xf32, #tpu.memory_space<vmem>>
    %dma_start3A_90 = tpu.memref_squeeze %dma_start3A_89 : memref<1x128x64xf32, #tpu.memory_space<vmem>> -> memref<128x64xf32, #tpu.memory_space<vmem>>
    %dma_start3A_91 = arith.constant 0 : i32
    %dma_start3A_92 = tpu.memref_slice %arg7[%dma_start3A_85, %dma_start3A_91] : memref<164x128xi32, #tpu.memory_space<vmem>> -> memref<1x128xi32, #tpu.memory_space<vmem>>
    %dma_start3A_93 = tpu.memref_squeeze %dma_start3A_92 : memref<1x128xi32, #tpu.memory_space<vmem>> -> memref<128xi32, #tpu.memory_space<vmem>>
    %dma_start3A_94 = arith.constant 0 : i32
    %dma_start3A_95 = arith.constant 0 : i32
    %dma_start3A_96 = tpu.memref_slice %arg4[%dma_start3A_94, %dma_start3A_95] : memref<20224x64xf32, #tpu.memory_space<hbm>> -> memref<20224x64xf32, #tpu.memory_space<hbm>>
    tpu.enqueue_indirect_dma source(%dma_start3A_96 : memref<20224x64xf32, #tpu.memory_space<hbm>>) target(%dma_start3A_90 : memref<128x64xf32, #tpu.memory_space<vmem>>) offsets(%dma_start3A_93 : memref<128xi32, #tpu.memory_space<vmem>>) semaphore(%arg13 : memref<!tpu.dma_semaphore, #tpu.memory_space<semaphore_mem>>)
    %scan3A = arith.constant 0 : i32
    %scan3A_97 = arith.constant 0 : i32
    %scan3A_98 = arith.constant 40 : i32
    %scan3A_99 = arith.addi %scan3A_97, %scan3A_98 : i32
    %scan3A_100 = arith.constant 1 : i32
    scf.for %scan3A_205 = %scan3A_97 to %scan3A_99 step %scan3A_100  : i32 {
      %mul3A_206 = arith.constant 4 : i32
      %mul3A_207 = arith.muli %mul3A_206, %scan3A_205 : i32
      %add3A = arith.constant 2 : i32
      %add3A_208 = arith.addi %mul3A_207, %add3A : i32
      %add3A_209 = arith.constant 0 : i32
      %add3A_210 = arith.addi %add3A_208, %add3A_209 : i32
      %dma_wait3A_211 = arith.constant 2 : i32
      %dma_wait3A_212 = arith.constant 0 : i32
      %dma_wait3A_213 = arith.constant 0 : i32
      %dma_wait3A_214 = tpu.memref_slice %arg9[%dma_wait3A_211, %dma_wait3A_212, %dma_wait3A_213] : memref<4x128x64xf32, #tpu.memory_space<vmem>> -> memref<1x128x64xf32, #tpu.memory_space<vmem>>
      %dma_wait3A_215 = tpu.memref_squeeze %dma_wait3A_214 : memref<1x128x64xf32, #tpu.memory_space<vmem>> -> memref<128x64xf32, #tpu.memory_space<vmem>>
      %dma_wait3A_216 = arith.constant 0 : i32
      %dma_wait3A_217 = tpu.memref_slice %arg7[%add3A_210, %dma_wait3A_216] : memref<164x128xi32, #tpu.memory_space<vmem>> -> memref<1x128xi32, #tpu.memory_space<vmem>>
      %dma_wait3A_218 = tpu.memref_squeeze %dma_wait3A_217 : memref<1x128xi32, #tpu.memory_space<vmem>> -> memref<128xi32, #tpu.memory_space<vmem>>
      %dma_wait3A_219 = arith.constant 0 : i32
      %dma_wait3A_220 = arith.constant 0 : i32
      %dma_wait3A_221 = tpu.memref_slice %arg4[%dma_wait3A_219, %dma_wait3A_220] : memref<20224x64xf32, #tpu.memory_space<hbm>> -> memref<20224x64xf32, #tpu.memory_space<hbm>>
      tpu.wait_indirect_dma semaphore(%arg12 : memref<!tpu.dma_semaphore, #tpu.memory_space<semaphore_mem>>) src(%dma_wait3A_221 : memref<20224x64xf32, #tpu.memory_space<hbm>>) dst(%dma_wait3A_215 : memref<128x64xf32, #tpu.memory_space<vmem>>)
      %dma_start3A_222 = arith.constant 2 : i32
      %dma_start3A_223 = arith.constant 0 : i32
      %dma_start3A_224 = arith.constant 0 : i32
      %dma_start3A_225 = tpu.memref_slice %arg9[%dma_start3A_222, %dma_start3A_223, %dma_start3A_224] : memref<4x128x64xf32, #tpu.memory_space<vmem>> -> memref<1x128x64xf32, #tpu.memory_space<vmem>>
      %dma_start3A_226 = tpu.memref_squeeze %dma_start3A_225 : memref<1x128x64xf32, #tpu.memory_space<vmem>> -> memref<128x64xf32, #tpu.memory_space<vmem>>
      %dma_start3A_227 = arith.constant 0 : i32
      %dma_start3A_228 = tpu.memref_slice %arg8[%add3A_210, %dma_start3A_227] : memref<164x128xi32, #tpu.memory_space<vmem>> -> memref<1x128xi32, #tpu.memory_space<vmem>>
      %dma_start3A_229 = tpu.memref_squeeze %dma_start3A_228 : memref<1x128xi32, #tpu.memory_space<vmem>> -> memref<128xi32, #tpu.memory_space<vmem>>
      %dma_start3A_230 = arith.constant 0 : i32
      %dma_start3A_231 = arith.constant 0 : i32
      %dma_start3A_232 = tpu.memref_slice %arg18[%dma_start3A_230, %dma_start3A_231] : memref<10112x64xf32, #tpu.memory_space<vmem_shared>> -> memref<10112x64xf32, #tpu.memory_space<vmem_shared>>
      tpu.enqueue_indirect_dma source(%dma_start3A_226 : memref<128x64xf32, #tpu.memory_space<vmem>>) target(%dma_start3A_232 : memref<10112x64xf32, #tpu.memory_space<vmem_shared>>) offsets(%dma_start3A_229 : memref<128xi32, #tpu.memory_space<vmem>>) semaphore(%arg16 : memref<!tpu.dma_semaphore, #tpu.memory_space<semaphore_mem>>) {add = true}
      %sub3A = arith.constant 2 : i32
      %sub3A_233 = arith.subi %add3A_210, %sub3A : i32
      %dma_wait3A_234 = arith.constant 0 : i32
      %dma_wait3A_235 = arith.constant 0 : i32
      %dma_wait3A_236 = arith.constant 0 : i32
      %dma_wait3A_237 = tpu.memref_slice %arg9[%dma_wait3A_234, %dma_wait3A_235, %dma_wait3A_236] : memref<4x128x64xf32, #tpu.memory_space<vmem>> -> memref<1x128x64xf32, #tpu.memory_space<vmem>>
      %dma_wait3A_238 = tpu.memref_squeeze %dma_wait3A_237 : memref<1x128x64xf32, #tpu.memory_space<vmem>> -> memref<128x64xf32, #tpu.memory_space<vmem>>
      %dma_wait3A_239 = arith.constant 0 : i32
      %dma_wait3A_240 = tpu.memref_slice %arg8[%sub3A_233, %dma_wait3A_239] : memref<164x128xi32, #tpu.memory_space<vmem>> -> memref<1x128xi32, #tpu.memory_space<vmem>>
      %dma_wait3A_241 = tpu.memref_squeeze %dma_wait3A_240 : memref<1x128xi32, #tpu.memory_space<vmem>> -> memref<128xi32, #tpu.memory_space<vmem>>
      %dma_wait3A_242 = arith.constant 0 : i32
      %dma_wait3A_243 = arith.constant 0 : i32
      %dma_wait3A_244 = tpu.memref_slice %arg18[%dma_wait3A_242, %dma_wait3A_243] : memref<10112x64xf32, #tpu.memory_space<vmem_shared>> -> memref<10112x64xf32, #tpu.memory_space<vmem_shared>>
      tpu.wait_indirect_dma semaphore(%arg14 : memref<!tpu.dma_semaphore, #tpu.memory_space<semaphore_mem>>) src(%dma_wait3A_238 : memref<128x64xf32, #tpu.memory_space<vmem>>) dst(%dma_wait3A_244 : memref<10112x64xf32, #tpu.memory_space<vmem_shared>>)
      %add3A_245 = arith.constant 2 : i32
      %add3A_246 = arith.addi %add3A_210, %add3A_245 : i32
      %dma_start3A_247 = arith.constant 0 : i32
      %dma_start3A_248 = arith.constant 0 : i32
      %dma_start3A_249 = arith.constant 0 : i32
      %dma_start3A_250 = tpu.memref_slice %arg9[%dma_start3A_247, %dma_start3A_248, %dma_start3A_249] : memref<4x128x64xf32, #tpu.memory_space<vmem>> -> memref<1x128x64xf32, #tpu.memory_space<vmem>>
      %dma_start3A_251 = tpu.memref_squeeze %dma_start3A_250 : memref<1x128x64xf32, #tpu.memory_space<vmem>> -> memref<128x64xf32, #tpu.memory_space<vmem>>
      %dma_start3A_252 = arith.constant 0 : i32
      %dma_start3A_253 = tpu.memref_slice %arg7[%add3A_246, %dma_start3A_252] : memref<164x128xi32, #tpu.memory_space<vmem>> -> memref<1x128xi32, #tpu.memory_space<vmem>>
      %dma_start3A_254 = tpu.memref_squeeze %dma_start3A_253 : memref<1x128xi32, #tpu.memory_space<vmem>> -> memref<128xi32, #tpu.memory_space<vmem>>
      %dma_start3A_255 = arith.constant 0 : i32
      %dma_start3A_256 = arith.constant 0 : i32
      %dma_start3A_257 = tpu.memref_slice %arg4[%dma_start3A_255, %dma_start3A_256] : memref<20224x64xf32, #tpu.memory_space<hbm>> -> memref<20224x64xf32, #tpu.memory_space<hbm>>
      tpu.enqueue_indirect_dma source(%dma_start3A_257 : memref<20224x64xf32, #tpu.memory_space<hbm>>) target(%dma_start3A_251 : memref<128x64xf32, #tpu.memory_space<vmem>>) offsets(%dma_start3A_254 : memref<128xi32, #tpu.memory_space<vmem>>) semaphore(%arg10 : memref<!tpu.dma_semaphore, #tpu.memory_space<semaphore_mem>>)
      %mul3A_258 = arith.constant 4 : i32
      %mul3A_259 = arith.muli %mul3A_258, %scan3A_205 : i32
      %add3A_260 = arith.constant 2 : i32
      %add3A_261 = arith.addi %mul3A_259, %add3A_260 : i32
      %add3A_262 = arith.constant 1 : i32
      %add3A_263 = arith.addi %add3A_261, %add3A_262 : i32
      %dma_wait3A_264 = arith.constant 3 : i32
      %dma_wait3A_265 = arith.constant 0 : i32
      %dma_wait3A_266 = arith.constant 0 : i32
      %dma_wait3A_267 = tpu.memref_slice %arg9[%dma_wait3A_264, %dma_wait3A_265, %dma_wait3A_266] : memref<4x128x64xf32, #tpu.memory_space<vmem>> -> memref<1x128x64xf32, #tpu.memory_space<vmem>>
      %dma_wait3A_268 = tpu.memref_squeeze %dma_wait3A_267 : memref<1x128x64xf32, #tpu.memory_space<vmem>> -> memref<128x64xf32, #tpu.memory_space<vmem>>
      %dma_wait3A_269 = arith.constant 0 : i32
      %dma_wait3A_270 = tpu.memref_slice %arg7[%add3A_263, %dma_wait3A_269] : memref<164x128xi32, #tpu.memory_space<vmem>> -> memref<1x128xi32, #tpu.memory_space<vmem>>
      %dma_wait3A_271 = tpu.memref_squeeze %dma_wait3A_270 : memref<1x128xi32, #tpu.memory_space<vmem>> -> memref<128xi32, #tpu.memory_space<vmem>>
      %dma_wait3A_272 = arith.constant 0 : i32
      %dma_wait3A_273 = arith.constant 0 : i32
      %dma_wait3A_274 = tpu.memref_slice %arg4[%dma_wait3A_272, %dma_wait3A_273] : memref<20224x64xf32, #tpu.memory_space<hbm>> -> memref<20224x64xf32, #tpu.memory_space<hbm>>
      tpu.wait_indirect_dma semaphore(%arg13 : memref<!tpu.dma_semaphore, #tpu.memory_space<semaphore_mem>>) src(%dma_wait3A_274 : memref<20224x64xf32, #tpu.memory_space<hbm>>) dst(%dma_wait3A_268 : memref<128x64xf32, #tpu.memory_space<vmem>>)
      %dma_start3A_275 = arith.constant 3 : i32
      %dma_start3A_276 = arith.constant 0 : i32
      %dma_start3A_277 = arith.constant 0 : i32
      %dma_start3A_278 = tpu.memref_slice %arg9[%dma_start3A_275, %dma_start3A_276, %dma_start3A_277] : memref<4x128x64xf32, #tpu.memory_space<vmem>> -> memref<1x128x64xf32, #tpu.memory_space<vmem>>
      %dma_start3A_279 = tpu.memref_squeeze %dma_start3A_278 : memref<1x128x64xf32, #tpu.memory_space<vmem>> -> memref<128x64xf32, #tpu.memory_space<vmem>>
      %dma_start3A_280 = arith.constant 0 : i32
      %dma_start3A_281 = tpu.memref_slice %arg8[%add3A_263, %dma_start3A_280] : memref<164x128xi32, #tpu.memory_space<vmem>> -> memref<1x128xi32, #tpu.memory_space<vmem>>
      %dma_start3A_282 = tpu.memref_squeeze %dma_start3A_281 : memref<1x128xi32, #tpu.memory_space<vmem>> -> memref<128xi32, #tpu.memory_space<vmem>>
      %dma_start3A_283 = arith.constant 0 : i32
      %dma_start3A_284 = arith.constant 0 : i32
      %dma_start3A_285 = tpu.memref_slice %arg18[%dma_start3A_283, %dma_start3A_284] : memref<10112x64xf32, #tpu.memory_space<vmem_shared>> -> memref<10112x64xf32, #tpu.memory_space<vmem_shared>>
      tpu.enqueue_indirect_dma source(%dma_start3A_279 : memref<128x64xf32, #tpu.memory_space<vmem>>) target(%dma_start3A_285 : memref<10112x64xf32, #tpu.memory_space<vmem_shared>>) offsets(%dma_start3A_282 : memref<128xi32, #tpu.memory_space<vmem>>) semaphore(%arg17 : memref<!tpu.dma_semaphore, #tpu.memory_space<semaphore_mem>>) {add = true}
      %sub3A_286 = arith.constant 2 : i32
      %sub3A_287 = arith.subi %add3A_263, %sub3A_286 : i32
      %dma_wait3A_288 = arith.constant 1 : i32
      %dma_wait3A_289 = arith.constant 0 : i32
      %dma_wait3A_290 = arith.constant 0 : i32
      %dma_wait3A_291 = tpu.memref_slice %arg9[%dma_wait3A_288, %dma_wait3A_289, %dma_wait3A_290] : memref<4x128x64xf32, #tpu.memory_space<vmem>> -> memref<1x128x64xf32, #tpu.memory_space<vmem>>
      %dma_wait3A_292 = tpu.memref_squeeze %dma_wait3A_291 : memref<1x128x64xf32, #tpu.memory_space<vmem>> -> memref<128x64xf32, #tpu.memory_space<vmem>>
      %dma_wait3A_293 = arith.constant 0 : i32
      %dma_wait3A_294 = tpu.memref_slice %arg8[%sub3A_287, %dma_wait3A_293] : memref<164x128xi32, #tpu.memory_space<vmem>> -> memref<1x128xi32, #tpu.memory_space<vmem>>
      %dma_wait3A_295 = tpu.memref_squeeze %dma_wait3A_294 : memref<1x128xi32, #tpu.memory_space<vmem>> -> memref<128xi32, #tpu.memory_space<vmem>>
      %dma_wait3A_296 = arith.constant 0 : i32
      %dma_wait3A_297 = arith.constant 0 : i32
      %dma_wait3A_298 = tpu.memref_slice %arg18[%dma_wait3A_296, %dma_wait3A_297] : memref<10112x64xf32, #tpu.memory_space<vmem_shared>> -> memref<10112x64xf32, #tpu.memory_space<vmem_shared>>
      tpu.wait_indirect_dma semaphore(%arg15 : memref<!tpu.dma_semaphore, #tpu.memory_space<semaphore_mem>>) src(%dma_wait3A_292 : memref<128x64xf32, #tpu.memory_space<vmem>>) dst(%dma_wait3A_298 : memref<10112x64xf32, #tpu.memory_space<vmem_shared>>)
      %add3A_299 = arith.constant 2 : i32
      %add3A_300 = arith.addi %add3A_263, %add3A_299 : i32
      %dma_start3A_301 = arith.constant 1 : i32
      %dma_start3A_302 = arith.constant 0 : i32
      %dma_start3A_303 = arith.constant 0 : i32
      %dma_start3A_304 = tpu.memref_slice %arg9[%dma_start3A_301, %dma_start3A_302, %dma_start3A_303] : memref<4x128x64xf32, #tpu.memory_space<vmem>> -> memref<1x128x64xf32, #tpu.memory_space<vmem>>
      %dma_start3A_305 = tpu.memref_squeeze %dma_start3A_304 : memref<1x128x64xf32, #tpu.memory_space<vmem>> -> memref<128x64xf32, #tpu.memory_space<vmem>>
      %dma_start3A_306 = arith.constant 0 : i32
      %dma_start3A_307 = tpu.memref_slice %arg7[%add3A_300, %dma_start3A_306] : memref<164x128xi32, #tpu.memory_space<vmem>> -> memref<1x128xi32, #tpu.memory_space<vmem>>
      %dma_start3A_308 = tpu.memref_squeeze %dma_start3A_307 : memref<1x128xi32, #tpu.memory_space<vmem>> -> memref<128xi32, #tpu.memory_space<vmem>>
      %dma_start3A_309 = arith.constant 0 : i32
      %dma_start3A_310 = arith.constant 0 : i32
      %dma_start3A_311 = tpu.memref_slice %arg4[%dma_start3A_309, %dma_start3A_310] : memref<20224x64xf32, #tpu.memory_space<hbm>> -> memref<20224x64xf32, #tpu.memory_space<hbm>>
      tpu.enqueue_indirect_dma source(%dma_start3A_311 : memref<20224x64xf32, #tpu.memory_space<hbm>>) target(%dma_start3A_305 : memref<128x64xf32, #tpu.memory_space<vmem>>) offsets(%dma_start3A_308 : memref<128xi32, #tpu.memory_space<vmem>>) semaphore(%arg11 : memref<!tpu.dma_semaphore, #tpu.memory_space<semaphore_mem>>)
      %mul3A_312 = arith.constant 4 : i32
      %mul3A_313 = arith.muli %mul3A_312, %scan3A_205 : i32
      %add3A_314 = arith.constant 2 : i32
      %add3A_315 = arith.addi %mul3A_313, %add3A_314 : i32
      %add3A_316 = arith.constant 2 : i32
      %add3A_317 = arith.addi %add3A_315, %add3A_316 : i32
      %dma_wait3A_318 = arith.constant 0 : i32
      %dma_wait3A_319 = arith.constant 0 : i32
      %dma_wait3A_320 = arith.constant 0 : i32
      %dma_wait3A_321 = tpu.memref_slice %arg9[%dma_wait3A_318, %dma_wait3A_319, %dma_wait3A_320] : memref<4x128x64xf32, #tpu.memory_space<vmem>> -> memref<1x128x64xf32, #tpu.memory_space<vmem>>
      %dma_wait3A_322 = tpu.memref_squeeze %dma_wait3A_321 : memref<1x128x64xf32, #tpu.memory_space<vmem>> -> memref<128x64xf32, #tpu.memory_space<vmem>>
      %dma_wait3A_323 = arith.constant 0 : i32
      %dma_wait3A_324 = tpu.memref_slice %arg7[%add3A_317, %dma_wait3A_323] : memref<164x128xi32, #tpu.memory_space<vmem>> -> memref<1x128xi32, #tpu.memory_space<vmem>>
      %dma_wait3A_325 = tpu.memref_squeeze %dma_wait3A_324 : memref<1x128xi32, #tpu.memory_space<vmem>> -> memref<128xi32, #tpu.memory_space<vmem>>
      %dma_wait3A_326 = arith.constant 0 : i32
      %dma_wait3A_327 = arith.constant 0 : i32
      %dma_wait3A_328 = tpu.memref_slice %arg4[%dma_wait3A_326, %dma_wait3A_327] : memref<20224x64xf32, #tpu.memory_space<hbm>> -> memref<20224x64xf32, #tpu.memory_space<hbm>>
      tpu.wait_indirect_dma semaphore(%arg10 : memref<!tpu.dma_semaphore, #tpu.memory_space<semaphore_mem>>) src(%dma_wait3A_328 : memref<20224x64xf32, #tpu.memory_space<hbm>>) dst(%dma_wait3A_322 : memref<128x64xf32, #tpu.memory_space<vmem>>)
      %dma_start3A_329 = arith.constant 0 : i32
      %dma_start3A_330 = arith.constant 0 : i32
      %dma_start3A_331 = arith.constant 0 : i32
      %dma_start3A_332 = tpu.memref_slice %arg9[%dma_start3A_329, %dma_start3A_330, %dma_start3A_331] : memref<4x128x64xf32, #tpu.memory_space<vmem>> -> memref<1x128x64xf32, #tpu.memory_space<vmem>>
      %dma_start3A_333 = tpu.memref_squeeze %dma_start3A_332 : memref<1x128x64xf32, #tpu.memory_space<vmem>> -> memref<128x64xf32, #tpu.memory_space<vmem>>
      %dma_start3A_334 = arith.constant 0 : i32
      %dma_start3A_335 = tpu.memref_slice %arg8[%add3A_317, %dma_start3A_334] : memref<164x128xi32, #tpu.memory_space<vmem>> -> memref<1x128xi32, #tpu.memory_space<vmem>>
      %dma_start3A_336 = tpu.memref_squeeze %dma_start3A_335 : memref<1x128xi32, #tpu.memory_space<vmem>> -> memref<128xi32, #tpu.memory_space<vmem>>
      %dma_start3A_337 = arith.constant 0 : i32
      %dma_start3A_338 = arith.constant 0 : i32
      %dma_start3A_339 = tpu.memref_slice %arg18[%dma_start3A_337, %dma_start3A_338] : memref<10112x64xf32, #tpu.memory_space<vmem_shared>> -> memref<10112x64xf32, #tpu.memory_space<vmem_shared>>
      tpu.enqueue_indirect_dma source(%dma_start3A_333 : memref<128x64xf32, #tpu.memory_space<vmem>>) target(%dma_start3A_339 : memref<10112x64xf32, #tpu.memory_space<vmem_shared>>) offsets(%dma_start3A_336 : memref<128xi32, #tpu.memory_space<vmem>>) semaphore(%arg14 : memref<!tpu.dma_semaphore, #tpu.memory_space<semaphore_mem>>) {add = true}
      %sub3A_340 = arith.constant 2 : i32
      %sub3A_341 = arith.subi %add3A_317, %sub3A_340 : i32
      %dma_wait3A_342 = arith.constant 2 : i32
      %dma_wait3A_343 = arith.constant 0 : i32
      %dma_wait3A_344 = arith.constant 0 : i32
      %dma_wait3A_345 = tpu.memref_slice %arg9[%dma_wait3A_342, %dma_wait3A_343, %dma_wait3A_344] : memref<4x128x64xf32, #tpu.memory_space<vmem>> -> memref<1x128x64xf32, #tpu.memory_space<vmem>>
      %dma_wait3A_346 = tpu.memref_squeeze %dma_wait3A_345 : memref<1x128x64xf32, #tpu.memory_space<vmem>> -> memref<128x64xf32, #tpu.memory_space<vmem>>
      %dma_wait3A_347 = arith.constant 0 : i32
      %dma_wait3A_348 = tpu.memref_slice %arg8[%sub3A_341, %dma_wait3A_347] : memref<164x128xi32, #tpu.memory_space<vmem>> -> memref<1x128xi32, #tpu.memory_space<vmem>>
      %dma_wait3A_349 = tpu.memref_squeeze %dma_wait3A_348 : memref<1x128xi32, #tpu.memory_space<vmem>> -> memref<128xi32, #tpu.memory_space<vmem>>
      %dma_wait3A_350 = arith.constant 0 : i32
      %dma_wait3A_351 = arith.constant 0 : i32
      %dma_wait3A_352 = tpu.memref_slice %arg18[%dma_wait3A_350, %dma_wait3A_351] : memref<10112x64xf32, #tpu.memory_space<vmem_shared>> -> memref<10112x64xf32, #tpu.memory_space<vmem_shared>>
      tpu.wait_indirect_dma semaphore(%arg16 : memref<!tpu.dma_semaphore, #tpu.memory_space<semaphore_mem>>) src(%dma_wait3A_346 : memref<128x64xf32, #tpu.memory_space<vmem>>) dst(%dma_wait3A_352 : memref<10112x64xf32, #tpu.memory_space<vmem_shared>>)
      %add3A_353 = arith.constant 2 : i32
      %add3A_354 = arith.addi %add3A_317, %add3A_353 : i32
      %dma_start3A_355 = arith.constant 2 : i32
      %dma_start3A_356 = arith.constant 0 : i32
      %dma_start3A_357 = arith.constant 0 : i32
      %dma_start3A_358 = tpu.memref_slice %arg9[%dma_start3A_355, %dma_start3A_356, %dma_start3A_357] : memref<4x128x64xf32, #tpu.memory_space<vmem>> -> memref<1x128x64xf32, #tpu.memory_space<vmem>>
      %dma_start3A_359 = tpu.memref_squeeze %dma_start3A_358 : memref<1x128x64xf32, #tpu.memory_space<vmem>> -> memref<128x64xf32, #tpu.memory_space<vmem>>
      %dma_start3A_360 = arith.constant 0 : i32
      %dma_start3A_361 = tpu.memref_slice %arg7[%add3A_354, %dma_start3A_360] : memref<164x128xi32, #tpu.memory_space<vmem>> -> memref<1x128xi32, #tpu.memory_space<vmem>>
      %dma_start3A_362 = tpu.memref_squeeze %dma_start3A_361 : memref<1x128xi32, #tpu.memory_space<vmem>> -> memref<128xi32, #tpu.memory_space<vmem>>
      %dma_start3A_363 = arith.constant 0 : i32
      %dma_start3A_364 = arith.constant 0 : i32
      %dma_start3A_365 = tpu.memref_slice %arg4[%dma_start3A_363, %dma_start3A_364] : memref<20224x64xf32, #tpu.memory_space<hbm>> -> memref<20224x64xf32, #tpu.memory_space<hbm>>
      tpu.enqueue_indirect_dma source(%dma_start3A_365 : memref<20224x64xf32, #tpu.memory_space<hbm>>) target(%dma_start3A_359 : memref<128x64xf32, #tpu.memory_space<vmem>>) offsets(%dma_start3A_362 : memref<128xi32, #tpu.memory_space<vmem>>) semaphore(%arg12 : memref<!tpu.dma_semaphore, #tpu.memory_space<semaphore_mem>>)
      %mul3A_366 = arith.constant 4 : i32
      %mul3A_367 = arith.muli %mul3A_366, %scan3A_205 : i32
      %add3A_368 = arith.constant 2 : i32
      %add3A_369 = arith.addi %mul3A_367, %add3A_368 : i32
      %add3A_370 = arith.constant 3 : i32
      %add3A_371 = arith.addi %add3A_369, %add3A_370 : i32
      %dma_wait3A_372 = arith.constant 1 : i32
      %dma_wait3A_373 = arith.constant 0 : i32
      %dma_wait3A_374 = arith.constant 0 : i32
      %dma_wait3A_375 = tpu.memref_slice %arg9[%dma_wait3A_372, %dma_wait3A_373, %dma_wait3A_374] : memref<4x128x64xf32, #tpu.memory_space<vmem>> -> memref<1x128x64xf32, #tpu.memory_space<vmem>>
      %dma_wait3A_376 = tpu.memref_squeeze %dma_wait3A_375 : memref<1x128x64xf32, #tpu.memory_space<vmem>> -> memref<128x64xf32, #tpu.memory_space<vmem>>
      %dma_wait3A_377 = arith.constant 0 : i32
      %dma_wait3A_378 = tpu.memref_slice %arg7[%add3A_371, %dma_wait3A_377] : memref<164x128xi32, #tpu.memory_space<vmem>> -> memref<1x128xi32, #tpu.memory_space<vmem>>
      %dma_wait3A_379 = tpu.memref_squeeze %dma_wait3A_378 : memref<1x128xi32, #tpu.memory_space<vmem>> -> memref<128xi32, #tpu.memory_space<vmem>>
      %dma_wait3A_380 = arith.constant 0 : i32
      %dma_wait3A_381 = arith.constant 0 : i32
      %dma_wait3A_382 = tpu.memref_slice %arg4[%dma_wait3A_380, %dma_wait3A_381] : memref<20224x64xf32, #tpu.memory_space<hbm>> -> memref<20224x64xf32, #tpu.memory_space<hbm>>
      tpu.wait_indirect_dma semaphore(%arg11 : memref<!tpu.dma_semaphore, #tpu.memory_space<semaphore_mem>>) src(%dma_wait3A_382 : memref<20224x64xf32, #tpu.memory_space<hbm>>) dst(%dma_wait3A_376 : memref<128x64xf32, #tpu.memory_space<vmem>>)
      %dma_start3A_383 = arith.constant 1 : i32
      %dma_start3A_384 = arith.constant 0 : i32
      %dma_start3A_385 = arith.constant 0 : i32
      %dma_start3A_386 = tpu.memref_slice %arg9[%dma_start3A_383, %dma_start3A_384, %dma_start3A_385] : memref<4x128x64xf32, #tpu.memory_space<vmem>> -> memref<1x128x64xf32, #tpu.memory_space<vmem>>
      %dma_start3A_387 = tpu.memref_squeeze %dma_start3A_386 : memref<1x128x64xf32, #tpu.memory_space<vmem>> -> memref<128x64xf32, #tpu.memory_space<vmem>>
      %dma_start3A_388 = arith.constant 0 : i32
      %dma_start3A_389 = tpu.memref_slice %arg8[%add3A_371, %dma_start3A_388] : memref<164x128xi32, #tpu.memory_space<vmem>> -> memref<1x128xi32, #tpu.memory_space<vmem>>
      %dma_start3A_390 = tpu.memref_squeeze %dma_start3A_389 : memref<1x128xi32, #tpu.memory_space<vmem>> -> memref<128xi32, #tpu.memory_space<vmem>>
      %dma_start3A_391 = arith.constant 0 : i32
      %dma_start3A_392 = arith.constant 0 : i32
      %dma_start3A_393 = tpu.memref_slice %arg18[%dma_start3A_391, %dma_start3A_392] : memref<10112x64xf32, #tpu.memory_space<vmem_shared>> -> memref<10112x64xf32, #tpu.memory_space<vmem_shared>>
      tpu.enqueue_indirect_dma source(%dma_start3A_387 : memref<128x64xf32, #tpu.memory_space<vmem>>) target(%dma_start3A_393 : memref<10112x64xf32, #tpu.memory_space<vmem_shared>>) offsets(%dma_start3A_390 : memref<128xi32, #tpu.memory_space<vmem>>) semaphore(%arg15 : memref<!tpu.dma_semaphore, #tpu.memory_space<semaphore_mem>>) {add = true}
      %sub3A_394 = arith.constant 2 : i32
      %sub3A_395 = arith.subi %add3A_371, %sub3A_394 : i32
      %dma_wait3A_396 = arith.constant 3 : i32
      %dma_wait3A_397 = arith.constant 0 : i32
      %dma_wait3A_398 = arith.constant 0 : i32
      %dma_wait3A_399 = tpu.memref_slice %arg9[%dma_wait3A_396, %dma_wait3A_397, %dma_wait3A_398] : memref<4x128x64xf32, #tpu.memory_space<vmem>> -> memref<1x128x64xf32, #tpu.memory_space<vmem>>
      %dma_wait3A_400 = tpu.memref_squeeze %dma_wait3A_399 : memref<1x128x64xf32, #tpu.memory_space<vmem>> -> memref<128x64xf32, #tpu.memory_space<vmem>>
      %dma_wait3A_401 = arith.constant 0 : i32
      %dma_wait3A_402 = tpu.memref_slice %arg8[%sub3A_395, %dma_wait3A_401] : memref<164x128xi32, #tpu.memory_space<vmem>> -> memref<1x128xi32, #tpu.memory_space<vmem>>
      %dma_wait3A_403 = tpu.memref_squeeze %dma_wait3A_402 : memref<1x128xi32, #tpu.memory_space<vmem>> -> memref<128xi32, #tpu.memory_space<vmem>>
      %dma_wait3A_404 = arith.constant 0 : i32
      %dma_wait3A_405 = arith.constant 0 : i32
      %dma_wait3A_406 = tpu.memref_slice %arg18[%dma_wait3A_404, %dma_wait3A_405] : memref<10112x64xf32, #tpu.memory_space<vmem_shared>> -> memref<10112x64xf32, #tpu.memory_space<vmem_shared>>
      tpu.wait_indirect_dma semaphore(%arg17 : memref<!tpu.dma_semaphore, #tpu.memory_space<semaphore_mem>>) src(%dma_wait3A_400 : memref<128x64xf32, #tpu.memory_space<vmem>>) dst(%dma_wait3A_406 : memref<10112x64xf32, #tpu.memory_space<vmem_shared>>)
      %add3A_407 = arith.constant 2 : i32
      %add3A_408 = arith.addi %add3A_371, %add3A_407 : i32
      %dma_start3A_409 = arith.constant 3 : i32
      %dma_start3A_410 = arith.constant 0 : i32
      %dma_start3A_411 = arith.constant 0 : i32
      %dma_start3A_412 = tpu.memref_slice %arg9[%dma_start3A_409, %dma_start3A_410, %dma_start3A_411] : memref<4x128x64xf32, #tpu.memory_space<vmem>> -> memref<1x128x64xf32, #tpu.memory_space<vmem>>
      %dma_start3A_413 = tpu.memref_squeeze %dma_start3A_412 : memref<1x128x64xf32, #tpu.memory_space<vmem>> -> memref<128x64xf32, #tpu.memory_space<vmem>>
      %dma_start3A_414 = arith.constant 0 : i32
      %dma_start3A_415 = tpu.memref_slice %arg7[%add3A_408, %dma_start3A_414] : memref<164x128xi32, #tpu.memory_space<vmem>> -> memref<1x128xi32, #tpu.memory_space<vmem>>
      %dma_start3A_416 = tpu.memref_squeeze %dma_start3A_415 : memref<1x128xi32, #tpu.memory_space<vmem>> -> memref<128xi32, #tpu.memory_space<vmem>>
      %dma_start3A_417 = arith.constant 0 : i32
      %dma_start3A_418 = arith.constant 0 : i32
      %dma_start3A_419 = tpu.memref_slice %arg4[%dma_start3A_417, %dma_start3A_418] : memref<20224x64xf32, #tpu.memory_space<hbm>> -> memref<20224x64xf32, #tpu.memory_space<hbm>>
      tpu.enqueue_indirect_dma source(%dma_start3A_419 : memref<20224x64xf32, #tpu.memory_space<hbm>>) target(%dma_start3A_413 : memref<128x64xf32, #tpu.memory_space<vmem>>) offsets(%dma_start3A_416 : memref<128xi32, #tpu.memory_space<vmem>>) semaphore(%arg13 : memref<!tpu.dma_semaphore, #tpu.memory_space<semaphore_mem>>)
    }
    %scan3A_101 = arith.constant 40 : i32
    %dma_wait3A_102 = arith.constant 162 : i32
    %dma_wait3A_103 = arith.constant 2 : i32
    %dma_wait3A_104 = arith.constant 0 : i32
    %dma_wait3A_105 = arith.constant 0 : i32
    %dma_wait3A_106 = tpu.memref_slice %arg9[%dma_wait3A_103, %dma_wait3A_104, %dma_wait3A_105] : memref<4x128x64xf32, #tpu.memory_space<vmem>> -> memref<1x128x64xf32, #tpu.memory_space<vmem>>
    %dma_wait3A_107 = tpu.memref_squeeze %dma_wait3A_106 : memref<1x128x64xf32, #tpu.memory_space<vmem>> -> memref<128x64xf32, #tpu.memory_space<vmem>>
    %dma_wait3A_108 = arith.constant 0 : i32
    %dma_wait3A_109 = tpu.memref_slice %arg7[%dma_wait3A_102, %dma_wait3A_108] : memref<164x128xi32, #tpu.memory_space<vmem>> -> memref<1x128xi32, #tpu.memory_space<vmem>>
    %dma_wait3A_110 = tpu.memref_squeeze %dma_wait3A_109 : memref<1x128xi32, #tpu.memory_space<vmem>> -> memref<128xi32, #tpu.memory_space<vmem>>
    %dma_wait3A_111 = arith.constant 0 : i32
    %dma_wait3A_112 = arith.constant 0 : i32
    %dma_wait3A_113 = tpu.memref_slice %arg4[%dma_wait3A_111, %dma_wait3A_112] : memref<20224x64xf32, #tpu.memory_space<hbm>> -> memref<20224x64xf32, #tpu.memory_space<hbm>>
    tpu.wait_indirect_dma semaphore(%arg12 : memref<!tpu.dma_semaphore, #tpu.memory_space<semaphore_mem>>) src(%dma_wait3A_113 : memref<20224x64xf32, #tpu.memory_space<hbm>>) dst(%dma_wait3A_107 : memref<128x64xf32, #tpu.memory_space<vmem>>)
    %dma_start3A_114 = arith.constant 2 : i32
    %dma_start3A_115 = arith.constant 162 : i32
    %dma_start3A_116 = arith.constant 0 : i32
    %dma_start3A_117 = arith.constant 0 : i32
    %dma_start3A_118 = tpu.memref_slice %arg9[%dma_start3A_114, %dma_start3A_116, %dma_start3A_117] : memref<4x128x64xf32, #tpu.memory_space<vmem>> -> memref<1x128x64xf32, #tpu.memory_space<vmem>>
    %dma_start3A_119 = tpu.memref_squeeze %dma_start3A_118 : memref<1x128x64xf32, #tpu.memory_space<vmem>> -> memref<128x64xf32, #tpu.memory_space<vmem>>
    %dma_start3A_120 = arith.constant 0 : i32
    %dma_start3A_121 = tpu.memref_slice %arg8[%dma_start3A_115, %dma_start3A_120] : memref<164x128xi32, #tpu.memory_space<vmem>> -> memref<1x128xi32, #tpu.memory_space<vmem>>
    %dma_start3A_122 = tpu.memref_squeeze %dma_start3A_121 : memref<1x128xi32, #tpu.memory_space<vmem>> -> memref<128xi32, #tpu.memory_space<vmem>>
    %dma_start3A_123 = arith.constant 0 : i32
    %dma_start3A_124 = arith.constant 0 : i32
    %dma_start3A_125 = tpu.memref_slice %arg18[%dma_start3A_123, %dma_start3A_124] : memref<10112x64xf32, #tpu.memory_space<vmem_shared>> -> memref<10112x64xf32, #tpu.memory_space<vmem_shared>>
    tpu.enqueue_indirect_dma source(%dma_start3A_119 : memref<128x64xf32, #tpu.memory_space<vmem>>) target(%dma_start3A_125 : memref<10112x64xf32, #tpu.memory_space<vmem_shared>>) offsets(%dma_start3A_122 : memref<128xi32, #tpu.memory_space<vmem>>) semaphore(%arg16 : memref<!tpu.dma_semaphore, #tpu.memory_space<semaphore_mem>>) {add = true}
    %dma_wait3A_126 = arith.constant 0 : i32
    %dma_wait3A_127 = arith.constant 160 : i32
    %dma_wait3A_128 = arith.constant 0 : i32
    %dma_wait3A_129 = arith.constant 0 : i32
    %dma_wait3A_130 = tpu.memref_slice %arg9[%dma_wait3A_126, %dma_wait3A_128, %dma_wait3A_129] : memref<4x128x64xf32, #tpu.memory_space<vmem>> -> memref<1x128x64xf32, #tpu.memory_space<vmem>>
    %dma_wait3A_131 = tpu.memref_squeeze %dma_wait3A_130 : memref<1x128x64xf32, #tpu.memory_space<vmem>> -> memref<128x64xf32, #tpu.memory_space<vmem>>
    %dma_wait3A_132 = arith.constant 0 : i32
    %dma_wait3A_133 = tpu.memref_slice %arg8[%dma_wait3A_127, %dma_wait3A_132] : memref<164x128xi32, #tpu.memory_space<vmem>> -> memref<1x128xi32, #tpu.memory_space<vmem>>
    %dma_wait3A_134 = tpu.memref_squeeze %dma_wait3A_133 : memref<1x128xi32, #tpu.memory_space<vmem>> -> memref<128xi32, #tpu.memory_space<vmem>>
    %dma_wait3A_135 = arith.constant 0 : i32
    %dma_wait3A_136 = arith.constant 0 : i32
    %dma_wait3A_137 = tpu.memref_slice %arg18[%dma_wait3A_135, %dma_wait3A_136] : memref<10112x64xf32, #tpu.memory_space<vmem_shared>> -> memref<10112x64xf32, #tpu.memory_space<vmem_shared>>
    tpu.wait_indirect_dma semaphore(%arg14 : memref<!tpu.dma_semaphore, #tpu.memory_space<semaphore_mem>>) src(%dma_wait3A_131 : memref<128x64xf32, #tpu.memory_space<vmem>>) dst(%dma_wait3A_137 : memref<10112x64xf32, #tpu.memory_space<vmem_shared>>)
    %dma_wait3A_138 = arith.constant 163 : i32
    %dma_wait3A_139 = arith.constant 3 : i32
    %dma_wait3A_140 = arith.constant 0 : i32
    %dma_wait3A_141 = arith.constant 0 : i32
    %dma_wait3A_142 = tpu.memref_slice %arg9[%dma_wait3A_139, %dma_wait3A_140, %dma_wait3A_141] : memref<4x128x64xf32, #tpu.memory_space<vmem>> -> memref<1x128x64xf32, #tpu.memory_space<vmem>>
    %dma_wait3A_143 = tpu.memref_squeeze %dma_wait3A_142 : memref<1x128x64xf32, #tpu.memory_space<vmem>> -> memref<128x64xf32, #tpu.memory_space<vmem>>
    %dma_wait3A_144 = arith.constant 0 : i32
    %dma_wait3A_145 = tpu.memref_slice %arg7[%dma_wait3A_138, %dma_wait3A_144] : memref<164x128xi32, #tpu.memory_space<vmem>> -> memref<1x128xi32, #tpu.memory_space<vmem>>
    %dma_wait3A_146 = tpu.memref_squeeze %dma_wait3A_145 : memref<1x128xi32, #tpu.memory_space<vmem>> -> memref<128xi32, #tpu.memory_space<vmem>>
    %dma_wait3A_147 = arith.constant 0 : i32
    %dma_wait3A_148 = arith.constant 0 : i32
    %dma_wait3A_149 = tpu.memref_slice %arg4[%dma_wait3A_147, %dma_wait3A_148] : memref<20224x64xf32, #tpu.memory_space<hbm>> -> memref<20224x64xf32, #tpu.memory_space<hbm>>
    tpu.wait_indirect_dma semaphore(%arg13 : memref<!tpu.dma_semaphore, #tpu.memory_space<semaphore_mem>>) src(%dma_wait3A_149 : memref<20224x64xf32, #tpu.memory_space<hbm>>) dst(%dma_wait3A_143 : memref<128x64xf32, #tpu.memory_space<vmem>>)
    %dma_start3A_150 = arith.constant 3 : i32
    %dma_start3A_151 = arith.constant 163 : i32
    %dma_start3A_152 = arith.constant 0 : i32
    %dma_start3A_153 = arith.constant 0 : i32
    %dma_start3A_154 = tpu.memref_slice %arg9[%dma_start3A_150, %dma_start3A_152, %dma_start3A_153] : memref<4x128x64xf32, #tpu.memory_space<vmem>> -> memref<1x128x64xf32, #tpu.memory_space<vmem>>
    %dma_start3A_155 = tpu.memref_squeeze %dma_start3A_154 : memref<1x128x64xf32, #tpu.memory_space<vmem>> -> memref<128x64xf32, #tpu.memory_space<vmem>>
    %dma_start3A_156 = arith.constant 0 : i32
    %dma_start3A_157 = tpu.memref_slice %arg8[%dma_start3A_151, %dma_start3A_156] : memref<164x128xi32, #tpu.memory_space<vmem>> -> memref<1x128xi32, #tpu.memory_space<vmem>>
    %dma_start3A_158 = tpu.memref_squeeze %dma_start3A_157 : memref<1x128xi32, #tpu.memory_space<vmem>> -> memref<128xi32, #tpu.memory_space<vmem>>
    %dma_start3A_159 = arith.constant 0 : i32
    %dma_start3A_160 = arith.constant 0 : i32
    %dma_start3A_161 = tpu.memref_slice %arg18[%dma_start3A_159, %dma_start3A_160] : memref<10112x64xf32, #tpu.memory_space<vmem_shared>> -> memref<10112x64xf32, #tpu.memory_space<vmem_shared>>
    tpu.enqueue_indirect_dma source(%dma_start3A_155 : memref<128x64xf32, #tpu.memory_space<vmem>>) target(%dma_start3A_161 : memref<10112x64xf32, #tpu.memory_space<vmem_shared>>) offsets(%dma_start3A_158 : memref<128xi32, #tpu.memory_space<vmem>>) semaphore(%arg17 : memref<!tpu.dma_semaphore, #tpu.memory_space<semaphore_mem>>) {add = true}
    %dma_wait3A_162 = arith.constant 1 : i32
    %dma_wait3A_163 = arith.constant 161 : i32
    %dma_wait3A_164 = arith.constant 0 : i32
    %dma_wait3A_165 = arith.constant 0 : i32
    %dma_wait3A_166 = tpu.memref_slice %arg9[%dma_wait3A_162, %dma_wait3A_164, %dma_wait3A_165] : memref<4x128x64xf32, #tpu.memory_space<vmem>> -> memref<1x128x64xf32, #tpu.memory_space<vmem>>
    %dma_wait3A_167 = tpu.memref_squeeze %dma_wait3A_166 : memref<1x128x64xf32, #tpu.memory_space<vmem>> -> memref<128x64xf32, #tpu.memory_space<vmem>>
    %dma_wait3A_168 = arith.constant 0 : i32
    %dma_wait3A_169 = tpu.memref_slice %arg8[%dma_wait3A_163, %dma_wait3A_168] : memref<164x128xi32, #tpu.memory_space<vmem>> -> memref<1x128xi32, #tpu.memory_space<vmem>>
    %dma_wait3A_170 = tpu.memref_squeeze %dma_wait3A_169 : memref<1x128xi32, #tpu.memory_space<vmem>> -> memref<128xi32, #tpu.memory_space<vmem>>
    %dma_wait3A_171 = arith.constant 0 : i32
    %dma_wait3A_172 = arith.constant 0 : i32
    %dma_wait3A_173 = tpu.memref_slice %arg18[%dma_wait3A_171, %dma_wait3A_172] : memref<10112x64xf32, #tpu.memory_space<vmem_shared>> -> memref<10112x64xf32, #tpu.memory_space<vmem_shared>>
    tpu.wait_indirect_dma semaphore(%arg15 : memref<!tpu.dma_semaphore, #tpu.memory_space<semaphore_mem>>) src(%dma_wait3A_167 : memref<128x64xf32, #tpu.memory_space<vmem>>) dst(%dma_wait3A_173 : memref<10112x64xf32, #tpu.memory_space<vmem_shared>>)
    %dma_wait3A_174 = arith.constant 2 : i32
    %dma_wait3A_175 = arith.constant 162 : i32
    %dma_wait3A_176 = arith.constant 0 : i32
    %dma_wait3A_177 = arith.constant 0 : i32
    %dma_wait3A_178 = tpu.memref_slice %arg9[%dma_wait3A_174, %dma_wait3A_176, %dma_wait3A_177] : memref<4x128x64xf32, #tpu.memory_space<vmem>> -> memref<1x128x64xf32, #tpu.memory_space<vmem>>
    %dma_wait3A_179 = tpu.memref_squeeze %dma_wait3A_178 : memref<1x128x64xf32, #tpu.memory_space<vmem>> -> memref<128x64xf32, #tpu.memory_space<vmem>>
    %dma_wait3A_180 = arith.constant 0 : i32
    %dma_wait3A_181 = tpu.memref_slice %arg8[%dma_wait3A_175, %dma_wait3A_180] : memref<164x128xi32, #tpu.memory_space<vmem>> -> memref<1x128xi32, #tpu.memory_space<vmem>>
    %dma_wait3A_182 = tpu.memref_squeeze %dma_wait3A_181 : memref<1x128xi32, #tpu.memory_space<vmem>> -> memref<128xi32, #tpu.memory_space<vmem>>
    %dma_wait3A_183 = arith.constant 0 : i32
    %dma_wait3A_184 = arith.constant 0 : i32
    %dma_wait3A_185 = tpu.memref_slice %arg18[%dma_wait3A_183, %dma_wait3A_184] : memref<10112x64xf32, #tpu.memory_space<vmem_shared>> -> memref<10112x64xf32, #tpu.memory_space<vmem_shared>>
    tpu.wait_indirect_dma semaphore(%arg16 : memref<!tpu.dma_semaphore, #tpu.memory_space<semaphore_mem>>) src(%dma_wait3A_179 : memref<128x64xf32, #tpu.memory_space<vmem>>) dst(%dma_wait3A_185 : memref<10112x64xf32, #tpu.memory_space<vmem_shared>>)
    %dma_wait3A_186 = arith.constant 3 : i32
    %dma_wait3A_187 = arith.constant 163 : i32
    %dma_wait3A_188 = arith.constant 0 : i32
    %dma_wait3A_189 = arith.constant 0 : i32
    %dma_wait3A_190 = tpu.memref_slice %arg9[%dma_wait3A_186, %dma_wait3A_188, %dma_wait3A_189] : memref<4x128x64xf32, #tpu.memory_space<vmem>> -> memref<1x128x64xf32, #tpu.memory_space<vmem>>
    %dma_wait3A_191 = tpu.memref_squeeze %dma_wait3A_190 : memref<1x128x64xf32, #tpu.memory_space<vmem>> -> memref<128x64xf32, #tpu.memory_space<vmem>>
    %dma_wait3A_192 = arith.constant 0 : i32
    %dma_wait3A_193 = tpu.memref_slice %arg8[%dma_wait3A_187, %dma_wait3A_192] : memref<164x128xi32, #tpu.memory_space<vmem>> -> memref<1x128xi32, #tpu.memory_space<vmem>>
    %dma_wait3A_194 = tpu.memref_squeeze %dma_wait3A_193 : memref<1x128xi32, #tpu.memory_space<vmem>> -> memref<128xi32, #tpu.memory_space<vmem>>
    %dma_wait3A_195 = arith.constant 0 : i32
    %dma_wait3A_196 = arith.constant 0 : i32
    %dma_wait3A_197 = tpu.memref_slice %arg18[%dma_wait3A_195, %dma_wait3A_196] : memref<10112x64xf32, #tpu.memory_space<vmem_shared>> -> memref<10112x64xf32, #tpu.memory_space<vmem_shared>>
    tpu.wait_indirect_dma semaphore(%arg17 : memref<!tpu.dma_semaphore, #tpu.memory_space<semaphore_mem>>) src(%dma_wait3A_191 : memref<128x64xf32, #tpu.memory_space<vmem>>) dst(%dma_wait3A_197 : memref<10112x64xf32, #tpu.memory_space<vmem_shared>>)
    %barrier3A_198 = arith.constant 0 : index
    tpu.barrier barrier_id(%barrier3A_198)
    %mul3A_199 = arith.constant 632 : i32
    %mul3A_200 = arith.muli %arg1, %mul3A_199 : i32
    %mul3A_201 = arith.constant 632 : i32
    %mul3A_202 = arith.muli %arg1, %mul3A_201 : i32
    %mul3A_203 = arith.constant 64 : i32
    %mul3A_204 = arith.muli %arg0, %mul3A_203 : i32
    "tpu.region"() ({
      %run_scoped3A = tpu.sem_alloc : memref<!tpu.dma_semaphore, #tpu.memory_space<semaphore_mem>>
      %dma_start3A_205 = tpu.memref_slice %arg6[%mul3A_202, %mul3A_204] : memref<10112x128xf32, #tpu.memory_space<hbm>> -> memref<632x64xf32, #tpu.memory_space<hbm>>
      %dma_start3A_206 = arith.constant 0 : i32
      %dma_start3A_207 = tpu.memref_slice %arg18[%mul3A_200, %dma_start3A_206] : memref<10112x64xf32, #tpu.memory_space<vmem_shared>> -> memref<632x64xf32, #tpu.memory_space<vmem_shared>>
      tpu.enqueue_dma source(%dma_start3A_207 : memref<632x64xf32, #tpu.memory_space<vmem_shared>>) target(%dma_start3A_205 : memref<632x64xf32, #tpu.memory_space<hbm>>) target_semaphore(%run_scoped3A : memref<!tpu.dma_semaphore, #tpu.memory_space<semaphore_mem>>)
      %dma_wait3A_208 = tpu.memref_slice %arg6[%mul3A_202, %mul3A_204] : memref<10112x128xf32, #tpu.memory_space<hbm>> -> memref<632x64xf32, #tpu.memory_space<hbm>>
      %dma_wait3A_209 = arith.constant 0 : i32
      %dma_wait3A_210 = tpu.memref_slice %arg18[%mul3A_200, %dma_wait3A_209] : memref<10112x64xf32, #tpu.memory_space<vmem_shared>> -> memref<632x64xf32, #tpu.memory_space<vmem_shared>>
      tpu.wait_dma2 semaphore(%run_scoped3A : memref<!tpu.dma_semaphore, #tpu.memory_space<semaphore_mem>>) src(%dma_wait3A_210 : memref<632x64xf32, #tpu.memory_space<vmem_shared>>) dst(%dma_wait3A_208 : memref<632x64xf32, #tpu.memory_space<hbm>>)
      tpu.yield
    }) : () -> ()
    return
  }
}

#map = affine_map<(d0, d1) -> (0, 0, 0, 0)>
#map1 = affine_map<(d0, d1) -> (0, 0, 0)>
#map2 = affine_map<(d0, d1) -> (0, 0)>
module attributes {stable_mosaic.version = 14 : i64} {
  func.func @_scat_body(%arg0: i32, %arg1: i32, %arg2: memref<2x16x164x128xi32, #tpu.memory_space<hbm>>, %arg3: memref<16x164x128xi32, #tpu.memory_space<hbm>>, %arg4: memref<20224x64xf32, #tpu.memory_space<hbm>>, %arg5: memref<10112x64xf32, #tpu.memory_space<hbm>>, %arg6: memref<10112x128xf32, #tpu.memory_space<hbm>>, %arg7: memref<164x128xi32, #tpu.memory_space<vmem>>, %arg8: memref<164x128xi32, #tpu.memory_space<vmem>>, %arg9: memref<4x128x64xf32, #tpu.memory_space<vmem>>, %arg10: memref<!tpu.dma_semaphore, #tpu.memory_space<semaphore_mem>>, %arg11: memref<!tpu.dma_semaphore, #tpu.memory_space<semaphore_mem>>, %arg12: memref<!tpu.dma_semaphore, #tpu.memory_space<semaphore_mem>>, %arg13: memref<!tpu.dma_semaphore, #tpu.memory_space<semaphore_mem>>, %arg14: memref<!tpu.dma_semaphore, #tpu.memory_space<semaphore_mem>>, %arg15: memref<!tpu.dma_semaphore, #tpu.memory_space<semaphore_mem>>, %arg16: memref<!tpu.dma_semaphore, #tpu.memory_space<semaphore_mem>>, %arg17: memref<!tpu.dma_semaphore, #tpu.memory_space<semaphore_mem>>, %arg18: memref<10112x64xf32, #tpu.memory_space<vmem_shared>>) attributes {dimension_semantics = [#tpu.dimension_semantics<core_parallel>, #tpu.dimension_semantics<subcore_parallel>], iteration_bounds = array<i64: 2, 16>, scalar_prefetch = 0 : i64, scratch_operands = 12 : i64, tpu.core_type = #tpu.core_type<sc_vector_subcore>, window_params = [{transform_indices = #map}, {transform_indices = #map1}, {transform_indices = #map2}, {transform_indices = #map2}, {transform_indices = #map2}]} {
    "tpu.region"() ({
      %run_scoped3A = tpu.sem_alloc : memref<!tpu.dma_semaphore, #tpu.memory_space<semaphore_mem>>
      %dma_start3A_205 = arith.constant 0 : i32
      %dma_start3A_206 = arith.constant 0 : i32
      %dma_start3A_207 = tpu.memref_slice %arg2[%arg0, %arg1, %dma_start3A_205, %dma_start3A_206] : memref<2x16x164x128xi32, #tpu.memory_space<hbm>> -> memref<1x1x164x128xi32, #tpu.memory_space<hbm>>
      %dma_start3A_208 = tpu.memref_squeeze %dma_start3A_207 : memref<1x1x164x128xi32, #tpu.memory_space<hbm>> -> memref<164x128xi32, #tpu.memory_space<hbm>>
      %dma_start3A_209 = arith.constant 0 : i32
      %dma_start3A_210 = arith.constant 0 : i32
      %dma_start3A_211 = tpu.memref_slice %arg2[%arg0, %arg1, %dma_start3A_209, %dma_start3A_210] : memref<2x16x164x128xi32, #tpu.memory_space<hbm>> -> memref<1x1x164x128xi32, #tpu.memory_space<hbm>>
      %dma_start3A_212 = tpu.memref_squeeze %dma_start3A_211 : memref<1x1x164x128xi32, #tpu.memory_space<hbm>> -> memref<164x128xi32, #tpu.memory_space<hbm>>
      tpu.enqueue_dma source(%dma_start3A_212 : memref<164x128xi32, #tpu.memory_space<hbm>>) target(%arg7 : memref<164x128xi32, #tpu.memory_space<vmem>>) target_semaphore(%run_scoped3A : memref<!tpu.dma_semaphore, #tpu.memory_space<semaphore_mem>>)
      %dma_wait3A_213 = arith.constant 0 : i32
      %dma_wait3A_214 = arith.constant 0 : i32
      %dma_wait3A_215 = tpu.memref_slice %arg2[%arg0, %arg1, %dma_wait3A_213, %dma_wait3A_214] : memref<2x16x164x128xi32, #tpu.memory_space<hbm>> -> memref<1x1x164x128xi32, #tpu.memory_space<hbm>>
      %dma_wait3A_216 = tpu.memref_squeeze %dma_wait3A_215 : memref<1x1x164x128xi32, #tpu.memory_space<hbm>> -> memref<164x128xi32, #tpu.memory_space<hbm>>
      %dma_wait3A_217 = arith.constant 0 : i32
      %dma_wait3A_218 = arith.constant 0 : i32
      %dma_wait3A_219 = tpu.memref_slice %arg2[%arg0, %arg1, %dma_wait3A_217, %dma_wait3A_218] : memref<2x16x164x128xi32, #tpu.memory_space<hbm>> -> memref<1x1x164x128xi32, #tpu.memory_space<hbm>>
      %dma_wait3A_220 = tpu.memref_squeeze %dma_wait3A_219 : memref<1x1x164x128xi32, #tpu.memory_space<hbm>> -> memref<164x128xi32, #tpu.memory_space<hbm>>
      tpu.wait_dma2 semaphore(%run_scoped3A : memref<!tpu.dma_semaphore, #tpu.memory_space<semaphore_mem>>) src(%dma_wait3A_220 : memref<164x128xi32, #tpu.memory_space<hbm>>) dst(%arg7 : memref<164x128xi32, #tpu.memory_space<vmem>>)
      tpu.yield
    }) : () -> ()
    "tpu.region"() ({
      %run_scoped3A = tpu.sem_alloc : memref<!tpu.dma_semaphore, #tpu.memory_space<semaphore_mem>>
      %dma_start3A_205 = arith.constant 0 : i32
      %dma_start3A_206 = arith.constant 0 : i32
      %dma_start3A_207 = tpu.memref_slice %arg3[%arg1, %dma_start3A_205, %dma_start3A_206] : memref<16x164x128xi32, #tpu.memory_space<hbm>> -> memref<1x164x128xi32, #tpu.memory_space<hbm>>
      %dma_start3A_208 = tpu.memref_squeeze %dma_start3A_207 : memref<1x164x128xi32, #tpu.memory_space<hbm>> -> memref<164x128xi32, #tpu.memory_space<hbm>>
      %dma_start3A_209 = arith.constant 0 : i32
      %dma_start3A_210 = arith.constant 0 : i32
      %dma_start3A_211 = tpu.memref_slice %arg3[%arg1, %dma_start3A_209, %dma_start3A_210] : memref<16x164x128xi32, #tpu.memory_space<hbm>> -> memref<1x164x128xi32, #tpu.memory_space<hbm>>
      %dma_start3A_212 = tpu.memref_squeeze %dma_start3A_211 : memref<1x164x128xi32, #tpu.memory_space<hbm>> -> memref<164x128xi32, #tpu.memory_space<hbm>>
      tpu.enqueue_dma source(%dma_start3A_212 : memref<164x128xi32, #tpu.memory_space<hbm>>) target(%arg8 : memref<164x128xi32, #tpu.memory_space<vmem>>) target_semaphore(%run_scoped3A : memref<!tpu.dma_semaphore, #tpu.memory_space<semaphore_mem>>)
      %dma_wait3A_213 = arith.constant 0 : i32
      %dma_wait3A_214 = arith.constant 0 : i32
      %dma_wait3A_215 = tpu.memref_slice %arg3[%arg1, %dma_wait3A_213, %dma_wait3A_214] : memref<16x164x128xi32, #tpu.memory_space<hbm>> -> memref<1x164x128xi32, #tpu.memory_space<hbm>>
      %dma_wait3A_216 = tpu.memref_squeeze %dma_wait3A_215 : memref<1x164x128xi32, #tpu.memory_space<hbm>> -> memref<164x128xi32, #tpu.memory_space<hbm>>
      %dma_wait3A_217 = arith.constant 0 : i32
      %dma_wait3A_218 = arith.constant 0 : i32
      %dma_wait3A_219 = tpu.memref_slice %arg3[%arg1, %dma_wait3A_217, %dma_wait3A_218] : memref<16x164x128xi32, #tpu.memory_space<hbm>> -> memref<1x164x128xi32, #tpu.memory_space<hbm>>
      %dma_wait3A_220 = tpu.memref_squeeze %dma_wait3A_219 : memref<1x164x128xi32, #tpu.memory_space<hbm>> -> memref<164x128xi32, #tpu.memory_space<hbm>>
      tpu.wait_dma2 semaphore(%run_scoped3A : memref<!tpu.dma_semaphore, #tpu.memory_space<semaphore_mem>>) src(%dma_wait3A_220 : memref<164x128xi32, #tpu.memory_space<hbm>>) dst(%arg8 : memref<164x128xi32, #tpu.memory_space<vmem>>)
      tpu.yield
    }) : () -> ()
    %mul3A = arith.constant 632 : i32
    %mul3A_0 = arith.muli %arg1, %mul3A : i32
    %mul3A_1 = arith.constant 632 : i32
    %mul3A_2 = arith.muli %arg1, %mul3A_1 : i32
    "tpu.region"() ({
      %run_scoped3A = tpu.sem_alloc : memref<!tpu.dma_semaphore, #tpu.memory_space<semaphore_mem>>
      %dma_start3A_205 = arith.constant 0 : i32
      %dma_start3A_206 = tpu.memref_slice %arg18[%mul3A_2, %dma_start3A_205] : memref<10112x64xf32, #tpu.memory_space<vmem_shared>> -> memref<632x64xf32, #tpu.memory_space<vmem_shared>>
      %dma_start3A_207 = arith.constant 0 : i32
      %dma_start3A_208 = tpu.memref_slice %arg5[%mul3A_0, %dma_start3A_207] : memref<10112x64xf32, #tpu.memory_space<hbm>> -> memref<632x64xf32, #tpu.memory_space<hbm>>
      tpu.enqueue_dma source(%dma_start3A_208 : memref<632x64xf32, #tpu.memory_space<hbm>>) target(%dma_start3A_206 : memref<632x64xf32, #tpu.memory_space<vmem_shared>>) target_semaphore(%run_scoped3A : memref<!tpu.dma_semaphore, #tpu.memory_space<semaphore_mem>>)
      %dma_wait3A_209 = arith.constant 0 : i32
      %dma_wait3A_210 = tpu.memref_slice %arg18[%mul3A_2, %dma_wait3A_209] : memref<10112x64xf32, #tpu.memory_space<vmem_shared>> -> memref<632x64xf32, #tpu.memory_space<vmem_shared>>
      %dma_wait3A_211 = arith.constant 0 : i32
      %dma_wait3A_212 = tpu.memref_slice %arg5[%mul3A_0, %dma_wait3A_211] : memref<10112x64xf32, #tpu.memory_space<hbm>> -> memref<632x64xf32, #tpu.memory_space<hbm>>
      tpu.wait_dma2 semaphore(%run_scoped3A : memref<!tpu.dma_semaphore, #tpu.memory_space<semaphore_mem>>) src(%dma_wait3A_212 : memref<632x64xf32, #tpu.memory_space<hbm>>) dst(%dma_wait3A_210 : memref<632x64xf32, #tpu.memory_space<vmem_shared>>)
      tpu.yield
    }) : () -> ()
    %barrier3A = arith.constant 0 : index
    tpu.barrier barrier_id(%barrier3A)
    %dma_start3A = arith.constant 0 : i32
    %dma_start3A_3 = arith.constant 0 : i32
    %dma_start3A_4 = arith.constant 0 : i32
    %dma_start3A_5 = arith.constant 0 : i32
    %dma_start3A_6 = tpu.memref_slice %arg9[%dma_start3A_3, %dma_start3A_4, %dma_start3A_5] : memref<4x128x64xf32, #tpu.memory_space<vmem>> -> memref<1x128x64xf32, #tpu.memory_space<vmem>>
    %dma_start3A_7 = tpu.memref_squeeze %dma_start3A_6 : memref<1x128x64xf32, #tpu.memory_space<vmem>> -> memref<128x64xf32, #tpu.memory_space<vmem>>
    %dma_start3A_8 = arith.constant 0 : i32
    %dma_start3A_9 = tpu.memref_slice %arg7[%dma_start3A, %dma_start3A_8] : memref<164x128xi32, #tpu.memory_space<vmem>> -> memref<1x128xi32, #tpu.memory_space<vmem>>
    %dma_start3A_10 = tpu.memref_squeeze %dma_start3A_9 : memref<1x128xi32, #tpu.memory_space<vmem>> -> memref<128xi32, #tpu.memory_space<vmem>>
    %dma_start3A_11 = arith.constant 0 : i32
    %dma_start3A_12 = arith.constant 0 : i32
    %dma_start3A_13 = tpu.memref_slice %arg4[%dma_start3A_11, %dma_start3A_12] : memref<20224x64xf32, #tpu.memory_space<hbm>> -> memref<20224x64xf32, #tpu.memory_space<hbm>>
    tpu.enqueue_indirect_dma source(%dma_start3A_13 : memref<20224x64xf32, #tpu.memory_space<hbm>>) target(%dma_start3A_7 : memref<128x64xf32, #tpu.memory_space<vmem>>) offsets(%dma_start3A_10 : memref<128xi32, #tpu.memory_space<vmem>>) semaphore(%arg10 : memref<!tpu.dma_semaphore, #tpu.memory_space<semaphore_mem>>)
    %dma_start3A_14 = arith.constant 1 : i32
    %dma_start3A_15 = arith.constant 1 : i32
    %dma_start3A_16 = arith.constant 0 : i32
    %dma_start3A_17 = arith.constant 0 : i32
    %dma_start3A_18 = tpu.memref_slice %arg9[%dma_start3A_15, %dma_start3A_16, %dma_start3A_17] : memref<4x128x64xf32, #tpu.memory_space<vmem>> -> memref<1x128x64xf32, #tpu.memory_space<vmem>>
    %dma_start3A_19 = tpu.memref_squeeze %dma_start3A_18 : memref<1x128x64xf32, #tpu.memory_space<vmem>> -> memref<128x64xf32, #tpu.memory_space<vmem>>
    %dma_start3A_20 = arith.constant 0 : i32
    %dma_start3A_21 = tpu.memref_slice %arg7[%dma_start3A_14, %dma_start3A_20] : memref<164x128xi32, #tpu.memory_space<vmem>> -> memref<1x128xi32, #tpu.memory_space<vmem>>
    %dma_start3A_22 = tpu.memref_squeeze %dma_start3A_21 : memref<1x128xi32, #tpu.memory_space<vmem>> -> memref<128xi32, #tpu.memory_space<vmem>>
    %dma_start3A_23 = arith.constant 0 : i32
    %dma_start3A_24 = arith.constant 0 : i32
    %dma_start3A_25 = tpu.memref_slice %arg4[%dma_start3A_23, %dma_start3A_24] : memref<20224x64xf32, #tpu.memory_space<hbm>> -> memref<20224x64xf32, #tpu.memory_space<hbm>>
    tpu.enqueue_indirect_dma source(%dma_start3A_25 : memref<20224x64xf32, #tpu.memory_space<hbm>>) target(%dma_start3A_19 : memref<128x64xf32, #tpu.memory_space<vmem>>) offsets(%dma_start3A_22 : memref<128xi32, #tpu.memory_space<vmem>>) semaphore(%arg11 : memref<!tpu.dma_semaphore, #tpu.memory_space<semaphore_mem>>)
    %dma_wait3A = arith.constant 0 : i32
    %dma_wait3A_26 = arith.constant 0 : i32
    %dma_wait3A_27 = arith.constant 0 : i32
    %dma_wait3A_28 = arith.constant 0 : i32
    %dma_wait3A_29 = tpu.memref_slice %arg9[%dma_wait3A_26, %dma_wait3A_27, %dma_wait3A_28] : memref<4x128x64xf32, #tpu.memory_space<vmem>> -> memref<1x128x64xf32, #tpu.memory_space<vmem>>
    %dma_wait3A_30 = tpu.memref_squeeze %dma_wait3A_29 : memref<1x128x64xf32, #tpu.memory_space<vmem>> -> memref<128x64xf32, #tpu.memory_space<vmem>>
    %dma_wait3A_31 = arith.constant 0 : i32
    %dma_wait3A_32 = tpu.memref_slice %arg7[%dma_wait3A, %dma_wait3A_31] : memref<164x128xi32, #tpu.memory_space<vmem>> -> memref<1x128xi32, #tpu.memory_space<vmem>>
    %dma_wait3A_33 = tpu.memref_squeeze %dma_wait3A_32 : memref<1x128xi32, #tpu.memory_space<vmem>> -> memref<128xi32, #tpu.memory_space<vmem>>
    %dma_wait3A_34 = arith.constant 0 : i32
    %dma_wait3A_35 = arith.constant 0 : i32
    %dma_wait3A_36 = tpu.memref_slice %arg4[%dma_wait3A_34, %dma_wait3A_35] : memref<20224x64xf32, #tpu.memory_space<hbm>> -> memref<20224x64xf32, #tpu.memory_space<hbm>>
    tpu.wait_indirect_dma semaphore(%arg10 : memref<!tpu.dma_semaphore, #tpu.memory_space<semaphore_mem>>) src(%dma_wait3A_36 : memref<20224x64xf32, #tpu.memory_space<hbm>>) dst(%dma_wait3A_30 : memref<128x64xf32, #tpu.memory_space<vmem>>)
    %dma_start3A_37 = arith.constant 0 : i32
    %dma_start3A_38 = arith.constant 0 : i32
    %dma_start3A_39 = arith.constant 0 : i32
    %dma_start3A_40 = arith.constant 0 : i32
    %dma_start3A_41 = tpu.memref_slice %arg9[%dma_start3A_37, %dma_start3A_39, %dma_start3A_40] : memref<4x128x64xf32, #tpu.memory_space<vmem>> -> memref<1x128x64xf32, #tpu.memory_space<vmem>>
    %dma_start3A_42 = tpu.memref_squeeze %dma_start3A_41 : memref<1x128x64xf32, #tpu.memory_space<vmem>> -> memref<128x64xf32, #tpu.memory_space<vmem>>
    %dma_start3A_43 = arith.constant 0 : i32
    %dma_start3A_44 = tpu.memref_slice %arg8[%dma_start3A_38, %dma_start3A_43] : memref<164x128xi32, #tpu.memory_space<vmem>> -> memref<1x128xi32, #tpu.memory_space<vmem>>
    %dma_start3A_45 = tpu.memref_squeeze %dma_start3A_44 : memref<1x128xi32, #tpu.memory_space<vmem>> -> memref<128xi32, #tpu.memory_space<vmem>>
    %dma_start3A_46 = arith.constant 0 : i32
    %dma_start3A_47 = arith.constant 0 : i32
    %dma_start3A_48 = tpu.memref_slice %arg18[%dma_start3A_46, %dma_start3A_47] : memref<10112x64xf32, #tpu.memory_space<vmem_shared>> -> memref<10112x64xf32, #tpu.memory_space<vmem_shared>>
    tpu.enqueue_indirect_dma source(%dma_start3A_42 : memref<128x64xf32, #tpu.memory_space<vmem>>) target(%dma_start3A_48 : memref<10112x64xf32, #tpu.memory_space<vmem_shared>>) offsets(%dma_start3A_45 : memref<128xi32, #tpu.memory_space<vmem>>) semaphore(%arg14 : memref<!tpu.dma_semaphore, #tpu.memory_space<semaphore_mem>>) {add = true}
    %dma_start3A_49 = arith.constant 2 : i32
    %dma_start3A_50 = arith.constant 2 : i32
    %dma_start3A_51 = arith.constant 0 : i32
    %dma_start3A_52 = arith.constant 0 : i32
    %dma_start3A_53 = tpu.memref_slice %arg9[%dma_start3A_50, %dma_start3A_51, %dma_start3A_52] : memref<4x128x64xf32, #tpu.memory_space<vmem>> -> memref<1x128x64xf32, #tpu.memory_space<vmem>>
    %dma_start3A_54 = tpu.memref_squeeze %dma_start3A_53 : memref<1x128x64xf32, #tpu.memory_space<vmem>> -> memref<128x64xf32, #tpu.memory_space<vmem>>
    %dma_start3A_55 = arith.constant 0 : i32
    %dma_start3A_56 = tpu.memref_slice %arg7[%dma_start3A_49, %dma_start3A_55] : memref<164x128xi32, #tpu.memory_space<vmem>> -> memref<1x128xi32, #tpu.memory_space<vmem>>
    %dma_start3A_57 = tpu.memref_squeeze %dma_start3A_56 : memref<1x128xi32, #tpu.memory_space<vmem>> -> memref<128xi32, #tpu.memory_space<vmem>>
    %dma_start3A_58 = arith.constant 0 : i32
    %dma_start3A_59 = arith.constant 0 : i32
    %dma_start3A_60 = tpu.memref_slice %arg4[%dma_start3A_58, %dma_start3A_59] : memref<20224x64xf32, #tpu.memory_space<hbm>> -> memref<20224x64xf32, #tpu.memory_space<hbm>>
    tpu.enqueue_indirect_dma source(%dma_start3A_60 : memref<20224x64xf32, #tpu.memory_space<hbm>>) target(%dma_start3A_54 : memref<128x64xf32, #tpu.memory_space<vmem>>) offsets(%dma_start3A_57 : memref<128xi32, #tpu.memory_space<vmem>>) semaphore(%arg12 : memref<!tpu.dma_semaphore, #tpu.memory_space<semaphore_mem>>)
    %dma_wait3A_61 = arith.constant 1 : i32
    %dma_wait3A_62 = arith.constant 1 : i32
    %dma_wait3A_63 = arith.constant 0 : i32
    %dma_wait3A_64 = arith.constant 0 : i32
    %dma_wait3A_65 = tpu.memref_slice %arg9[%dma_wait3A_62, %dma_wait3A_63, %dma_wait3A_64] : memref<4x128x64xf32, #tpu.memory_space<vmem>> -> memref<1x128x64xf32, #tpu.memory_space<vmem>>
    %dma_wait3A_66 = tpu.memref_squeeze %dma_wait3A_65 : memref<1x128x64xf32, #tpu.memory_space<vmem>> -> memref<128x64xf32, #tpu.memory_space<vmem>>
    %dma_wait3A_67 = arith.constant 0 : i32
    %dma_wait3A_68 = tpu.memref_slice %arg7[%dma_wait3A_61, %dma_wait3A_67] : memref<164x128xi32, #tpu.memory_space<vmem>> -> memref<1x128xi32, #tpu.memory_space<vmem>>
    %dma_wait3A_69 = tpu.memref_squeeze %dma_wait3A_68 : memref<1x128xi32, #tpu.memory_space<vmem>> -> memref<128xi32, #tpu.memory_space<vmem>>
    %dma_wait3A_70 = arith.constant 0 : i32
    %dma_wait3A_71 = arith.constant 0 : i32
    %dma_wait3A_72 = tpu.memref_slice %arg4[%dma_wait3A_70, %dma_wait3A_71] : memref<20224x64xf32, #tpu.memory_space<hbm>> -> memref<20224x64xf32, #tpu.memory_space<hbm>>
    tpu.wait_indirect_dma semaphore(%arg11 : memref<!tpu.dma_semaphore, #tpu.memory_space<semaphore_mem>>) src(%dma_wait3A_72 : memref<20224x64xf32, #tpu.memory_space<hbm>>) dst(%dma_wait3A_66 : memref<128x64xf32, #tpu.memory_space<vmem>>)
    %dma_start3A_73 = arith.constant 1 : i32
    %dma_start3A_74 = arith.constant 1 : i32
    %dma_start3A_75 = arith.constant 0 : i32
    %dma_start3A_76 = arith.constant 0 : i32
    %dma_start3A_77 = tpu.memref_slice %arg9[%dma_start3A_73, %dma_start3A_75, %dma_start3A_76] : memref<4x128x64xf32, #tpu.memory_space<vmem>> -> memref<1x128x64xf32, #tpu.memory_space<vmem>>
    %dma_start3A_78 = tpu.memref_squeeze %dma_start3A_77 : memref<1x128x64xf32, #tpu.memory_space<vmem>> -> memref<128x64xf32, #tpu.memory_space<vmem>>
    %dma_start3A_79 = arith.constant 0 : i32
    %dma_start3A_80 = tpu.memref_slice %arg8[%dma_start3A_74, %dma_start3A_79] : memref<164x128xi32, #tpu.memory_space<vmem>> -> memref<1x128xi32, #tpu.memory_space<vmem>>
    %dma_start3A_81 = tpu.memref_squeeze %dma_start3A_80 : memref<1x128xi32, #tpu.memory_space<vmem>> -> memref<128xi32, #tpu.memory_space<vmem>>
    %dma_start3A_82 = arith.constant 0 : i32
    %dma_start3A_83 = arith.constant 0 : i32
    %dma_start3A_84 = tpu.memref_slice %arg18[%dma_start3A_82, %dma_start3A_83] : memref<10112x64xf32, #tpu.memory_space<vmem_shared>> -> memref<10112x64xf32, #tpu.memory_space<vmem_shared>>
    tpu.enqueue_indirect_dma source(%dma_start3A_78 : memref<128x64xf32, #tpu.memory_space<vmem>>) target(%dma_start3A_84 : memref<10112x64xf32, #tpu.memory_space<vmem_shared>>) offsets(%dma_start3A_81 : memref<128xi32, #tpu.memory_space<vmem>>) semaphore(%arg15 : memref<!tpu.dma_semaphore, #tpu.memory_space<semaphore_mem>>) {add = true}
    %dma_start3A_85 = arith.constant 3 : i32
    %dma_start3A_86 = arith.constant 3 : i32
    %dma_start3A_87 = arith.constant 0 : i32
    %dma_start3A_88 = arith.constant 0 : i32
    %dma_start3A_89 = tpu.memref_slice %arg9[%dma_start3A_86, %dma_start3A_87, %dma_start3A_88] : memref<4x128x64xf32, #tpu.memory_space<vmem>> -> memref<1x128x64xf32, #tpu.memory_space<vmem>>
    %dma_start3A_90 = tpu.memref_squeeze %dma_start3A_89 : memref<1x128x64xf32, #tpu.memory_space<vmem>> -> memref<128x64xf32, #tpu.memory_space<vmem>>
    %dma_start3A_91 = arith.constant 0 : i32
    %dma_start3A_92 = tpu.memref_slice %arg7[%dma_start3A_85, %dma_start3A_91] : memref<164x128xi32, #tpu.memory_space<vmem>> -> memref<1x128xi32, #tpu.memory_space<vmem>>
    %dma_start3A_93 = tpu.memref_squeeze %dma_start3A_92 : memref<1x128xi32, #tpu.memory_space<vmem>> -> memref<128xi32, #tpu.memory_space<vmem>>
    %dma_start3A_94 = arith.constant 0 : i32
    %dma_start3A_95 = arith.constant 0 : i32
    %dma_start3A_96 = tpu.memref_slice %arg4[%dma_start3A_94, %dma_start3A_95] : memref<20224x64xf32, #tpu.memory_space<hbm>> -> memref<20224x64xf32, #tpu.memory_space<hbm>>
    tpu.enqueue_indirect_dma source(%dma_start3A_96 : memref<20224x64xf32, #tpu.memory_space<hbm>>) target(%dma_start3A_90 : memref<128x64xf32, #tpu.memory_space<vmem>>) offsets(%dma_start3A_93 : memref<128xi32, #tpu.memory_space<vmem>>) semaphore(%arg13 : memref<!tpu.dma_semaphore, #tpu.memory_space<semaphore_mem>>)
    %scan3A = arith.constant 0 : i32
    %scan3A_97 = arith.constant 0 : i32
    %scan3A_98 = arith.constant 40 : i32
    %scan3A_99 = arith.addi %scan3A_97, %scan3A_98 : i32
    %scan3A_100 = arith.constant 1 : i32
    scf.for %scan3A_205 = %scan3A_97 to %scan3A_99 step %scan3A_100  : i32 {
      %mul3A_206 = arith.constant 4 : i32
      %mul3A_207 = arith.muli %mul3A_206, %scan3A_205 : i32
      %add3A = arith.constant 2 : i32
      %add3A_208 = arith.addi %mul3A_207, %add3A : i32
      %add3A_209 = arith.constant 0 : i32
      %add3A_210 = arith.addi %add3A_208, %add3A_209 : i32
      %dma_wait3A_211 = arith.constant 2 : i32
      %dma_wait3A_212 = arith.constant 0 : i32
      %dma_wait3A_213 = arith.constant 0 : i32
      %dma_wait3A_214 = tpu.memref_slice %arg9[%dma_wait3A_211, %dma_wait3A_212, %dma_wait3A_213] : memref<4x128x64xf32, #tpu.memory_space<vmem>> -> memref<1x128x64xf32, #tpu.memory_space<vmem>>
      %dma_wait3A_215 = tpu.memref_squeeze %dma_wait3A_214 : memref<1x128x64xf32, #tpu.memory_space<vmem>> -> memref<128x64xf32, #tpu.memory_space<vmem>>
      %dma_wait3A_216 = arith.constant 0 : i32
      %dma_wait3A_217 = tpu.memref_slice %arg7[%add3A_210, %dma_wait3A_216] : memref<164x128xi32, #tpu.memory_space<vmem>> -> memref<1x128xi32, #tpu.memory_space<vmem>>
      %dma_wait3A_218 = tpu.memref_squeeze %dma_wait3A_217 : memref<1x128xi32, #tpu.memory_space<vmem>> -> memref<128xi32, #tpu.memory_space<vmem>>
      %dma_wait3A_219 = arith.constant 0 : i32
      %dma_wait3A_220 = arith.constant 0 : i32
      %dma_wait3A_221 = tpu.memref_slice %arg4[%dma_wait3A_219, %dma_wait3A_220] : memref<20224x64xf32, #tpu.memory_space<hbm>> -> memref<20224x64xf32, #tpu.memory_space<hbm>>
      tpu.wait_indirect_dma semaphore(%arg12 : memref<!tpu.dma_semaphore, #tpu.memory_space<semaphore_mem>>) src(%dma_wait3A_221 : memref<20224x64xf32, #tpu.memory_space<hbm>>) dst(%dma_wait3A_215 : memref<128x64xf32, #tpu.memory_space<vmem>>)
      %dma_start3A_222 = arith.constant 2 : i32
      %dma_start3A_223 = arith.constant 0 : i32
      %dma_start3A_224 = arith.constant 0 : i32
      %dma_start3A_225 = tpu.memref_slice %arg9[%dma_start3A_222, %dma_start3A_223, %dma_start3A_224] : memref<4x128x64xf32, #tpu.memory_space<vmem>> -> memref<1x128x64xf32, #tpu.memory_space<vmem>>
      %dma_start3A_226 = tpu.memref_squeeze %dma_start3A_225 : memref<1x128x64xf32, #tpu.memory_space<vmem>> -> memref<128x64xf32, #tpu.memory_space<vmem>>
      %dma_start3A_227 = arith.constant 0 : i32
      %dma_start3A_228 = tpu.memref_slice %arg8[%add3A_210, %dma_start3A_227] : memref<164x128xi32, #tpu.memory_space<vmem>> -> memref<1x128xi32, #tpu.memory_space<vmem>>
      %dma_start3A_229 = tpu.memref_squeeze %dma_start3A_228 : memref<1x128xi32, #tpu.memory_space<vmem>> -> memref<128xi32, #tpu.memory_space<vmem>>
      %dma_start3A_230 = arith.constant 0 : i32
      %dma_start3A_231 = arith.constant 0 : i32
      %dma_start3A_232 = tpu.memref_slice %arg18[%dma_start3A_230, %dma_start3A_231] : memref<10112x64xf32, #tpu.memory_space<vmem_shared>> -> memref<10112x64xf32, #tpu.memory_space<vmem_shared>>
      tpu.enqueue_indirect_dma source(%dma_start3A_226 : memref<128x64xf32, #tpu.memory_space<vmem>>) target(%dma_start3A_232 : memref<10112x64xf32, #tpu.memory_space<vmem_shared>>) offsets(%dma_start3A_229 : memref<128xi32, #tpu.memory_space<vmem>>) semaphore(%arg16 : memref<!tpu.dma_semaphore, #tpu.memory_space<semaphore_mem>>) {add = true}
      %sub3A = arith.constant 2 : i32
      %sub3A_233 = arith.subi %add3A_210, %sub3A : i32
      %dma_wait3A_234 = arith.constant 0 : i32
      %dma_wait3A_235 = arith.constant 0 : i32
      %dma_wait3A_236 = arith.constant 0 : i32
      %dma_wait3A_237 = tpu.memref_slice %arg9[%dma_wait3A_234, %dma_wait3A_235, %dma_wait3A_236] : memref<4x128x64xf32, #tpu.memory_space<vmem>> -> memref<1x128x64xf32, #tpu.memory_space<vmem>>
      %dma_wait3A_238 = tpu.memref_squeeze %dma_wait3A_237 : memref<1x128x64xf32, #tpu.memory_space<vmem>> -> memref<128x64xf32, #tpu.memory_space<vmem>>
      %dma_wait3A_239 = arith.constant 0 : i32
      %dma_wait3A_240 = tpu.memref_slice %arg8[%sub3A_233, %dma_wait3A_239] : memref<164x128xi32, #tpu.memory_space<vmem>> -> memref<1x128xi32, #tpu.memory_space<vmem>>
      %dma_wait3A_241 = tpu.memref_squeeze %dma_wait3A_240 : memref<1x128xi32, #tpu.memory_space<vmem>> -> memref<128xi32, #tpu.memory_space<vmem>>
      %dma_wait3A_242 = arith.constant 0 : i32
      %dma_wait3A_243 = arith.constant 0 : i32
      %dma_wait3A_244 = tpu.memref_slice %arg18[%dma_wait3A_242, %dma_wait3A_243] : memref<10112x64xf32, #tpu.memory_space<vmem_shared>> -> memref<10112x64xf32, #tpu.memory_space<vmem_shared>>
      tpu.wait_indirect_dma semaphore(%arg14 : memref<!tpu.dma_semaphore, #tpu.memory_space<semaphore_mem>>) src(%dma_wait3A_238 : memref<128x64xf32, #tpu.memory_space<vmem>>) dst(%dma_wait3A_244 : memref<10112x64xf32, #tpu.memory_space<vmem_shared>>)
      %add3A_245 = arith.constant 2 : i32
      %add3A_246 = arith.addi %add3A_210, %add3A_245 : i32
      %dma_start3A_247 = arith.constant 0 : i32
      %dma_start3A_248 = arith.constant 0 : i32
      %dma_start3A_249 = arith.constant 0 : i32
      %dma_start3A_250 = tpu.memref_slice %arg9[%dma_start3A_247, %dma_start3A_248, %dma_start3A_249] : memref<4x128x64xf32, #tpu.memory_space<vmem>> -> memref<1x128x64xf32, #tpu.memory_space<vmem>>
      %dma_start3A_251 = tpu.memref_squeeze %dma_start3A_250 : memref<1x128x64xf32, #tpu.memory_space<vmem>> -> memref<128x64xf32, #tpu.memory_space<vmem>>
      %dma_start3A_252 = arith.constant 0 : i32
      %dma_start3A_253 = tpu.memref_slice %arg7[%add3A_246, %dma_start3A_252] : memref<164x128xi32, #tpu.memory_space<vmem>> -> memref<1x128xi32, #tpu.memory_space<vmem>>
      %dma_start3A_254 = tpu.memref_squeeze %dma_start3A_253 : memref<1x128xi32, #tpu.memory_space<vmem>> -> memref<128xi32, #tpu.memory_space<vmem>>
      %dma_start3A_255 = arith.constant 0 : i32
      %dma_start3A_256 = arith.constant 0 : i32
      %dma_start3A_257 = tpu.memref_slice %arg4[%dma_start3A_255, %dma_start3A_256] : memref<20224x64xf32, #tpu.memory_space<hbm>> -> memref<20224x64xf32, #tpu.memory_space<hbm>>
      tpu.enqueue_indirect_dma source(%dma_start3A_257 : memref<20224x64xf32, #tpu.memory_space<hbm>>) target(%dma_start3A_251 : memref<128x64xf32, #tpu.memory_space<vmem>>) offsets(%dma_start3A_254 : memref<128xi32, #tpu.memory_space<vmem>>) semaphore(%arg10 : memref<!tpu.dma_semaphore, #tpu.memory_space<semaphore_mem>>)
      %mul3A_258 = arith.constant 4 : i32
      %mul3A_259 = arith.muli %mul3A_258, %scan3A_205 : i32
      %add3A_260 = arith.constant 2 : i32
      %add3A_261 = arith.addi %mul3A_259, %add3A_260 : i32
      %add3A_262 = arith.constant 1 : i32
      %add3A_263 = arith.addi %add3A_261, %add3A_262 : i32
      %dma_wait3A_264 = arith.constant 3 : i32
      %dma_wait3A_265 = arith.constant 0 : i32
      %dma_wait3A_266 = arith.constant 0 : i32
      %dma_wait3A_267 = tpu.memref_slice %arg9[%dma_wait3A_264, %dma_wait3A_265, %dma_wait3A_266] : memref<4x128x64xf32, #tpu.memory_space<vmem>> -> memref<1x128x64xf32, #tpu.memory_space<vmem>>
      %dma_wait3A_268 = tpu.memref_squeeze %dma_wait3A_267 : memref<1x128x64xf32, #tpu.memory_space<vmem>> -> memref<128x64xf32, #tpu.memory_space<vmem>>
      %dma_wait3A_269 = arith.constant 0 : i32
      %dma_wait3A_270 = tpu.memref_slice %arg7[%add3A_263, %dma_wait3A_269] : memref<164x128xi32, #tpu.memory_space<vmem>> -> memref<1x128xi32, #tpu.memory_space<vmem>>
      %dma_wait3A_271 = tpu.memref_squeeze %dma_wait3A_270 : memref<1x128xi32, #tpu.memory_space<vmem>> -> memref<128xi32, #tpu.memory_space<vmem>>
      %dma_wait3A_272 = arith.constant 0 : i32
      %dma_wait3A_273 = arith.constant 0 : i32
      %dma_wait3A_274 = tpu.memref_slice %arg4[%dma_wait3A_272, %dma_wait3A_273] : memref<20224x64xf32, #tpu.memory_space<hbm>> -> memref<20224x64xf32, #tpu.memory_space<hbm>>
      tpu.wait_indirect_dma semaphore(%arg13 : memref<!tpu.dma_semaphore, #tpu.memory_space<semaphore_mem>>) src(%dma_wait3A_274 : memref<20224x64xf32, #tpu.memory_space<hbm>>) dst(%dma_wait3A_268 : memref<128x64xf32, #tpu.memory_space<vmem>>)
      %dma_start3A_275 = arith.constant 3 : i32
      %dma_start3A_276 = arith.constant 0 : i32
      %dma_start3A_277 = arith.constant 0 : i32
      %dma_start3A_278 = tpu.memref_slice %arg9[%dma_start3A_275, %dma_start3A_276, %dma_start3A_277] : memref<4x128x64xf32, #tpu.memory_space<vmem>> -> memref<1x128x64xf32, #tpu.memory_space<vmem>>
      %dma_start3A_279 = tpu.memref_squeeze %dma_start3A_278 : memref<1x128x64xf32, #tpu.memory_space<vmem>> -> memref<128x64xf32, #tpu.memory_space<vmem>>
      %dma_start3A_280 = arith.constant 0 : i32
      %dma_start3A_281 = tpu.memref_slice %arg8[%add3A_263, %dma_start3A_280] : memref<164x128xi32, #tpu.memory_space<vmem>> -> memref<1x128xi32, #tpu.memory_space<vmem>>
      %dma_start3A_282 = tpu.memref_squeeze %dma_start3A_281 : memref<1x128xi32, #tpu.memory_space<vmem>> -> memref<128xi32, #tpu.memory_space<vmem>>
      %dma_start3A_283 = arith.constant 0 : i32
      %dma_start3A_284 = arith.constant 0 : i32
      %dma_start3A_285 = tpu.memref_slice %arg18[%dma_start3A_283, %dma_start3A_284] : memref<10112x64xf32, #tpu.memory_space<vmem_shared>> -> memref<10112x64xf32, #tpu.memory_space<vmem_shared>>
      tpu.enqueue_indirect_dma source(%dma_start3A_279 : memref<128x64xf32, #tpu.memory_space<vmem>>) target(%dma_start3A_285 : memref<10112x64xf32, #tpu.memory_space<vmem_shared>>) offsets(%dma_start3A_282 : memref<128xi32, #tpu.memory_space<vmem>>) semaphore(%arg17 : memref<!tpu.dma_semaphore, #tpu.memory_space<semaphore_mem>>) {add = true}
      %sub3A_286 = arith.constant 2 : i32
      %sub3A_287 = arith.subi %add3A_263, %sub3A_286 : i32
      %dma_wait3A_288 = arith.constant 1 : i32
      %dma_wait3A_289 = arith.constant 0 : i32
      %dma_wait3A_290 = arith.constant 0 : i32
      %dma_wait3A_291 = tpu.memref_slice %arg9[%dma_wait3A_288, %dma_wait3A_289, %dma_wait3A_290] : memref<4x128x64xf32, #tpu.memory_space<vmem>> -> memref<1x128x64xf32, #tpu.memory_space<vmem>>
      %dma_wait3A_292 = tpu.memref_squeeze %dma_wait3A_291 : memref<1x128x64xf32, #tpu.memory_space<vmem>> -> memref<128x64xf32, #tpu.memory_space<vmem>>
      %dma_wait3A_293 = arith.constant 0 : i32
      %dma_wait3A_294 = tpu.memref_slice %arg8[%sub3A_287, %dma_wait3A_293] : memref<164x128xi32, #tpu.memory_space<vmem>> -> memref<1x128xi32, #tpu.memory_space<vmem>>
      %dma_wait3A_295 = tpu.memref_squeeze %dma_wait3A_294 : memref<1x128xi32, #tpu.memory_space<vmem>> -> memref<128xi32, #tpu.memory_space<vmem>>
      %dma_wait3A_296 = arith.constant 0 : i32
      %dma_wait3A_297 = arith.constant 0 : i32
      %dma_wait3A_298 = tpu.memref_slice %arg18[%dma_wait3A_296, %dma_wait3A_297] : memref<10112x64xf32, #tpu.memory_space<vmem_shared>> -> memref<10112x64xf32, #tpu.memory_space<vmem_shared>>
      tpu.wait_indirect_dma semaphore(%arg15 : memref<!tpu.dma_semaphore, #tpu.memory_space<semaphore_mem>>) src(%dma_wait3A_292 : memref<128x64xf32, #tpu.memory_space<vmem>>) dst(%dma_wait3A_298 : memref<10112x64xf32, #tpu.memory_space<vmem_shared>>)
      %add3A_299 = arith.constant 2 : i32
      %add3A_300 = arith.addi %add3A_263, %add3A_299 : i32
      %dma_start3A_301 = arith.constant 1 : i32
      %dma_start3A_302 = arith.constant 0 : i32
      %dma_start3A_303 = arith.constant 0 : i32
      %dma_start3A_304 = tpu.memref_slice %arg9[%dma_start3A_301, %dma_start3A_302, %dma_start3A_303] : memref<4x128x64xf32, #tpu.memory_space<vmem>> -> memref<1x128x64xf32, #tpu.memory_space<vmem>>
      %dma_start3A_305 = tpu.memref_squeeze %dma_start3A_304 : memref<1x128x64xf32, #tpu.memory_space<vmem>> -> memref<128x64xf32, #tpu.memory_space<vmem>>
      %dma_start3A_306 = arith.constant 0 : i32
      %dma_start3A_307 = tpu.memref_slice %arg7[%add3A_300, %dma_start3A_306] : memref<164x128xi32, #tpu.memory_space<vmem>> -> memref<1x128xi32, #tpu.memory_space<vmem>>
      %dma_start3A_308 = tpu.memref_squeeze %dma_start3A_307 : memref<1x128xi32, #tpu.memory_space<vmem>> -> memref<128xi32, #tpu.memory_space<vmem>>
      %dma_start3A_309 = arith.constant 0 : i32
      %dma_start3A_310 = arith.constant 0 : i32
      %dma_start3A_311 = tpu.memref_slice %arg4[%dma_start3A_309, %dma_start3A_310] : memref<20224x64xf32, #tpu.memory_space<hbm>> -> memref<20224x64xf32, #tpu.memory_space<hbm>>
      tpu.enqueue_indirect_dma source(%dma_start3A_311 : memref<20224x64xf32, #tpu.memory_space<hbm>>) target(%dma_start3A_305 : memref<128x64xf32, #tpu.memory_space<vmem>>) offsets(%dma_start3A_308 : memref<128xi32, #tpu.memory_space<vmem>>) semaphore(%arg11 : memref<!tpu.dma_semaphore, #tpu.memory_space<semaphore_mem>>)
      %mul3A_312 = arith.constant 4 : i32
      %mul3A_313 = arith.muli %mul3A_312, %scan3A_205 : i32
      %add3A_314 = arith.constant 2 : i32
      %add3A_315 = arith.addi %mul3A_313, %add3A_314 : i32
      %add3A_316 = arith.constant 2 : i32
      %add3A_317 = arith.addi %add3A_315, %add3A_316 : i32
      %dma_wait3A_318 = arith.constant 0 : i32
      %dma_wait3A_319 = arith.constant 0 : i32
      %dma_wait3A_320 = arith.constant 0 : i32
      %dma_wait3A_321 = tpu.memref_slice %arg9[%dma_wait3A_318, %dma_wait3A_319, %dma_wait3A_320] : memref<4x128x64xf32, #tpu.memory_space<vmem>> -> memref<1x128x64xf32, #tpu.memory_space<vmem>>
      %dma_wait3A_322 = tpu.memref_squeeze %dma_wait3A_321 : memref<1x128x64xf32, #tpu.memory_space<vmem>> -> memref<128x64xf32, #tpu.memory_space<vmem>>
      %dma_wait3A_323 = arith.constant 0 : i32
      %dma_wait3A_324 = tpu.memref_slice %arg7[%add3A_317, %dma_wait3A_323] : memref<164x128xi32, #tpu.memory_space<vmem>> -> memref<1x128xi32, #tpu.memory_space<vmem>>
      %dma_wait3A_325 = tpu.memref_squeeze %dma_wait3A_324 : memref<1x128xi32, #tpu.memory_space<vmem>> -> memref<128xi32, #tpu.memory_space<vmem>>
      %dma_wait3A_326 = arith.constant 0 : i32
      %dma_wait3A_327 = arith.constant 0 : i32
      %dma_wait3A_328 = tpu.memref_slice %arg4[%dma_wait3A_326, %dma_wait3A_327] : memref<20224x64xf32, #tpu.memory_space<hbm>> -> memref<20224x64xf32, #tpu.memory_space<hbm>>
      tpu.wait_indirect_dma semaphore(%arg10 : memref<!tpu.dma_semaphore, #tpu.memory_space<semaphore_mem>>) src(%dma_wait3A_328 : memref<20224x64xf32, #tpu.memory_space<hbm>>) dst(%dma_wait3A_322 : memref<128x64xf32, #tpu.memory_space<vmem>>)
      %dma_start3A_329 = arith.constant 0 : i32
      %dma_start3A_330 = arith.constant 0 : i32
      %dma_start3A_331 = arith.constant 0 : i32
      %dma_start3A_332 = tpu.memref_slice %arg9[%dma_start3A_329, %dma_start3A_330, %dma_start3A_331] : memref<4x128x64xf32, #tpu.memory_space<vmem>> -> memref<1x128x64xf32, #tpu.memory_space<vmem>>
      %dma_start3A_333 = tpu.memref_squeeze %dma_start3A_332 : memref<1x128x64xf32, #tpu.memory_space<vmem>> -> memref<128x64xf32, #tpu.memory_space<vmem>>
      %dma_start3A_334 = arith.constant 0 : i32
      %dma_start3A_335 = tpu.memref_slice %arg8[%add3A_317, %dma_start3A_334] : memref<164x128xi32, #tpu.memory_space<vmem>> -> memref<1x128xi32, #tpu.memory_space<vmem>>
      %dma_start3A_336 = tpu.memref_squeeze %dma_start3A_335 : memref<1x128xi32, #tpu.memory_space<vmem>> -> memref<128xi32, #tpu.memory_space<vmem>>
      %dma_start3A_337 = arith.constant 0 : i32
      %dma_start3A_338 = arith.constant 0 : i32
      %dma_start3A_339 = tpu.memref_slice %arg18[%dma_start3A_337, %dma_start3A_338] : memref<10112x64xf32, #tpu.memory_space<vmem_shared>> -> memref<10112x64xf32, #tpu.memory_space<vmem_shared>>
      tpu.enqueue_indirect_dma source(%dma_start3A_333 : memref<128x64xf32, #tpu.memory_space<vmem>>) target(%dma_start3A_339 : memref<10112x64xf32, #tpu.memory_space<vmem_shared>>) offsets(%dma_start3A_336 : memref<128xi32, #tpu.memory_space<vmem>>) semaphore(%arg14 : memref<!tpu.dma_semaphore, #tpu.memory_space<semaphore_mem>>) {add = true}
      %sub3A_340 = arith.constant 2 : i32
      %sub3A_341 = arith.subi %add3A_317, %sub3A_340 : i32
      %dma_wait3A_342 = arith.constant 2 : i32
      %dma_wait3A_343 = arith.constant 0 : i32
      %dma_wait3A_344 = arith.constant 0 : i32
      %dma_wait3A_345 = tpu.memref_slice %arg9[%dma_wait3A_342, %dma_wait3A_343, %dma_wait3A_344] : memref<4x128x64xf32, #tpu.memory_space<vmem>> -> memref<1x128x64xf32, #tpu.memory_space<vmem>>
      %dma_wait3A_346 = tpu.memref_squeeze %dma_wait3A_345 : memref<1x128x64xf32, #tpu.memory_space<vmem>> -> memref<128x64xf32, #tpu.memory_space<vmem>>
      %dma_wait3A_347 = arith.constant 0 : i32
      %dma_wait3A_348 = tpu.memref_slice %arg8[%sub3A_341, %dma_wait3A_347] : memref<164x128xi32, #tpu.memory_space<vmem>> -> memref<1x128xi32, #tpu.memory_space<vmem>>
      %dma_wait3A_349 = tpu.memref_squeeze %dma_wait3A_348 : memref<1x128xi32, #tpu.memory_space<vmem>> -> memref<128xi32, #tpu.memory_space<vmem>>
      %dma_wait3A_350 = arith.constant 0 : i32
      %dma_wait3A_351 = arith.constant 0 : i32
      %dma_wait3A_352 = tpu.memref_slice %arg18[%dma_wait3A_350, %dma_wait3A_351] : memref<10112x64xf32, #tpu.memory_space<vmem_shared>> -> memref<10112x64xf32, #tpu.memory_space<vmem_shared>>
      tpu.wait_indirect_dma semaphore(%arg16 : memref<!tpu.dma_semaphore, #tpu.memory_space<semaphore_mem>>) src(%dma_wait3A_346 : memref<128x64xf32, #tpu.memory_space<vmem>>) dst(%dma_wait3A_352 : memref<10112x64xf32, #tpu.memory_space<vmem_shared>>)
      %add3A_353 = arith.constant 2 : i32
      %add3A_354 = arith.addi %add3A_317, %add3A_353 : i32
      %dma_start3A_355 = arith.constant 2 : i32
      %dma_start3A_356 = arith.constant 0 : i32
      %dma_start3A_357 = arith.constant 0 : i32
      %dma_start3A_358 = tpu.memref_slice %arg9[%dma_start3A_355, %dma_start3A_356, %dma_start3A_357] : memref<4x128x64xf32, #tpu.memory_space<vmem>> -> memref<1x128x64xf32, #tpu.memory_space<vmem>>
      %dma_start3A_359 = tpu.memref_squeeze %dma_start3A_358 : memref<1x128x64xf32, #tpu.memory_space<vmem>> -> memref<128x64xf32, #tpu.memory_space<vmem>>
      %dma_start3A_360 = arith.constant 0 : i32
      %dma_start3A_361 = tpu.memref_slice %arg7[%add3A_354, %dma_start3A_360] : memref<164x128xi32, #tpu.memory_space<vmem>> -> memref<1x128xi32, #tpu.memory_space<vmem>>
      %dma_start3A_362 = tpu.memref_squeeze %dma_start3A_361 : memref<1x128xi32, #tpu.memory_space<vmem>> -> memref<128xi32, #tpu.memory_space<vmem>>
      %dma_start3A_363 = arith.constant 0 : i32
      %dma_start3A_364 = arith.constant 0 : i32
      %dma_start3A_365 = tpu.memref_slice %arg4[%dma_start3A_363, %dma_start3A_364] : memref<20224x64xf32, #tpu.memory_space<hbm>> -> memref<20224x64xf32, #tpu.memory_space<hbm>>
      tpu.enqueue_indirect_dma source(%dma_start3A_365 : memref<20224x64xf32, #tpu.memory_space<hbm>>) target(%dma_start3A_359 : memref<128x64xf32, #tpu.memory_space<vmem>>) offsets(%dma_start3A_362 : memref<128xi32, #tpu.memory_space<vmem>>) semaphore(%arg12 : memref<!tpu.dma_semaphore, #tpu.memory_space<semaphore_mem>>)
      %mul3A_366 = arith.constant 4 : i32
      %mul3A_367 = arith.muli %mul3A_366, %scan3A_205 : i32
      %add3A_368 = arith.constant 2 : i32
      %add3A_369 = arith.addi %mul3A_367, %add3A_368 : i32
      %add3A_370 = arith.constant 3 : i32
      %add3A_371 = arith.addi %add3A_369, %add3A_370 : i32
      %dma_wait3A_372 = arith.constant 1 : i32
      %dma_wait3A_373 = arith.constant 0 : i32
      %dma_wait3A_374 = arith.constant 0 : i32
      %dma_wait3A_375 = tpu.memref_slice %arg9[%dma_wait3A_372, %dma_wait3A_373, %dma_wait3A_374] : memref<4x128x64xf32, #tpu.memory_space<vmem>> -> memref<1x128x64xf32, #tpu.memory_space<vmem>>
      %dma_wait3A_376 = tpu.memref_squeeze %dma_wait3A_375 : memref<1x128x64xf32, #tpu.memory_space<vmem>> -> memref<128x64xf32, #tpu.memory_space<vmem>>
      %dma_wait3A_377 = arith.constant 0 : i32
      %dma_wait3A_378 = tpu.memref_slice %arg7[%add3A_371, %dma_wait3A_377] : memref<164x128xi32, #tpu.memory_space<vmem>> -> memref<1x128xi32, #tpu.memory_space<vmem>>
      %dma_wait3A_379 = tpu.memref_squeeze %dma_wait3A_378 : memref<1x128xi32, #tpu.memory_space<vmem>> -> memref<128xi32, #tpu.memory_space<vmem>>
      %dma_wait3A_380 = arith.constant 0 : i32
      %dma_wait3A_381 = arith.constant 0 : i32
      %dma_wait3A_382 = tpu.memref_slice %arg4[%dma_wait3A_380, %dma_wait3A_381] : memref<20224x64xf32, #tpu.memory_space<hbm>> -> memref<20224x64xf32, #tpu.memory_space<hbm>>
      tpu.wait_indirect_dma semaphore(%arg11 : memref<!tpu.dma_semaphore, #tpu.memory_space<semaphore_mem>>) src(%dma_wait3A_382 : memref<20224x64xf32, #tpu.memory_space<hbm>>) dst(%dma_wait3A_376 : memref<128x64xf32, #tpu.memory_space<vmem>>)
      %dma_start3A_383 = arith.constant 1 : i32
      %dma_start3A_384 = arith.constant 0 : i32
      %dma_start3A_385 = arith.constant 0 : i32
      %dma_start3A_386 = tpu.memref_slice %arg9[%dma_start3A_383, %dma_start3A_384, %dma_start3A_385] : memref<4x128x64xf32, #tpu.memory_space<vmem>> -> memref<1x128x64xf32, #tpu.memory_space<vmem>>
      %dma_start3A_387 = tpu.memref_squeeze %dma_start3A_386 : memref<1x128x64xf32, #tpu.memory_space<vmem>> -> memref<128x64xf32, #tpu.memory_space<vmem>>
      %dma_start3A_388 = arith.constant 0 : i32
      %dma_start3A_389 = tpu.memref_slice %arg8[%add3A_371, %dma_start3A_388] : memref<164x128xi32, #tpu.memory_space<vmem>> -> memref<1x128xi32, #tpu.memory_space<vmem>>
      %dma_start3A_390 = tpu.memref_squeeze %dma_start3A_389 : memref<1x128xi32, #tpu.memory_space<vmem>> -> memref<128xi32, #tpu.memory_space<vmem>>
      %dma_start3A_391 = arith.constant 0 : i32
      %dma_start3A_392 = arith.constant 0 : i32
      %dma_start3A_393 = tpu.memref_slice %arg18[%dma_start3A_391, %dma_start3A_392] : memref<10112x64xf32, #tpu.memory_space<vmem_shared>> -> memref<10112x64xf32, #tpu.memory_space<vmem_shared>>
      tpu.enqueue_indirect_dma source(%dma_start3A_387 : memref<128x64xf32, #tpu.memory_space<vmem>>) target(%dma_start3A_393 : memref<10112x64xf32, #tpu.memory_space<vmem_shared>>) offsets(%dma_start3A_390 : memref<128xi32, #tpu.memory_space<vmem>>) semaphore(%arg15 : memref<!tpu.dma_semaphore, #tpu.memory_space<semaphore_mem>>) {add = true}
      %sub3A_394 = arith.constant 2 : i32
      %sub3A_395 = arith.subi %add3A_371, %sub3A_394 : i32
      %dma_wait3A_396 = arith.constant 3 : i32
      %dma_wait3A_397 = arith.constant 0 : i32
      %dma_wait3A_398 = arith.constant 0 : i32
      %dma_wait3A_399 = tpu.memref_slice %arg9[%dma_wait3A_396, %dma_wait3A_397, %dma_wait3A_398] : memref<4x128x64xf32, #tpu.memory_space<vmem>> -> memref<1x128x64xf32, #tpu.memory_space<vmem>>
      %dma_wait3A_400 = tpu.memref_squeeze %dma_wait3A_399 : memref<1x128x64xf32, #tpu.memory_space<vmem>> -> memref<128x64xf32, #tpu.memory_space<vmem>>
      %dma_wait3A_401 = arith.constant 0 : i32
      %dma_wait3A_402 = tpu.memref_slice %arg8[%sub3A_395, %dma_wait3A_401] : memref<164x128xi32, #tpu.memory_space<vmem>> -> memref<1x128xi32, #tpu.memory_space<vmem>>
      %dma_wait3A_403 = tpu.memref_squeeze %dma_wait3A_402 : memref<1x128xi32, #tpu.memory_space<vmem>> -> memref<128xi32, #tpu.memory_space<vmem>>
      %dma_wait3A_404 = arith.constant 0 : i32
      %dma_wait3A_405 = arith.constant 0 : i32
      %dma_wait3A_406 = tpu.memref_slice %arg18[%dma_wait3A_404, %dma_wait3A_405] : memref<10112x64xf32, #tpu.memory_space<vmem_shared>> -> memref<10112x64xf32, #tpu.memory_space<vmem_shared>>
      tpu.wait_indirect_dma semaphore(%arg17 : memref<!tpu.dma_semaphore, #tpu.memory_space<semaphore_mem>>) src(%dma_wait3A_400 : memref<128x64xf32, #tpu.memory_space<vmem>>) dst(%dma_wait3A_406 : memref<10112x64xf32, #tpu.memory_space<vmem_shared>>)
      %add3A_407 = arith.constant 2 : i32
      %add3A_408 = arith.addi %add3A_371, %add3A_407 : i32
      %dma_start3A_409 = arith.constant 3 : i32
      %dma_start3A_410 = arith.constant 0 : i32
      %dma_start3A_411 = arith.constant 0 : i32
      %dma_start3A_412 = tpu.memref_slice %arg9[%dma_start3A_409, %dma_start3A_410, %dma_start3A_411] : memref<4x128x64xf32, #tpu.memory_space<vmem>> -> memref<1x128x64xf32, #tpu.memory_space<vmem>>
      %dma_start3A_413 = tpu.memref_squeeze %dma_start3A_412 : memref<1x128x64xf32, #tpu.memory_space<vmem>> -> memref<128x64xf32, #tpu.memory_space<vmem>>
      %dma_start3A_414 = arith.constant 0 : i32
      %dma_start3A_415 = tpu.memref_slice %arg7[%add3A_408, %dma_start3A_414] : memref<164x128xi32, #tpu.memory_space<vmem>> -> memref<1x128xi32, #tpu.memory_space<vmem>>
      %dma_start3A_416 = tpu.memref_squeeze %dma_start3A_415 : memref<1x128xi32, #tpu.memory_space<vmem>> -> memref<128xi32, #tpu.memory_space<vmem>>
      %dma_start3A_417 = arith.constant 0 : i32
      %dma_start3A_418 = arith.constant 0 : i32
      %dma_start3A_419 = tpu.memref_slice %arg4[%dma_start3A_417, %dma_start3A_418] : memref<20224x64xf32, #tpu.memory_space<hbm>> -> memref<20224x64xf32, #tpu.memory_space<hbm>>
      tpu.enqueue_indirect_dma source(%dma_start3A_419 : memref<20224x64xf32, #tpu.memory_space<hbm>>) target(%dma_start3A_413 : memref<128x64xf32, #tpu.memory_space<vmem>>) offsets(%dma_start3A_416 : memref<128xi32, #tpu.memory_space<vmem>>) semaphore(%arg13 : memref<!tpu.dma_semaphore, #tpu.memory_space<semaphore_mem>>)
    }
    %scan3A_101 = arith.constant 40 : i32
    %dma_wait3A_102 = arith.constant 162 : i32
    %dma_wait3A_103 = arith.constant 2 : i32
    %dma_wait3A_104 = arith.constant 0 : i32
    %dma_wait3A_105 = arith.constant 0 : i32
    %dma_wait3A_106 = tpu.memref_slice %arg9[%dma_wait3A_103, %dma_wait3A_104, %dma_wait3A_105] : memref<4x128x64xf32, #tpu.memory_space<vmem>> -> memref<1x128x64xf32, #tpu.memory_space<vmem>>
    %dma_wait3A_107 = tpu.memref_squeeze %dma_wait3A_106 : memref<1x128x64xf32, #tpu.memory_space<vmem>> -> memref<128x64xf32, #tpu.memory_space<vmem>>
    %dma_wait3A_108 = arith.constant 0 : i32
    %dma_wait3A_109 = tpu.memref_slice %arg7[%dma_wait3A_102, %dma_wait3A_108] : memref<164x128xi32, #tpu.memory_space<vmem>> -> memref<1x128xi32, #tpu.memory_space<vmem>>
    %dma_wait3A_110 = tpu.memref_squeeze %dma_wait3A_109 : memref<1x128xi32, #tpu.memory_space<vmem>> -> memref<128xi32, #tpu.memory_space<vmem>>
    %dma_wait3A_111 = arith.constant 0 : i32
    %dma_wait3A_112 = arith.constant 0 : i32
    %dma_wait3A_113 = tpu.memref_slice %arg4[%dma_wait3A_111, %dma_wait3A_112] : memref<20224x64xf32, #tpu.memory_space<hbm>> -> memref<20224x64xf32, #tpu.memory_space<hbm>>
    tpu.wait_indirect_dma semaphore(%arg12 : memref<!tpu.dma_semaphore, #tpu.memory_space<semaphore_mem>>) src(%dma_wait3A_113 : memref<20224x64xf32, #tpu.memory_space<hbm>>) dst(%dma_wait3A_107 : memref<128x64xf32, #tpu.memory_space<vmem>>)
    %dma_start3A_114 = arith.constant 2 : i32
    %dma_start3A_115 = arith.constant 162 : i32
    %dma_start3A_116 = arith.constant 0 : i32
    %dma_start3A_117 = arith.constant 0 : i32
    %dma_start3A_118 = tpu.memref_slice %arg9[%dma_start3A_114, %dma_start3A_116, %dma_start3A_117] : memref<4x128x64xf32, #tpu.memory_space<vmem>> -> memref<1x128x64xf32, #tpu.memory_space<vmem>>
    %dma_start3A_119 = tpu.memref_squeeze %dma_start3A_118 : memref<1x128x64xf32, #tpu.memory_space<vmem>> -> memref<128x64xf32, #tpu.memory_space<vmem>>
    %dma_start3A_120 = arith.constant 0 : i32
    %dma_start3A_121 = tpu.memref_slice %arg8[%dma_start3A_115, %dma_start3A_120] : memref<164x128xi32, #tpu.memory_space<vmem>> -> memref<1x128xi32, #tpu.memory_space<vmem>>
    %dma_start3A_122 = tpu.memref_squeeze %dma_start3A_121 : memref<1x128xi32, #tpu.memory_space<vmem>> -> memref<128xi32, #tpu.memory_space<vmem>>
    %dma_start3A_123 = arith.constant 0 : i32
    %dma_start3A_124 = arith.constant 0 : i32
    %dma_start3A_125 = tpu.memref_slice %arg18[%dma_start3A_123, %dma_start3A_124] : memref<10112x64xf32, #tpu.memory_space<vmem_shared>> -> memref<10112x64xf32, #tpu.memory_space<vmem_shared>>
    tpu.enqueue_indirect_dma source(%dma_start3A_119 : memref<128x64xf32, #tpu.memory_space<vmem>>) target(%dma_start3A_125 : memref<10112x64xf32, #tpu.memory_space<vmem_shared>>) offsets(%dma_start3A_122 : memref<128xi32, #tpu.memory_space<vmem>>) semaphore(%arg16 : memref<!tpu.dma_semaphore, #tpu.memory_space<semaphore_mem>>) {add = true}
    %dma_wait3A_126 = arith.constant 0 : i32
    %dma_wait3A_127 = arith.constant 160 : i32
    %dma_wait3A_128 = arith.constant 0 : i32
    %dma_wait3A_129 = arith.constant 0 : i32
    %dma_wait3A_130 = tpu.memref_slice %arg9[%dma_wait3A_126, %dma_wait3A_128, %dma_wait3A_129] : memref<4x128x64xf32, #tpu.memory_space<vmem>> -> memref<1x128x64xf32, #tpu.memory_space<vmem>>
    %dma_wait3A_131 = tpu.memref_squeeze %dma_wait3A_130 : memref<1x128x64xf32, #tpu.memory_space<vmem>> -> memref<128x64xf32, #tpu.memory_space<vmem>>
    %dma_wait3A_132 = arith.constant 0 : i32
    %dma_wait3A_133 = tpu.memref_slice %arg8[%dma_wait3A_127, %dma_wait3A_132] : memref<164x128xi32, #tpu.memory_space<vmem>> -> memref<1x128xi32, #tpu.memory_space<vmem>>
    %dma_wait3A_134 = tpu.memref_squeeze %dma_wait3A_133 : memref<1x128xi32, #tpu.memory_space<vmem>> -> memref<128xi32, #tpu.memory_space<vmem>>
    %dma_wait3A_135 = arith.constant 0 : i32
    %dma_wait3A_136 = arith.constant 0 : i32
    %dma_wait3A_137 = tpu.memref_slice %arg18[%dma_wait3A_135, %dma_wait3A_136] : memref<10112x64xf32, #tpu.memory_space<vmem_shared>> -> memref<10112x64xf32, #tpu.memory_space<vmem_shared>>
    tpu.wait_indirect_dma semaphore(%arg14 : memref<!tpu.dma_semaphore, #tpu.memory_space<semaphore_mem>>) src(%dma_wait3A_131 : memref<128x64xf32, #tpu.memory_space<vmem>>) dst(%dma_wait3A_137 : memref<10112x64xf32, #tpu.memory_space<vmem_shared>>)
    %dma_wait3A_138 = arith.constant 163 : i32
    %dma_wait3A_139 = arith.constant 3 : i32
    %dma_wait3A_140 = arith.constant 0 : i32
    %dma_wait3A_141 = arith.constant 0 : i32
    %dma_wait3A_142 = tpu.memref_slice %arg9[%dma_wait3A_139, %dma_wait3A_140, %dma_wait3A_141] : memref<4x128x64xf32, #tpu.memory_space<vmem>> -> memref<1x128x64xf32, #tpu.memory_space<vmem>>
    %dma_wait3A_143 = tpu.memref_squeeze %dma_wait3A_142 : memref<1x128x64xf32, #tpu.memory_space<vmem>> -> memref<128x64xf32, #tpu.memory_space<vmem>>
    %dma_wait3A_144 = arith.constant 0 : i32
    %dma_wait3A_145 = tpu.memref_slice %arg7[%dma_wait3A_138, %dma_wait3A_144] : memref<164x128xi32, #tpu.memory_space<vmem>> -> memref<1x128xi32, #tpu.memory_space<vmem>>
    %dma_wait3A_146 = tpu.memref_squeeze %dma_wait3A_145 : memref<1x128xi32, #tpu.memory_space<vmem>> -> memref<128xi32, #tpu.memory_space<vmem>>
    %dma_wait3A_147 = arith.constant 0 : i32
    %dma_wait3A_148 = arith.constant 0 : i32
    %dma_wait3A_149 = tpu.memref_slice %arg4[%dma_wait3A_147, %dma_wait3A_148] : memref<20224x64xf32, #tpu.memory_space<hbm>> -> memref<20224x64xf32, #tpu.memory_space<hbm>>
    tpu.wait_indirect_dma semaphore(%arg13 : memref<!tpu.dma_semaphore, #tpu.memory_space<semaphore_mem>>) src(%dma_wait3A_149 : memref<20224x64xf32, #tpu.memory_space<hbm>>) dst(%dma_wait3A_143 : memref<128x64xf32, #tpu.memory_space<vmem>>)
    %dma_start3A_150 = arith.constant 3 : i32
    %dma_start3A_151 = arith.constant 163 : i32
    %dma_start3A_152 = arith.constant 0 : i32
    %dma_start3A_153 = arith.constant 0 : i32
    %dma_start3A_154 = tpu.memref_slice %arg9[%dma_start3A_150, %dma_start3A_152, %dma_start3A_153] : memref<4x128x64xf32, #tpu.memory_space<vmem>> -> memref<1x128x64xf32, #tpu.memory_space<vmem>>
    %dma_start3A_155 = tpu.memref_squeeze %dma_start3A_154 : memref<1x128x64xf32, #tpu.memory_space<vmem>> -> memref<128x64xf32, #tpu.memory_space<vmem>>
    %dma_start3A_156 = arith.constant 0 : i32
    %dma_start3A_157 = tpu.memref_slice %arg8[%dma_start3A_151, %dma_start3A_156] : memref<164x128xi32, #tpu.memory_space<vmem>> -> memref<1x128xi32, #tpu.memory_space<vmem>>
    %dma_start3A_158 = tpu.memref_squeeze %dma_start3A_157 : memref<1x128xi32, #tpu.memory_space<vmem>> -> memref<128xi32, #tpu.memory_space<vmem>>
    %dma_start3A_159 = arith.constant 0 : i32
    %dma_start3A_160 = arith.constant 0 : i32
    %dma_start3A_161 = tpu.memref_slice %arg18[%dma_start3A_159, %dma_start3A_160] : memref<10112x64xf32, #tpu.memory_space<vmem_shared>> -> memref<10112x64xf32, #tpu.memory_space<vmem_shared>>
    tpu.enqueue_indirect_dma source(%dma_start3A_155 : memref<128x64xf32, #tpu.memory_space<vmem>>) target(%dma_start3A_161 : memref<10112x64xf32, #tpu.memory_space<vmem_shared>>) offsets(%dma_start3A_158 : memref<128xi32, #tpu.memory_space<vmem>>) semaphore(%arg17 : memref<!tpu.dma_semaphore, #tpu.memory_space<semaphore_mem>>) {add = true}
    %dma_wait3A_162 = arith.constant 1 : i32
    %dma_wait3A_163 = arith.constant 161 : i32
    %dma_wait3A_164 = arith.constant 0 : i32
    %dma_wait3A_165 = arith.constant 0 : i32
    %dma_wait3A_166 = tpu.memref_slice %arg9[%dma_wait3A_162, %dma_wait3A_164, %dma_wait3A_165] : memref<4x128x64xf32, #tpu.memory_space<vmem>> -> memref<1x128x64xf32, #tpu.memory_space<vmem>>
    %dma_wait3A_167 = tpu.memref_squeeze %dma_wait3A_166 : memref<1x128x64xf32, #tpu.memory_space<vmem>> -> memref<128x64xf32, #tpu.memory_space<vmem>>
    %dma_wait3A_168 = arith.constant 0 : i32
    %dma_wait3A_169 = tpu.memref_slice %arg8[%dma_wait3A_163, %dma_wait3A_168] : memref<164x128xi32, #tpu.memory_space<vmem>> -> memref<1x128xi32, #tpu.memory_space<vmem>>
    %dma_wait3A_170 = tpu.memref_squeeze %dma_wait3A_169 : memref<1x128xi32, #tpu.memory_space<vmem>> -> memref<128xi32, #tpu.memory_space<vmem>>
    %dma_wait3A_171 = arith.constant 0 : i32
    %dma_wait3A_172 = arith.constant 0 : i32
    %dma_wait3A_173 = tpu.memref_slice %arg18[%dma_wait3A_171, %dma_wait3A_172] : memref<10112x64xf32, #tpu.memory_space<vmem_shared>> -> memref<10112x64xf32, #tpu.memory_space<vmem_shared>>
    tpu.wait_indirect_dma semaphore(%arg15 : memref<!tpu.dma_semaphore, #tpu.memory_space<semaphore_mem>>) src(%dma_wait3A_167 : memref<128x64xf32, #tpu.memory_space<vmem>>) dst(%dma_wait3A_173 : memref<10112x64xf32, #tpu.memory_space<vmem_shared>>)
    %dma_wait3A_174 = arith.constant 2 : i32
    %dma_wait3A_175 = arith.constant 162 : i32
    %dma_wait3A_176 = arith.constant 0 : i32
    %dma_wait3A_177 = arith.constant 0 : i32
    %dma_wait3A_178 = tpu.memref_slice %arg9[%dma_wait3A_174, %dma_wait3A_176, %dma_wait3A_177] : memref<4x128x64xf32, #tpu.memory_space<vmem>> -> memref<1x128x64xf32, #tpu.memory_space<vmem>>
    %dma_wait3A_179 = tpu.memref_squeeze %dma_wait3A_178 : memref<1x128x64xf32, #tpu.memory_space<vmem>> -> memref<128x64xf32, #tpu.memory_space<vmem>>
    %dma_wait3A_180 = arith.constant 0 : i32
    %dma_wait3A_181 = tpu.memref_slice %arg8[%dma_wait3A_175, %dma_wait3A_180] : memref<164x128xi32, #tpu.memory_space<vmem>> -> memref<1x128xi32, #tpu.memory_space<vmem>>
    %dma_wait3A_182 = tpu.memref_squeeze %dma_wait3A_181 : memref<1x128xi32, #tpu.memory_space<vmem>> -> memref<128xi32, #tpu.memory_space<vmem>>
    %dma_wait3A_183 = arith.constant 0 : i32
    %dma_wait3A_184 = arith.constant 0 : i32
    %dma_wait3A_185 = tpu.memref_slice %arg18[%dma_wait3A_183, %dma_wait3A_184] : memref<10112x64xf32, #tpu.memory_space<vmem_shared>> -> memref<10112x64xf32, #tpu.memory_space<vmem_shared>>
    tpu.wait_indirect_dma semaphore(%arg16 : memref<!tpu.dma_semaphore, #tpu.memory_space<semaphore_mem>>) src(%dma_wait3A_179 : memref<128x64xf32, #tpu.memory_space<vmem>>) dst(%dma_wait3A_185 : memref<10112x64xf32, #tpu.memory_space<vmem_shared>>)
    %dma_wait3A_186 = arith.constant 3 : i32
    %dma_wait3A_187 = arith.constant 163 : i32
    %dma_wait3A_188 = arith.constant 0 : i32
    %dma_wait3A_189 = arith.constant 0 : i32
    %dma_wait3A_190 = tpu.memref_slice %arg9[%dma_wait3A_186, %dma_wait3A_188, %dma_wait3A_189] : memref<4x128x64xf32, #tpu.memory_space<vmem>> -> memref<1x128x64xf32, #tpu.memory_space<vmem>>
    %dma_wait3A_191 = tpu.memref_squeeze %dma_wait3A_190 : memref<1x128x64xf32, #tpu.memory_space<vmem>> -> memref<128x64xf32, #tpu.memory_space<vmem>>
    %dma_wait3A_192 = arith.constant 0 : i32
    %dma_wait3A_193 = tpu.memref_slice %arg8[%dma_wait3A_187, %dma_wait3A_192] : memref<164x128xi32, #tpu.memory_space<vmem>> -> memref<1x128xi32, #tpu.memory_space<vmem>>
    %dma_wait3A_194 = tpu.memref_squeeze %dma_wait3A_193 : memref<1x128xi32, #tpu.memory_space<vmem>> -> memref<128xi32, #tpu.memory_space<vmem>>
    %dma_wait3A_195 = arith.constant 0 : i32
    %dma_wait3A_196 = arith.constant 0 : i32
    %dma_wait3A_197 = tpu.memref_slice %arg18[%dma_wait3A_195, %dma_wait3A_196] : memref<10112x64xf32, #tpu.memory_space<vmem_shared>> -> memref<10112x64xf32, #tpu.memory_space<vmem_shared>>
    tpu.wait_indirect_dma semaphore(%arg17 : memref<!tpu.dma_semaphore, #tpu.memory_space<semaphore_mem>>) src(%dma_wait3A_191 : memref<128x64xf32, #tpu.memory_space<vmem>>) dst(%dma_wait3A_197 : memref<10112x64xf32, #tpu.memory_space<vmem_shared>>)
    %barrier3A_198 = arith.constant 0 : index
    tpu.barrier barrier_id(%barrier3A_198)
    %mul3A_199 = arith.constant 632 : i32
    %mul3A_200 = arith.muli %arg1, %mul3A_199 : i32
    %mul3A_201 = arith.constant 632 : i32
    %mul3A_202 = arith.muli %arg1, %mul3A_201 : i32
    %mul3A_203 = arith.constant 64 : i32
    %mul3A_204 = arith.muli %arg0, %mul3A_203 : i32
    "tpu.region"() ({
      %run_scoped3A = tpu.sem_alloc : memref<!tpu.dma_semaphore, #tpu.memory_space<semaphore_mem>>
      %dma_start3A_205 = tpu.memref_slice %arg6[%mul3A_202, %mul3A_204] : memref<10112x128xf32, #tpu.memory_space<hbm>> -> memref<632x64xf32, #tpu.memory_space<hbm>>
      %dma_start3A_206 = arith.constant 0 : i32
      %dma_start3A_207 = tpu.memref_slice %arg18[%mul3A_200, %dma_start3A_206] : memref<10112x64xf32, #tpu.memory_space<vmem_shared>> -> memref<632x64xf32, #tpu.memory_space<vmem_shared>>
      tpu.enqueue_dma source(%dma_start3A_207 : memref<632x64xf32, #tpu.memory_space<vmem_shared>>) target(%dma_start3A_205 : memref<632x64xf32, #tpu.memory_space<hbm>>) target_semaphore(%run_scoped3A : memref<!tpu.dma_semaphore, #tpu.memory_space<semaphore_mem>>)
      %dma_wait3A_208 = tpu.memref_slice %arg6[%mul3A_202, %mul3A_204] : memref<10112x128xf32, #tpu.memory_space<hbm>> -> memref<632x64xf32, #tpu.memory_space<hbm>>
      %dma_wait3A_209 = arith.constant 0 : i32
      %dma_wait3A_210 = tpu.memref_slice %arg18[%mul3A_200, %dma_wait3A_209] : memref<10112x64xf32, #tpu.memory_space<vmem_shared>> -> memref<632x64xf32, #tpu.memory_space<vmem_shared>>
      tpu.wait_dma2 semaphore(%run_scoped3A : memref<!tpu.dma_semaphore, #tpu.memory_space<semaphore_mem>>) src(%dma_wait3A_210 : memref<632x64xf32, #tpu.memory_space<vmem_shared>>) dst(%dma_wait3A_208 : memref<632x64xf32, #tpu.memory_space<hbm>>)
      tpu.yield
    }) : () -> ()
    return
  }
}

#map = affine_map<(d0, d1) -> (0, 0, 0, 0)>
#map1 = affine_map<(d0, d1) -> (0, 0, 0)>
#map2 = affine_map<(d0, d1) -> (0, 0)>
module attributes {stable_mosaic.version = 14 : i64} {
  func.func @_scat_body(%arg0: i32, %arg1: i32, %arg2: memref<2x16x164x128xi32, #tpu.memory_space<hbm>>, %arg3: memref<16x164x128xi32, #tpu.memory_space<hbm>>, %arg4: memref<20224x64xf32, #tpu.memory_space<hbm>>, %arg5: memref<10112x64xf32, #tpu.memory_space<hbm>>, %arg6: memref<10112x128xf32, #tpu.memory_space<hbm>>, %arg7: memref<164x128xi32, #tpu.memory_space<vmem>>, %arg8: memref<164x128xi32, #tpu.memory_space<vmem>>, %arg9: memref<4x128x64xf32, #tpu.memory_space<vmem>>, %arg10: memref<!tpu.dma_semaphore, #tpu.memory_space<semaphore_mem>>, %arg11: memref<!tpu.dma_semaphore, #tpu.memory_space<semaphore_mem>>, %arg12: memref<!tpu.dma_semaphore, #tpu.memory_space<semaphore_mem>>, %arg13: memref<!tpu.dma_semaphore, #tpu.memory_space<semaphore_mem>>, %arg14: memref<!tpu.dma_semaphore, #tpu.memory_space<semaphore_mem>>, %arg15: memref<!tpu.dma_semaphore, #tpu.memory_space<semaphore_mem>>, %arg16: memref<!tpu.dma_semaphore, #tpu.memory_space<semaphore_mem>>, %arg17: memref<!tpu.dma_semaphore, #tpu.memory_space<semaphore_mem>>, %arg18: memref<10112x64xf32, #tpu.memory_space<vmem_shared>>) attributes {dimension_semantics = [#tpu.dimension_semantics<core_parallel>, #tpu.dimension_semantics<subcore_parallel>], iteration_bounds = array<i64: 2, 16>, scalar_prefetch = 0 : i64, scratch_operands = 12 : i64, tpu.core_type = #tpu.core_type<sc_vector_subcore>, window_params = [{transform_indices = #map}, {transform_indices = #map1}, {transform_indices = #map2}, {transform_indices = #map2}, {transform_indices = #map2}]} {
    "tpu.region"() ({
      %run_scoped3A = tpu.sem_alloc : memref<!tpu.dma_semaphore, #tpu.memory_space<semaphore_mem>>
      %dma_start3A_205 = arith.constant 0 : i32
      %dma_start3A_206 = arith.constant 0 : i32
      %dma_start3A_207 = tpu.memref_slice %arg2[%arg0, %arg1, %dma_start3A_205, %dma_start3A_206] : memref<2x16x164x128xi32, #tpu.memory_space<hbm>> -> memref<1x1x164x128xi32, #tpu.memory_space<hbm>>
      %dma_start3A_208 = tpu.memref_squeeze %dma_start3A_207 : memref<1x1x164x128xi32, #tpu.memory_space<hbm>> -> memref<164x128xi32, #tpu.memory_space<hbm>>
      %dma_start3A_209 = arith.constant 0 : i32
      %dma_start3A_210 = arith.constant 0 : i32
      %dma_start3A_211 = tpu.memref_slice %arg2[%arg0, %arg1, %dma_start3A_209, %dma_start3A_210] : memref<2x16x164x128xi32, #tpu.memory_space<hbm>> -> memref<1x1x164x128xi32, #tpu.memory_space<hbm>>
      %dma_start3A_212 = tpu.memref_squeeze %dma_start3A_211 : memref<1x1x164x128xi32, #tpu.memory_space<hbm>> -> memref<164x128xi32, #tpu.memory_space<hbm>>
      tpu.enqueue_dma source(%dma_start3A_212 : memref<164x128xi32, #tpu.memory_space<hbm>>) target(%arg7 : memref<164x128xi32, #tpu.memory_space<vmem>>) target_semaphore(%run_scoped3A : memref<!tpu.dma_semaphore, #tpu.memory_space<semaphore_mem>>)
      %dma_wait3A_213 = arith.constant 0 : i32
      %dma_wait3A_214 = arith.constant 0 : i32
      %dma_wait3A_215 = tpu.memref_slice %arg2[%arg0, %arg1, %dma_wait3A_213, %dma_wait3A_214] : memref<2x16x164x128xi32, #tpu.memory_space<hbm>> -> memref<1x1x164x128xi32, #tpu.memory_space<hbm>>
      %dma_wait3A_216 = tpu.memref_squeeze %dma_wait3A_215 : memref<1x1x164x128xi32, #tpu.memory_space<hbm>> -> memref<164x128xi32, #tpu.memory_space<hbm>>
      %dma_wait3A_217 = arith.constant 0 : i32
      %dma_wait3A_218 = arith.constant 0 : i32
      %dma_wait3A_219 = tpu.memref_slice %arg2[%arg0, %arg1, %dma_wait3A_217, %dma_wait3A_218] : memref<2x16x164x128xi32, #tpu.memory_space<hbm>> -> memref<1x1x164x128xi32, #tpu.memory_space<hbm>>
      %dma_wait3A_220 = tpu.memref_squeeze %dma_wait3A_219 : memref<1x1x164x128xi32, #tpu.memory_space<hbm>> -> memref<164x128xi32, #tpu.memory_space<hbm>>
      tpu.wait_dma2 semaphore(%run_scoped3A : memref<!tpu.dma_semaphore, #tpu.memory_space<semaphore_mem>>) src(%dma_wait3A_220 : memref<164x128xi32, #tpu.memory_space<hbm>>) dst(%arg7 : memref<164x128xi32, #tpu.memory_space<vmem>>)
      tpu.yield
    }) : () -> ()
    "tpu.region"() ({
      %run_scoped3A = tpu.sem_alloc : memref<!tpu.dma_semaphore, #tpu.memory_space<semaphore_mem>>
      %dma_start3A_205 = arith.constant 0 : i32
      %dma_start3A_206 = arith.constant 0 : i32
      %dma_start3A_207 = tpu.memref_slice %arg3[%arg1, %dma_start3A_205, %dma_start3A_206] : memref<16x164x128xi32, #tpu.memory_space<hbm>> -> memref<1x164x128xi32, #tpu.memory_space<hbm>>
      %dma_start3A_208 = tpu.memref_squeeze %dma_start3A_207 : memref<1x164x128xi32, #tpu.memory_space<hbm>> -> memref<164x128xi32, #tpu.memory_space<hbm>>
      %dma_start3A_209 = arith.constant 0 : i32
      %dma_start3A_210 = arith.constant 0 : i32
      %dma_start3A_211 = tpu.memref_slice %arg3[%arg1, %dma_start3A_209, %dma_start3A_210] : memref<16x164x128xi32, #tpu.memory_space<hbm>> -> memref<1x164x128xi32, #tpu.memory_space<hbm>>
      %dma_start3A_212 = tpu.memref_squeeze %dma_start3A_211 : memref<1x164x128xi32, #tpu.memory_space<hbm>> -> memref<164x128xi32, #tpu.memory_space<hbm>>
      tpu.enqueue_dma source(%dma_start3A_212 : memref<164x128xi32, #tpu.memory_space<hbm>>) target(%arg8 : memref<164x128xi32, #tpu.memory_space<vmem>>) target_semaphore(%run_scoped3A : memref<!tpu.dma_semaphore, #tpu.memory_space<semaphore_mem>>)
      %dma_wait3A_213 = arith.constant 0 : i32
      %dma_wait3A_214 = arith.constant 0 : i32
      %dma_wait3A_215 = tpu.memref_slice %arg3[%arg1, %dma_wait3A_213, %dma_wait3A_214] : memref<16x164x128xi32, #tpu.memory_space<hbm>> -> memref<1x164x128xi32, #tpu.memory_space<hbm>>
      %dma_wait3A_216 = tpu.memref_squeeze %dma_wait3A_215 : memref<1x164x128xi32, #tpu.memory_space<hbm>> -> memref<164x128xi32, #tpu.memory_space<hbm>>
      %dma_wait3A_217 = arith.constant 0 : i32
      %dma_wait3A_218 = arith.constant 0 : i32
      %dma_wait3A_219 = tpu.memref_slice %arg3[%arg1, %dma_wait3A_217, %dma_wait3A_218] : memref<16x164x128xi32, #tpu.memory_space<hbm>> -> memref<1x164x128xi32, #tpu.memory_space<hbm>>
      %dma_wait3A_220 = tpu.memref_squeeze %dma_wait3A_219 : memref<1x164x128xi32, #tpu.memory_space<hbm>> -> memref<164x128xi32, #tpu.memory_space<hbm>>
      tpu.wait_dma2 semaphore(%run_scoped3A : memref<!tpu.dma_semaphore, #tpu.memory_space<semaphore_mem>>) src(%dma_wait3A_220 : memref<164x128xi32, #tpu.memory_space<hbm>>) dst(%arg8 : memref<164x128xi32, #tpu.memory_space<vmem>>)
      tpu.yield
    }) : () -> ()
    %mul3A = arith.constant 632 : i32
    %mul3A_0 = arith.muli %arg1, %mul3A : i32
    %mul3A_1 = arith.constant 632 : i32
    %mul3A_2 = arith.muli %arg1, %mul3A_1 : i32
    "tpu.region"() ({
      %run_scoped3A = tpu.sem_alloc : memref<!tpu.dma_semaphore, #tpu.memory_space<semaphore_mem>>
      %dma_start3A_205 = arith.constant 0 : i32
      %dma_start3A_206 = tpu.memref_slice %arg18[%mul3A_2, %dma_start3A_205] : memref<10112x64xf32, #tpu.memory_space<vmem_shared>> -> memref<632x64xf32, #tpu.memory_space<vmem_shared>>
      %dma_start3A_207 = arith.constant 0 : i32
      %dma_start3A_208 = tpu.memref_slice %arg5[%mul3A_0, %dma_start3A_207] : memref<10112x64xf32, #tpu.memory_space<hbm>> -> memref<632x64xf32, #tpu.memory_space<hbm>>
      tpu.enqueue_dma source(%dma_start3A_208 : memref<632x64xf32, #tpu.memory_space<hbm>>) target(%dma_start3A_206 : memref<632x64xf32, #tpu.memory_space<vmem_shared>>) target_semaphore(%run_scoped3A : memref<!tpu.dma_semaphore, #tpu.memory_space<semaphore_mem>>)
      %dma_wait3A_209 = arith.constant 0 : i32
      %dma_wait3A_210 = tpu.memref_slice %arg18[%mul3A_2, %dma_wait3A_209] : memref<10112x64xf32, #tpu.memory_space<vmem_shared>> -> memref<632x64xf32, #tpu.memory_space<vmem_shared>>
      %dma_wait3A_211 = arith.constant 0 : i32
      %dma_wait3A_212 = tpu.memref_slice %arg5[%mul3A_0, %dma_wait3A_211] : memref<10112x64xf32, #tpu.memory_space<hbm>> -> memref<632x64xf32, #tpu.memory_space<hbm>>
      tpu.wait_dma2 semaphore(%run_scoped3A : memref<!tpu.dma_semaphore, #tpu.memory_space<semaphore_mem>>) src(%dma_wait3A_212 : memref<632x64xf32, #tpu.memory_space<hbm>>) dst(%dma_wait3A_210 : memref<632x64xf32, #tpu.memory_space<vmem_shared>>)
      tpu.yield
    }) : () -> ()
    %barrier3A = arith.constant 0 : index
    tpu.barrier barrier_id(%barrier3A)
    %dma_start3A = arith.constant 0 : i32
    %dma_start3A_3 = arith.constant 0 : i32
    %dma_start3A_4 = arith.constant 0 : i32
    %dma_start3A_5 = arith.constant 0 : i32
    %dma_start3A_6 = tpu.memref_slice %arg9[%dma_start3A_3, %dma_start3A_4, %dma_start3A_5] : memref<4x128x64xf32, #tpu.memory_space<vmem>> -> memref<1x128x64xf32, #tpu.memory_space<vmem>>
    %dma_start3A_7 = tpu.memref_squeeze %dma_start3A_6 : memref<1x128x64xf32, #tpu.memory_space<vmem>> -> memref<128x64xf32, #tpu.memory_space<vmem>>
    %dma_start3A_8 = arith.constant 0 : i32
    %dma_start3A_9 = tpu.memref_slice %arg7[%dma_start3A, %dma_start3A_8] : memref<164x128xi32, #tpu.memory_space<vmem>> -> memref<1x128xi32, #tpu.memory_space<vmem>>
    %dma_start3A_10 = tpu.memref_squeeze %dma_start3A_9 : memref<1x128xi32, #tpu.memory_space<vmem>> -> memref<128xi32, #tpu.memory_space<vmem>>
    %dma_start3A_11 = arith.constant 0 : i32
    %dma_start3A_12 = arith.constant 0 : i32
    %dma_start3A_13 = tpu.memref_slice %arg4[%dma_start3A_11, %dma_start3A_12] : memref<20224x64xf32, #tpu.memory_space<hbm>> -> memref<20224x64xf32, #tpu.memory_space<hbm>>
    tpu.enqueue_indirect_dma source(%dma_start3A_13 : memref<20224x64xf32, #tpu.memory_space<hbm>>) target(%dma_start3A_7 : memref<128x64xf32, #tpu.memory_space<vmem>>) offsets(%dma_start3A_10 : memref<128xi32, #tpu.memory_space<vmem>>) semaphore(%arg10 : memref<!tpu.dma_semaphore, #tpu.memory_space<semaphore_mem>>)
    %dma_start3A_14 = arith.constant 1 : i32
    %dma_start3A_15 = arith.constant 1 : i32
    %dma_start3A_16 = arith.constant 0 : i32
    %dma_start3A_17 = arith.constant 0 : i32
    %dma_start3A_18 = tpu.memref_slice %arg9[%dma_start3A_15, %dma_start3A_16, %dma_start3A_17] : memref<4x128x64xf32, #tpu.memory_space<vmem>> -> memref<1x128x64xf32, #tpu.memory_space<vmem>>
    %dma_start3A_19 = tpu.memref_squeeze %dma_start3A_18 : memref<1x128x64xf32, #tpu.memory_space<vmem>> -> memref<128x64xf32, #tpu.memory_space<vmem>>
    %dma_start3A_20 = arith.constant 0 : i32
    %dma_start3A_21 = tpu.memref_slice %arg7[%dma_start3A_14, %dma_start3A_20] : memref<164x128xi32, #tpu.memory_space<vmem>> -> memref<1x128xi32, #tpu.memory_space<vmem>>
    %dma_start3A_22 = tpu.memref_squeeze %dma_start3A_21 : memref<1x128xi32, #tpu.memory_space<vmem>> -> memref<128xi32, #tpu.memory_space<vmem>>
    %dma_start3A_23 = arith.constant 0 : i32
    %dma_start3A_24 = arith.constant 0 : i32
    %dma_start3A_25 = tpu.memref_slice %arg4[%dma_start3A_23, %dma_start3A_24] : memref<20224x64xf32, #tpu.memory_space<hbm>> -> memref<20224x64xf32, #tpu.memory_space<hbm>>
    tpu.enqueue_indirect_dma source(%dma_start3A_25 : memref<20224x64xf32, #tpu.memory_space<hbm>>) target(%dma_start3A_19 : memref<128x64xf32, #tpu.memory_space<vmem>>) offsets(%dma_start3A_22 : memref<128xi32, #tpu.memory_space<vmem>>) semaphore(%arg11 : memref<!tpu.dma_semaphore, #tpu.memory_space<semaphore_mem>>)
    %dma_wait3A = arith.constant 0 : i32
    %dma_wait3A_26 = arith.constant 0 : i32
    %dma_wait3A_27 = arith.constant 0 : i32
    %dma_wait3A_28 = arith.constant 0 : i32
    %dma_wait3A_29 = tpu.memref_slice %arg9[%dma_wait3A_26, %dma_wait3A_27, %dma_wait3A_28] : memref<4x128x64xf32, #tpu.memory_space<vmem>> -> memref<1x128x64xf32, #tpu.memory_space<vmem>>
    %dma_wait3A_30 = tpu.memref_squeeze %dma_wait3A_29 : memref<1x128x64xf32, #tpu.memory_space<vmem>> -> memref<128x64xf32, #tpu.memory_space<vmem>>
    %dma_wait3A_31 = arith.constant 0 : i32
    %dma_wait3A_32 = tpu.memref_slice %arg7[%dma_wait3A, %dma_wait3A_31] : memref<164x128xi32, #tpu.memory_space<vmem>> -> memref<1x128xi32, #tpu.memory_space<vmem>>
    %dma_wait3A_33 = tpu.memref_squeeze %dma_wait3A_32 : memref<1x128xi32, #tpu.memory_space<vmem>> -> memref<128xi32, #tpu.memory_space<vmem>>
    %dma_wait3A_34 = arith.constant 0 : i32
    %dma_wait3A_35 = arith.constant 0 : i32
    %dma_wait3A_36 = tpu.memref_slice %arg4[%dma_wait3A_34, %dma_wait3A_35] : memref<20224x64xf32, #tpu.memory_space<hbm>> -> memref<20224x64xf32, #tpu.memory_space<hbm>>
    tpu.wait_indirect_dma semaphore(%arg10 : memref<!tpu.dma_semaphore, #tpu.memory_space<semaphore_mem>>) src(%dma_wait3A_36 : memref<20224x64xf32, #tpu.memory_space<hbm>>) dst(%dma_wait3A_30 : memref<128x64xf32, #tpu.memory_space<vmem>>)
    %dma_start3A_37 = arith.constant 0 : i32
    %dma_start3A_38 = arith.constant 0 : i32
    %dma_start3A_39 = arith.constant 0 : i32
    %dma_start3A_40 = arith.constant 0 : i32
    %dma_start3A_41 = tpu.memref_slice %arg9[%dma_start3A_37, %dma_start3A_39, %dma_start3A_40] : memref<4x128x64xf32, #tpu.memory_space<vmem>> -> memref<1x128x64xf32, #tpu.memory_space<vmem>>
    %dma_start3A_42 = tpu.memref_squeeze %dma_start3A_41 : memref<1x128x64xf32, #tpu.memory_space<vmem>> -> memref<128x64xf32, #tpu.memory_space<vmem>>
    %dma_start3A_43 = arith.constant 0 : i32
    %dma_start3A_44 = tpu.memref_slice %arg8[%dma_start3A_38, %dma_start3A_43] : memref<164x128xi32, #tpu.memory_space<vmem>> -> memref<1x128xi32, #tpu.memory_space<vmem>>
    %dma_start3A_45 = tpu.memref_squeeze %dma_start3A_44 : memref<1x128xi32, #tpu.memory_space<vmem>> -> memref<128xi32, #tpu.memory_space<vmem>>
    %dma_start3A_46 = arith.constant 0 : i32
    %dma_start3A_47 = arith.constant 0 : i32
    %dma_start3A_48 = tpu.memref_slice %arg18[%dma_start3A_46, %dma_start3A_47] : memref<10112x64xf32, #tpu.memory_space<vmem_shared>> -> memref<10112x64xf32, #tpu.memory_space<vmem_shared>>
    tpu.enqueue_indirect_dma source(%dma_start3A_42 : memref<128x64xf32, #tpu.memory_space<vmem>>) target(%dma_start3A_48 : memref<10112x64xf32, #tpu.memory_space<vmem_shared>>) offsets(%dma_start3A_45 : memref<128xi32, #tpu.memory_space<vmem>>) semaphore(%arg14 : memref<!tpu.dma_semaphore, #tpu.memory_space<semaphore_mem>>) {add = true}
    %dma_start3A_49 = arith.constant 2 : i32
    %dma_start3A_50 = arith.constant 2 : i32
    %dma_start3A_51 = arith.constant 0 : i32
    %dma_start3A_52 = arith.constant 0 : i32
    %dma_start3A_53 = tpu.memref_slice %arg9[%dma_start3A_50, %dma_start3A_51, %dma_start3A_52] : memref<4x128x64xf32, #tpu.memory_space<vmem>> -> memref<1x128x64xf32, #tpu.memory_space<vmem>>
    %dma_start3A_54 = tpu.memref_squeeze %dma_start3A_53 : memref<1x128x64xf32, #tpu.memory_space<vmem>> -> memref<128x64xf32, #tpu.memory_space<vmem>>
    %dma_start3A_55 = arith.constant 0 : i32
    %dma_start3A_56 = tpu.memref_slice %arg7[%dma_start3A_49, %dma_start3A_55] : memref<164x128xi32, #tpu.memory_space<vmem>> -> memref<1x128xi32, #tpu.memory_space<vmem>>
    %dma_start3A_57 = tpu.memref_squeeze %dma_start3A_56 : memref<1x128xi32, #tpu.memory_space<vmem>> -> memref<128xi32, #tpu.memory_space<vmem>>
    %dma_start3A_58 = arith.constant 0 : i32
    %dma_start3A_59 = arith.constant 0 : i32
    %dma_start3A_60 = tpu.memref_slice %arg4[%dma_start3A_58, %dma_start3A_59] : memref<20224x64xf32, #tpu.memory_space<hbm>> -> memref<20224x64xf32, #tpu.memory_space<hbm>>
    tpu.enqueue_indirect_dma source(%dma_start3A_60 : memref<20224x64xf32, #tpu.memory_space<hbm>>) target(%dma_start3A_54 : memref<128x64xf32, #tpu.memory_space<vmem>>) offsets(%dma_start3A_57 : memref<128xi32, #tpu.memory_space<vmem>>) semaphore(%arg12 : memref<!tpu.dma_semaphore, #tpu.memory_space<semaphore_mem>>)
    %dma_wait3A_61 = arith.constant 1 : i32
    %dma_wait3A_62 = arith.constant 1 : i32
    %dma_wait3A_63 = arith.constant 0 : i32
    %dma_wait3A_64 = arith.constant 0 : i32
    %dma_wait3A_65 = tpu.memref_slice %arg9[%dma_wait3A_62, %dma_wait3A_63, %dma_wait3A_64] : memref<4x128x64xf32, #tpu.memory_space<vmem>> -> memref<1x128x64xf32, #tpu.memory_space<vmem>>
    %dma_wait3A_66 = tpu.memref_squeeze %dma_wait3A_65 : memref<1x128x64xf32, #tpu.memory_space<vmem>> -> memref<128x64xf32, #tpu.memory_space<vmem>>
    %dma_wait3A_67 = arith.constant 0 : i32
    %dma_wait3A_68 = tpu.memref_slice %arg7[%dma_wait3A_61, %dma_wait3A_67] : memref<164x128xi32, #tpu.memory_space<vmem>> -> memref<1x128xi32, #tpu.memory_space<vmem>>
    %dma_wait3A_69 = tpu.memref_squeeze %dma_wait3A_68 : memref<1x128xi32, #tpu.memory_space<vmem>> -> memref<128xi32, #tpu.memory_space<vmem>>
    %dma_wait3A_70 = arith.constant 0 : i32
    %dma_wait3A_71 = arith.constant 0 : i32
    %dma_wait3A_72 = tpu.memref_slice %arg4[%dma_wait3A_70, %dma_wait3A_71] : memref<20224x64xf32, #tpu.memory_space<hbm>> -> memref<20224x64xf32, #tpu.memory_space<hbm>>
    tpu.wait_indirect_dma semaphore(%arg11 : memref<!tpu.dma_semaphore, #tpu.memory_space<semaphore_mem>>) src(%dma_wait3A_72 : memref<20224x64xf32, #tpu.memory_space<hbm>>) dst(%dma_wait3A_66 : memref<128x64xf32, #tpu.memory_space<vmem>>)
    %dma_start3A_73 = arith.constant 1 : i32
    %dma_start3A_74 = arith.constant 1 : i32
    %dma_start3A_75 = arith.constant 0 : i32
    %dma_start3A_76 = arith.constant 0 : i32
    %dma_start3A_77 = tpu.memref_slice %arg9[%dma_start3A_73, %dma_start3A_75, %dma_start3A_76] : memref<4x128x64xf32, #tpu.memory_space<vmem>> -> memref<1x128x64xf32, #tpu.memory_space<vmem>>
    %dma_start3A_78 = tpu.memref_squeeze %dma_start3A_77 : memref<1x128x64xf32, #tpu.memory_space<vmem>> -> memref<128x64xf32, #tpu.memory_space<vmem>>
    %dma_start3A_79 = arith.constant 0 : i32
    %dma_start3A_80 = tpu.memref_slice %arg8[%dma_start3A_74, %dma_start3A_79] : memref<164x128xi32, #tpu.memory_space<vmem>> -> memref<1x128xi32, #tpu.memory_space<vmem>>
    %dma_start3A_81 = tpu.memref_squeeze %dma_start3A_80 : memref<1x128xi32, #tpu.memory_space<vmem>> -> memref<128xi32, #tpu.memory_space<vmem>>
    %dma_start3A_82 = arith.constant 0 : i32
    %dma_start3A_83 = arith.constant 0 : i32
    %dma_start3A_84 = tpu.memref_slice %arg18[%dma_start3A_82, %dma_start3A_83] : memref<10112x64xf32, #tpu.memory_space<vmem_shared>> -> memref<10112x64xf32, #tpu.memory_space<vmem_shared>>
    tpu.enqueue_indirect_dma source(%dma_start3A_78 : memref<128x64xf32, #tpu.memory_space<vmem>>) target(%dma_start3A_84 : memref<10112x64xf32, #tpu.memory_space<vmem_shared>>) offsets(%dma_start3A_81 : memref<128xi32, #tpu.memory_space<vmem>>) semaphore(%arg15 : memref<!tpu.dma_semaphore, #tpu.memory_space<semaphore_mem>>) {add = true}
    %dma_start3A_85 = arith.constant 3 : i32
    %dma_start3A_86 = arith.constant 3 : i32
    %dma_start3A_87 = arith.constant 0 : i32
    %dma_start3A_88 = arith.constant 0 : i32
    %dma_start3A_89 = tpu.memref_slice %arg9[%dma_start3A_86, %dma_start3A_87, %dma_start3A_88] : memref<4x128x64xf32, #tpu.memory_space<vmem>> -> memref<1x128x64xf32, #tpu.memory_space<vmem>>
    %dma_start3A_90 = tpu.memref_squeeze %dma_start3A_89 : memref<1x128x64xf32, #tpu.memory_space<vmem>> -> memref<128x64xf32, #tpu.memory_space<vmem>>
    %dma_start3A_91 = arith.constant 0 : i32
    %dma_start3A_92 = tpu.memref_slice %arg7[%dma_start3A_85, %dma_start3A_91] : memref<164x128xi32, #tpu.memory_space<vmem>> -> memref<1x128xi32, #tpu.memory_space<vmem>>
    %dma_start3A_93 = tpu.memref_squeeze %dma_start3A_92 : memref<1x128xi32, #tpu.memory_space<vmem>> -> memref<128xi32, #tpu.memory_space<vmem>>
    %dma_start3A_94 = arith.constant 0 : i32
    %dma_start3A_95 = arith.constant 0 : i32
    %dma_start3A_96 = tpu.memref_slice %arg4[%dma_start3A_94, %dma_start3A_95] : memref<20224x64xf32, #tpu.memory_space<hbm>> -> memref<20224x64xf32, #tpu.memory_space<hbm>>
    tpu.enqueue_indirect_dma source(%dma_start3A_96 : memref<20224x64xf32, #tpu.memory_space<hbm>>) target(%dma_start3A_90 : memref<128x64xf32, #tpu.memory_space<vmem>>) offsets(%dma_start3A_93 : memref<128xi32, #tpu.memory_space<vmem>>) semaphore(%arg13 : memref<!tpu.dma_semaphore, #tpu.memory_space<semaphore_mem>>)
    %scan3A = arith.constant 0 : i32
    %scan3A_97 = arith.constant 0 : i32
    %scan3A_98 = arith.constant 40 : i32
    %scan3A_99 = arith.addi %scan3A_97, %scan3A_98 : i32
    %scan3A_100 = arith.constant 1 : i32
    scf.for %scan3A_205 = %scan3A_97 to %scan3A_99 step %scan3A_100  : i32 {
      %mul3A_206 = arith.constant 4 : i32
      %mul3A_207 = arith.muli %mul3A_206, %scan3A_205 : i32
      %add3A = arith.constant 2 : i32
      %add3A_208 = arith.addi %mul3A_207, %add3A : i32
      %add3A_209 = arith.constant 0 : i32
      %add3A_210 = arith.addi %add3A_208, %add3A_209 : i32
      %dma_wait3A_211 = arith.constant 2 : i32
      %dma_wait3A_212 = arith.constant 0 : i32
      %dma_wait3A_213 = arith.constant 0 : i32
      %dma_wait3A_214 = tpu.memref_slice %arg9[%dma_wait3A_211, %dma_wait3A_212, %dma_wait3A_213] : memref<4x128x64xf32, #tpu.memory_space<vmem>> -> memref<1x128x64xf32, #tpu.memory_space<vmem>>
      %dma_wait3A_215 = tpu.memref_squeeze %dma_wait3A_214 : memref<1x128x64xf32, #tpu.memory_space<vmem>> -> memref<128x64xf32, #tpu.memory_space<vmem>>
      %dma_wait3A_216 = arith.constant 0 : i32
      %dma_wait3A_217 = tpu.memref_slice %arg7[%add3A_210, %dma_wait3A_216] : memref<164x128xi32, #tpu.memory_space<vmem>> -> memref<1x128xi32, #tpu.memory_space<vmem>>
      %dma_wait3A_218 = tpu.memref_squeeze %dma_wait3A_217 : memref<1x128xi32, #tpu.memory_space<vmem>> -> memref<128xi32, #tpu.memory_space<vmem>>
      %dma_wait3A_219 = arith.constant 0 : i32
      %dma_wait3A_220 = arith.constant 0 : i32
      %dma_wait3A_221 = tpu.memref_slice %arg4[%dma_wait3A_219, %dma_wait3A_220] : memref<20224x64xf32, #tpu.memory_space<hbm>> -> memref<20224x64xf32, #tpu.memory_space<hbm>>
      tpu.wait_indirect_dma semaphore(%arg12 : memref<!tpu.dma_semaphore, #tpu.memory_space<semaphore_mem>>) src(%dma_wait3A_221 : memref<20224x64xf32, #tpu.memory_space<hbm>>) dst(%dma_wait3A_215 : memref<128x64xf32, #tpu.memory_space<vmem>>)
      %dma_start3A_222 = arith.constant 2 : i32
      %dma_start3A_223 = arith.constant 0 : i32
      %dma_start3A_224 = arith.constant 0 : i32
      %dma_start3A_225 = tpu.memref_slice %arg9[%dma_start3A_222, %dma_start3A_223, %dma_start3A_224] : memref<4x128x64xf32, #tpu.memory_space<vmem>> -> memref<1x128x64xf32, #tpu.memory_space<vmem>>
      %dma_start3A_226 = tpu.memref_squeeze %dma_start3A_225 : memref<1x128x64xf32, #tpu.memory_space<vmem>> -> memref<128x64xf32, #tpu.memory_space<vmem>>
      %dma_start3A_227 = arith.constant 0 : i32
      %dma_start3A_228 = tpu.memref_slice %arg8[%add3A_210, %dma_start3A_227] : memref<164x128xi32, #tpu.memory_space<vmem>> -> memref<1x128xi32, #tpu.memory_space<vmem>>
      %dma_start3A_229 = tpu.memref_squeeze %dma_start3A_228 : memref<1x128xi32, #tpu.memory_space<vmem>> -> memref<128xi32, #tpu.memory_space<vmem>>
      %dma_start3A_230 = arith.constant 0 : i32
      %dma_start3A_231 = arith.constant 0 : i32
      %dma_start3A_232 = tpu.memref_slice %arg18[%dma_start3A_230, %dma_start3A_231] : memref<10112x64xf32, #tpu.memory_space<vmem_shared>> -> memref<10112x64xf32, #tpu.memory_space<vmem_shared>>
      tpu.enqueue_indirect_dma source(%dma_start3A_226 : memref<128x64xf32, #tpu.memory_space<vmem>>) target(%dma_start3A_232 : memref<10112x64xf32, #tpu.memory_space<vmem_shared>>) offsets(%dma_start3A_229 : memref<128xi32, #tpu.memory_space<vmem>>) semaphore(%arg16 : memref<!tpu.dma_semaphore, #tpu.memory_space<semaphore_mem>>) {add = true}
      %sub3A = arith.constant 2 : i32
      %sub3A_233 = arith.subi %add3A_210, %sub3A : i32
      %dma_wait3A_234 = arith.constant 0 : i32
      %dma_wait3A_235 = arith.constant 0 : i32
      %dma_wait3A_236 = arith.constant 0 : i32
      %dma_wait3A_237 = tpu.memref_slice %arg9[%dma_wait3A_234, %dma_wait3A_235, %dma_wait3A_236] : memref<4x128x64xf32, #tpu.memory_space<vmem>> -> memref<1x128x64xf32, #tpu.memory_space<vmem>>
      %dma_wait3A_238 = tpu.memref_squeeze %dma_wait3A_237 : memref<1x128x64xf32, #tpu.memory_space<vmem>> -> memref<128x64xf32, #tpu.memory_space<vmem>>
      %dma_wait3A_239 = arith.constant 0 : i32
      %dma_wait3A_240 = tpu.memref_slice %arg8[%sub3A_233, %dma_wait3A_239] : memref<164x128xi32, #tpu.memory_space<vmem>> -> memref<1x128xi32, #tpu.memory_space<vmem>>
      %dma_wait3A_241 = tpu.memref_squeeze %dma_wait3A_240 : memref<1x128xi32, #tpu.memory_space<vmem>> -> memref<128xi32, #tpu.memory_space<vmem>>
      %dma_wait3A_242 = arith.constant 0 : i32
      %dma_wait3A_243 = arith.constant 0 : i32
      %dma_wait3A_244 = tpu.memref_slice %arg18[%dma_wait3A_242, %dma_wait3A_243] : memref<10112x64xf32, #tpu.memory_space<vmem_shared>> -> memref<10112x64xf32, #tpu.memory_space<vmem_shared>>
      tpu.wait_indirect_dma semaphore(%arg14 : memref<!tpu.dma_semaphore, #tpu.memory_space<semaphore_mem>>) src(%dma_wait3A_238 : memref<128x64xf32, #tpu.memory_space<vmem>>) dst(%dma_wait3A_244 : memref<10112x64xf32, #tpu.memory_space<vmem_shared>>)
      %add3A_245 = arith.constant 2 : i32
      %add3A_246 = arith.addi %add3A_210, %add3A_245 : i32
      %dma_start3A_247 = arith.constant 0 : i32
      %dma_start3A_248 = arith.constant 0 : i32
      %dma_start3A_249 = arith.constant 0 : i32
      %dma_start3A_250 = tpu.memref_slice %arg9[%dma_start3A_247, %dma_start3A_248, %dma_start3A_249] : memref<4x128x64xf32, #tpu.memory_space<vmem>> -> memref<1x128x64xf32, #tpu.memory_space<vmem>>
      %dma_start3A_251 = tpu.memref_squeeze %dma_start3A_250 : memref<1x128x64xf32, #tpu.memory_space<vmem>> -> memref<128x64xf32, #tpu.memory_space<vmem>>
      %dma_start3A_252 = arith.constant 0 : i32
      %dma_start3A_253 = tpu.memref_slice %arg7[%add3A_246, %dma_start3A_252] : memref<164x128xi32, #tpu.memory_space<vmem>> -> memref<1x128xi32, #tpu.memory_space<vmem>>
      %dma_start3A_254 = tpu.memref_squeeze %dma_start3A_253 : memref<1x128xi32, #tpu.memory_space<vmem>> -> memref<128xi32, #tpu.memory_space<vmem>>
      %dma_start3A_255 = arith.constant 0 : i32
      %dma_start3A_256 = arith.constant 0 : i32
      %dma_start3A_257 = tpu.memref_slice %arg4[%dma_start3A_255, %dma_start3A_256] : memref<20224x64xf32, #tpu.memory_space<hbm>> -> memref<20224x64xf32, #tpu.memory_space<hbm>>
      tpu.enqueue_indirect_dma source(%dma_start3A_257 : memref<20224x64xf32, #tpu.memory_space<hbm>>) target(%dma_start3A_251 : memref<128x64xf32, #tpu.memory_space<vmem>>) offsets(%dma_start3A_254 : memref<128xi32, #tpu.memory_space<vmem>>) semaphore(%arg10 : memref<!tpu.dma_semaphore, #tpu.memory_space<semaphore_mem>>)
      %mul3A_258 = arith.constant 4 : i32
      %mul3A_259 = arith.muli %mul3A_258, %scan3A_205 : i32
      %add3A_260 = arith.constant 2 : i32
      %add3A_261 = arith.addi %mul3A_259, %add3A_260 : i32
      %add3A_262 = arith.constant 1 : i32
      %add3A_263 = arith.addi %add3A_261, %add3A_262 : i32
      %dma_wait3A_264 = arith.constant 3 : i32
      %dma_wait3A_265 = arith.constant 0 : i32
      %dma_wait3A_266 = arith.constant 0 : i32
      %dma_wait3A_267 = tpu.memref_slice %arg9[%dma_wait3A_264, %dma_wait3A_265, %dma_wait3A_266] : memref<4x128x64xf32, #tpu.memory_space<vmem>> -> memref<1x128x64xf32, #tpu.memory_space<vmem>>
      %dma_wait3A_268 = tpu.memref_squeeze %dma_wait3A_267 : memref<1x128x64xf32, #tpu.memory_space<vmem>> -> memref<128x64xf32, #tpu.memory_space<vmem>>
      %dma_wait3A_269 = arith.constant 0 : i32
      %dma_wait3A_270 = tpu.memref_slice %arg7[%add3A_263, %dma_wait3A_269] : memref<164x128xi32, #tpu.memory_space<vmem>> -> memref<1x128xi32, #tpu.memory_space<vmem>>
      %dma_wait3A_271 = tpu.memref_squeeze %dma_wait3A_270 : memref<1x128xi32, #tpu.memory_space<vmem>> -> memref<128xi32, #tpu.memory_space<vmem>>
      %dma_wait3A_272 = arith.constant 0 : i32
      %dma_wait3A_273 = arith.constant 0 : i32
      %dma_wait3A_274 = tpu.memref_slice %arg4[%dma_wait3A_272, %dma_wait3A_273] : memref<20224x64xf32, #tpu.memory_space<hbm>> -> memref<20224x64xf32, #tpu.memory_space<hbm>>
      tpu.wait_indirect_dma semaphore(%arg13 : memref<!tpu.dma_semaphore, #tpu.memory_space<semaphore_mem>>) src(%dma_wait3A_274 : memref<20224x64xf32, #tpu.memory_space<hbm>>) dst(%dma_wait3A_268 : memref<128x64xf32, #tpu.memory_space<vmem>>)
      %dma_start3A_275 = arith.constant 3 : i32
      %dma_start3A_276 = arith.constant 0 : i32
      %dma_start3A_277 = arith.constant 0 : i32
      %dma_start3A_278 = tpu.memref_slice %arg9[%dma_start3A_275, %dma_start3A_276, %dma_start3A_277] : memref<4x128x64xf32, #tpu.memory_space<vmem>> -> memref<1x128x64xf32, #tpu.memory_space<vmem>>
      %dma_start3A_279 = tpu.memref_squeeze %dma_start3A_278 : memref<1x128x64xf32, #tpu.memory_space<vmem>> -> memref<128x64xf32, #tpu.memory_space<vmem>>
      %dma_start3A_280 = arith.constant 0 : i32
      %dma_start3A_281 = tpu.memref_slice %arg8[%add3A_263, %dma_start3A_280] : memref<164x128xi32, #tpu.memory_space<vmem>> -> memref<1x128xi32, #tpu.memory_space<vmem>>
      %dma_start3A_282 = tpu.memref_squeeze %dma_start3A_281 : memref<1x128xi32, #tpu.memory_space<vmem>> -> memref<128xi32, #tpu.memory_space<vmem>>
      %dma_start3A_283 = arith.constant 0 : i32
      %dma_start3A_284 = arith.constant 0 : i32
      %dma_start3A_285 = tpu.memref_slice %arg18[%dma_start3A_283, %dma_start3A_284] : memref<10112x64xf32, #tpu.memory_space<vmem_shared>> -> memref<10112x64xf32, #tpu.memory_space<vmem_shared>>
      tpu.enqueue_indirect_dma source(%dma_start3A_279 : memref<128x64xf32, #tpu.memory_space<vmem>>) target(%dma_start3A_285 : memref<10112x64xf32, #tpu.memory_space<vmem_shared>>) offsets(%dma_start3A_282 : memref<128xi32, #tpu.memory_space<vmem>>) semaphore(%arg17 : memref<!tpu.dma_semaphore, #tpu.memory_space<semaphore_mem>>) {add = true}
      %sub3A_286 = arith.constant 2 : i32
      %sub3A_287 = arith.subi %add3A_263, %sub3A_286 : i32
      %dma_wait3A_288 = arith.constant 1 : i32
      %dma_wait3A_289 = arith.constant 0 : i32
      %dma_wait3A_290 = arith.constant 0 : i32
      %dma_wait3A_291 = tpu.memref_slice %arg9[%dma_wait3A_288, %dma_wait3A_289, %dma_wait3A_290] : memref<4x128x64xf32, #tpu.memory_space<vmem>> -> memref<1x128x64xf32, #tpu.memory_space<vmem>>
      %dma_wait3A_292 = tpu.memref_squeeze %dma_wait3A_291 : memref<1x128x64xf32, #tpu.memory_space<vmem>> -> memref<128x64xf32, #tpu.memory_space<vmem>>
      %dma_wait3A_293 = arith.constant 0 : i32
      %dma_wait3A_294 = tpu.memref_slice %arg8[%sub3A_287, %dma_wait3A_293] : memref<164x128xi32, #tpu.memory_space<vmem>> -> memref<1x128xi32, #tpu.memory_space<vmem>>
      %dma_wait3A_295 = tpu.memref_squeeze %dma_wait3A_294 : memref<1x128xi32, #tpu.memory_space<vmem>> -> memref<128xi32, #tpu.memory_space<vmem>>
      %dma_wait3A_296 = arith.constant 0 : i32
      %dma_wait3A_297 = arith.constant 0 : i32
      %dma_wait3A_298 = tpu.memref_slice %arg18[%dma_wait3A_296, %dma_wait3A_297] : memref<10112x64xf32, #tpu.memory_space<vmem_shared>> -> memref<10112x64xf32, #tpu.memory_space<vmem_shared>>
      tpu.wait_indirect_dma semaphore(%arg15 : memref<!tpu.dma_semaphore, #tpu.memory_space<semaphore_mem>>) src(%dma_wait3A_292 : memref<128x64xf32, #tpu.memory_space<vmem>>) dst(%dma_wait3A_298 : memref<10112x64xf32, #tpu.memory_space<vmem_shared>>)
      %add3A_299 = arith.constant 2 : i32
      %add3A_300 = arith.addi %add3A_263, %add3A_299 : i32
      %dma_start3A_301 = arith.constant 1 : i32
      %dma_start3A_302 = arith.constant 0 : i32
      %dma_start3A_303 = arith.constant 0 : i32
      %dma_start3A_304 = tpu.memref_slice %arg9[%dma_start3A_301, %dma_start3A_302, %dma_start3A_303] : memref<4x128x64xf32, #tpu.memory_space<vmem>> -> memref<1x128x64xf32, #tpu.memory_space<vmem>>
      %dma_start3A_305 = tpu.memref_squeeze %dma_start3A_304 : memref<1x128x64xf32, #tpu.memory_space<vmem>> -> memref<128x64xf32, #tpu.memory_space<vmem>>
      %dma_start3A_306 = arith.constant 0 : i32
      %dma_start3A_307 = tpu.memref_slice %arg7[%add3A_300, %dma_start3A_306] : memref<164x128xi32, #tpu.memory_space<vmem>> -> memref<1x128xi32, #tpu.memory_space<vmem>>
      %dma_start3A_308 = tpu.memref_squeeze %dma_start3A_307 : memref<1x128xi32, #tpu.memory_space<vmem>> -> memref<128xi32, #tpu.memory_space<vmem>>
      %dma_start3A_309 = arith.constant 0 : i32
      %dma_start3A_310 = arith.constant 0 : i32
      %dma_start3A_311 = tpu.memref_slice %arg4[%dma_start3A_309, %dma_start3A_310] : memref<20224x64xf32, #tpu.memory_space<hbm>> -> memref<20224x64xf32, #tpu.memory_space<hbm>>
      tpu.enqueue_indirect_dma source(%dma_start3A_311 : memref<20224x64xf32, #tpu.memory_space<hbm>>) target(%dma_start3A_305 : memref<128x64xf32, #tpu.memory_space<vmem>>) offsets(%dma_start3A_308 : memref<128xi32, #tpu.memory_space<vmem>>) semaphore(%arg11 : memref<!tpu.dma_semaphore, #tpu.memory_space<semaphore_mem>>)
      %mul3A_312 = arith.constant 4 : i32
      %mul3A_313 = arith.muli %mul3A_312, %scan3A_205 : i32
      %add3A_314 = arith.constant 2 : i32
      %add3A_315 = arith.addi %mul3A_313, %add3A_314 : i32
      %add3A_316 = arith.constant 2 : i32
      %add3A_317 = arith.addi %add3A_315, %add3A_316 : i32
      %dma_wait3A_318 = arith.constant 0 : i32
      %dma_wait3A_319 = arith.constant 0 : i32
      %dma_wait3A_320 = arith.constant 0 : i32
      %dma_wait3A_321 = tpu.memref_slice %arg9[%dma_wait3A_318, %dma_wait3A_319, %dma_wait3A_320] : memref<4x128x64xf32, #tpu.memory_space<vmem>> -> memref<1x128x64xf32, #tpu.memory_space<vmem>>
      %dma_wait3A_322 = tpu.memref_squeeze %dma_wait3A_321 : memref<1x128x64xf32, #tpu.memory_space<vmem>> -> memref<128x64xf32, #tpu.memory_space<vmem>>
      %dma_wait3A_323 = arith.constant 0 : i32
      %dma_wait3A_324 = tpu.memref_slice %arg7[%add3A_317, %dma_wait3A_323] : memref<164x128xi32, #tpu.memory_space<vmem>> -> memref<1x128xi32, #tpu.memory_space<vmem>>
      %dma_wait3A_325 = tpu.memref_squeeze %dma_wait3A_324 : memref<1x128xi32, #tpu.memory_space<vmem>> -> memref<128xi32, #tpu.memory_space<vmem>>
      %dma_wait3A_326 = arith.constant 0 : i32
      %dma_wait3A_327 = arith.constant 0 : i32
      %dma_wait3A_328 = tpu.memref_slice %arg4[%dma_wait3A_326, %dma_wait3A_327] : memref<20224x64xf32, #tpu.memory_space<hbm>> -> memref<20224x64xf32, #tpu.memory_space<hbm>>
      tpu.wait_indirect_dma semaphore(%arg10 : memref<!tpu.dma_semaphore, #tpu.memory_space<semaphore_mem>>) src(%dma_wait3A_328 : memref<20224x64xf32, #tpu.memory_space<hbm>>) dst(%dma_wait3A_322 : memref<128x64xf32, #tpu.memory_space<vmem>>)
      %dma_start3A_329 = arith.constant 0 : i32
      %dma_start3A_330 = arith.constant 0 : i32
      %dma_start3A_331 = arith.constant 0 : i32
      %dma_start3A_332 = tpu.memref_slice %arg9[%dma_start3A_329, %dma_start3A_330, %dma_start3A_331] : memref<4x128x64xf32, #tpu.memory_space<vmem>> -> memref<1x128x64xf32, #tpu.memory_space<vmem>>
      %dma_start3A_333 = tpu.memref_squeeze %dma_start3A_332 : memref<1x128x64xf32, #tpu.memory_space<vmem>> -> memref<128x64xf32, #tpu.memory_space<vmem>>
      %dma_start3A_334 = arith.constant 0 : i32
      %dma_start3A_335 = tpu.memref_slice %arg8[%add3A_317, %dma_start3A_334] : memref<164x128xi32, #tpu.memory_space<vmem>> -> memref<1x128xi32, #tpu.memory_space<vmem>>
      %dma_start3A_336 = tpu.memref_squeeze %dma_start3A_335 : memref<1x128xi32, #tpu.memory_space<vmem>> -> memref<128xi32, #tpu.memory_space<vmem>>
      %dma_start3A_337 = arith.constant 0 : i32
      %dma_start3A_338 = arith.constant 0 : i32
      %dma_start3A_339 = tpu.memref_slice %arg18[%dma_start3A_337, %dma_start3A_338] : memref<10112x64xf32, #tpu.memory_space<vmem_shared>> -> memref<10112x64xf32, #tpu.memory_space<vmem_shared>>
      tpu.enqueue_indirect_dma source(%dma_start3A_333 : memref<128x64xf32, #tpu.memory_space<vmem>>) target(%dma_start3A_339 : memref<10112x64xf32, #tpu.memory_space<vmem_shared>>) offsets(%dma_start3A_336 : memref<128xi32, #tpu.memory_space<vmem>>) semaphore(%arg14 : memref<!tpu.dma_semaphore, #tpu.memory_space<semaphore_mem>>) {add = true}
      %sub3A_340 = arith.constant 2 : i32
      %sub3A_341 = arith.subi %add3A_317, %sub3A_340 : i32
      %dma_wait3A_342 = arith.constant 2 : i32
      %dma_wait3A_343 = arith.constant 0 : i32
      %dma_wait3A_344 = arith.constant 0 : i32
      %dma_wait3A_345 = tpu.memref_slice %arg9[%dma_wait3A_342, %dma_wait3A_343, %dma_wait3A_344] : memref<4x128x64xf32, #tpu.memory_space<vmem>> -> memref<1x128x64xf32, #tpu.memory_space<vmem>>
      %dma_wait3A_346 = tpu.memref_squeeze %dma_wait3A_345 : memref<1x128x64xf32, #tpu.memory_space<vmem>> -> memref<128x64xf32, #tpu.memory_space<vmem>>
      %dma_wait3A_347 = arith.constant 0 : i32
      %dma_wait3A_348 = tpu.memref_slice %arg8[%sub3A_341, %dma_wait3A_347] : memref<164x128xi32, #tpu.memory_space<vmem>> -> memref<1x128xi32, #tpu.memory_space<vmem>>
      %dma_wait3A_349 = tpu.memref_squeeze %dma_wait3A_348 : memref<1x128xi32, #tpu.memory_space<vmem>> -> memref<128xi32, #tpu.memory_space<vmem>>
      %dma_wait3A_350 = arith.constant 0 : i32
      %dma_wait3A_351 = arith.constant 0 : i32
      %dma_wait3A_352 = tpu.memref_slice %arg18[%dma_wait3A_350, %dma_wait3A_351] : memref<10112x64xf32, #tpu.memory_space<vmem_shared>> -> memref<10112x64xf32, #tpu.memory_space<vmem_shared>>
      tpu.wait_indirect_dma semaphore(%arg16 : memref<!tpu.dma_semaphore, #tpu.memory_space<semaphore_mem>>) src(%dma_wait3A_346 : memref<128x64xf32, #tpu.memory_space<vmem>>) dst(%dma_wait3A_352 : memref<10112x64xf32, #tpu.memory_space<vmem_shared>>)
      %add3A_353 = arith.constant 2 : i32
      %add3A_354 = arith.addi %add3A_317, %add3A_353 : i32
      %dma_start3A_355 = arith.constant 2 : i32
      %dma_start3A_356 = arith.constant 0 : i32
      %dma_start3A_357 = arith.constant 0 : i32
      %dma_start3A_358 = tpu.memref_slice %arg9[%dma_start3A_355, %dma_start3A_356, %dma_start3A_357] : memref<4x128x64xf32, #tpu.memory_space<vmem>> -> memref<1x128x64xf32, #tpu.memory_space<vmem>>
      %dma_start3A_359 = tpu.memref_squeeze %dma_start3A_358 : memref<1x128x64xf32, #tpu.memory_space<vmem>> -> memref<128x64xf32, #tpu.memory_space<vmem>>
      %dma_start3A_360 = arith.constant 0 : i32
      %dma_start3A_361 = tpu.memref_slice %arg7[%add3A_354, %dma_start3A_360] : memref<164x128xi32, #tpu.memory_space<vmem>> -> memref<1x128xi32, #tpu.memory_space<vmem>>
      %dma_start3A_362 = tpu.memref_squeeze %dma_start3A_361 : memref<1x128xi32, #tpu.memory_space<vmem>> -> memref<128xi32, #tpu.memory_space<vmem>>
      %dma_start3A_363 = arith.constant 0 : i32
      %dma_start3A_364 = arith.constant 0 : i32
      %dma_start3A_365 = tpu.memref_slice %arg4[%dma_start3A_363, %dma_start3A_364] : memref<20224x64xf32, #tpu.memory_space<hbm>> -> memref<20224x64xf32, #tpu.memory_space<hbm>>
      tpu.enqueue_indirect_dma source(%dma_start3A_365 : memref<20224x64xf32, #tpu.memory_space<hbm>>) target(%dma_start3A_359 : memref<128x64xf32, #tpu.memory_space<vmem>>) offsets(%dma_start3A_362 : memref<128xi32, #tpu.memory_space<vmem>>) semaphore(%arg12 : memref<!tpu.dma_semaphore, #tpu.memory_space<semaphore_mem>>)
      %mul3A_366 = arith.constant 4 : i32
      %mul3A_367 = arith.muli %mul3A_366, %scan3A_205 : i32
      %add3A_368 = arith.constant 2 : i32
      %add3A_369 = arith.addi %mul3A_367, %add3A_368 : i32
      %add3A_370 = arith.constant 3 : i32
      %add3A_371 = arith.addi %add3A_369, %add3A_370 : i32
      %dma_wait3A_372 = arith.constant 1 : i32
      %dma_wait3A_373 = arith.constant 0 : i32
      %dma_wait3A_374 = arith.constant 0 : i32
      %dma_wait3A_375 = tpu.memref_slice %arg9[%dma_wait3A_372, %dma_wait3A_373, %dma_wait3A_374] : memref<4x128x64xf32, #tpu.memory_space<vmem>> -> memref<1x128x64xf32, #tpu.memory_space<vmem>>
      %dma_wait3A_376 = tpu.memref_squeeze %dma_wait3A_375 : memref<1x128x64xf32, #tpu.memory_space<vmem>> -> memref<128x64xf32, #tpu.memory_space<vmem>>
      %dma_wait3A_377 = arith.constant 0 : i32
      %dma_wait3A_378 = tpu.memref_slice %arg7[%add3A_371, %dma_wait3A_377] : memref<164x128xi32, #tpu.memory_space<vmem>> -> memref<1x128xi32, #tpu.memory_space<vmem>>
      %dma_wait3A_379 = tpu.memref_squeeze %dma_wait3A_378 : memref<1x128xi32, #tpu.memory_space<vmem>> -> memref<128xi32, #tpu.memory_space<vmem>>
      %dma_wait3A_380 = arith.constant 0 : i32
      %dma_wait3A_381 = arith.constant 0 : i32
      %dma_wait3A_382 = tpu.memref_slice %arg4[%dma_wait3A_380, %dma_wait3A_381] : memref<20224x64xf32, #tpu.memory_space<hbm>> -> memref<20224x64xf32, #tpu.memory_space<hbm>>
      tpu.wait_indirect_dma semaphore(%arg11 : memref<!tpu.dma_semaphore, #tpu.memory_space<semaphore_mem>>) src(%dma_wait3A_382 : memref<20224x64xf32, #tpu.memory_space<hbm>>) dst(%dma_wait3A_376 : memref<128x64xf32, #tpu.memory_space<vmem>>)
      %dma_start3A_383 = arith.constant 1 : i32
      %dma_start3A_384 = arith.constant 0 : i32
      %dma_start3A_385 = arith.constant 0 : i32
      %dma_start3A_386 = tpu.memref_slice %arg9[%dma_start3A_383, %dma_start3A_384, %dma_start3A_385] : memref<4x128x64xf32, #tpu.memory_space<vmem>> -> memref<1x128x64xf32, #tpu.memory_space<vmem>>
      %dma_start3A_387 = tpu.memref_squeeze %dma_start3A_386 : memref<1x128x64xf32, #tpu.memory_space<vmem>> -> memref<128x64xf32, #tpu.memory_space<vmem>>
      %dma_start3A_388 = arith.constant 0 : i32
      %dma_start3A_389 = tpu.memref_slice %arg8[%add3A_371, %dma_start3A_388] : memref<164x128xi32, #tpu.memory_space<vmem>> -> memref<1x128xi32, #tpu.memory_space<vmem>>
      %dma_start3A_390 = tpu.memref_squeeze %dma_start3A_389 : memref<1x128xi32, #tpu.memory_space<vmem>> -> memref<128xi32, #tpu.memory_space<vmem>>
      %dma_start3A_391 = arith.constant 0 : i32
      %dma_start3A_392 = arith.constant 0 : i32
      %dma_start3A_393 = tpu.memref_slice %arg18[%dma_start3A_391, %dma_start3A_392] : memref<10112x64xf32, #tpu.memory_space<vmem_shared>> -> memref<10112x64xf32, #tpu.memory_space<vmem_shared>>
      tpu.enqueue_indirect_dma source(%dma_start3A_387 : memref<128x64xf32, #tpu.memory_space<vmem>>) target(%dma_start3A_393 : memref<10112x64xf32, #tpu.memory_space<vmem_shared>>) offsets(%dma_start3A_390 : memref<128xi32, #tpu.memory_space<vmem>>) semaphore(%arg15 : memref<!tpu.dma_semaphore, #tpu.memory_space<semaphore_mem>>) {add = true}
      %sub3A_394 = arith.constant 2 : i32
      %sub3A_395 = arith.subi %add3A_371, %sub3A_394 : i32
      %dma_wait3A_396 = arith.constant 3 : i32
      %dma_wait3A_397 = arith.constant 0 : i32
      %dma_wait3A_398 = arith.constant 0 : i32
      %dma_wait3A_399 = tpu.memref_slice %arg9[%dma_wait3A_396, %dma_wait3A_397, %dma_wait3A_398] : memref<4x128x64xf32, #tpu.memory_space<vmem>> -> memref<1x128x64xf32, #tpu.memory_space<vmem>>
      %dma_wait3A_400 = tpu.memref_squeeze %dma_wait3A_399 : memref<1x128x64xf32, #tpu.memory_space<vmem>> -> memref<128x64xf32, #tpu.memory_space<vmem>>
      %dma_wait3A_401 = arith.constant 0 : i32
      %dma_wait3A_402 = tpu.memref_slice %arg8[%sub3A_395, %dma_wait3A_401] : memref<164x128xi32, #tpu.memory_space<vmem>> -> memref<1x128xi32, #tpu.memory_space<vmem>>
      %dma_wait3A_403 = tpu.memref_squeeze %dma_wait3A_402 : memref<1x128xi32, #tpu.memory_space<vmem>> -> memref<128xi32, #tpu.memory_space<vmem>>
      %dma_wait3A_404 = arith.constant 0 : i32
      %dma_wait3A_405 = arith.constant 0 : i32
      %dma_wait3A_406 = tpu.memref_slice %arg18[%dma_wait3A_404, %dma_wait3A_405] : memref<10112x64xf32, #tpu.memory_space<vmem_shared>> -> memref<10112x64xf32, #tpu.memory_space<vmem_shared>>
      tpu.wait_indirect_dma semaphore(%arg17 : memref<!tpu.dma_semaphore, #tpu.memory_space<semaphore_mem>>) src(%dma_wait3A_400 : memref<128x64xf32, #tpu.memory_space<vmem>>) dst(%dma_wait3A_406 : memref<10112x64xf32, #tpu.memory_space<vmem_shared>>)
      %add3A_407 = arith.constant 2 : i32
      %add3A_408 = arith.addi %add3A_371, %add3A_407 : i32
      %dma_start3A_409 = arith.constant 3 : i32
      %dma_start3A_410 = arith.constant 0 : i32
      %dma_start3A_411 = arith.constant 0 : i32
      %dma_start3A_412 = tpu.memref_slice %arg9[%dma_start3A_409, %dma_start3A_410, %dma_start3A_411] : memref<4x128x64xf32, #tpu.memory_space<vmem>> -> memref<1x128x64xf32, #tpu.memory_space<vmem>>
      %dma_start3A_413 = tpu.memref_squeeze %dma_start3A_412 : memref<1x128x64xf32, #tpu.memory_space<vmem>> -> memref<128x64xf32, #tpu.memory_space<vmem>>
      %dma_start3A_414 = arith.constant 0 : i32
      %dma_start3A_415 = tpu.memref_slice %arg7[%add3A_408, %dma_start3A_414] : memref<164x128xi32, #tpu.memory_space<vmem>> -> memref<1x128xi32, #tpu.memory_space<vmem>>
      %dma_start3A_416 = tpu.memref_squeeze %dma_start3A_415 : memref<1x128xi32, #tpu.memory_space<vmem>> -> memref<128xi32, #tpu.memory_space<vmem>>
      %dma_start3A_417 = arith.constant 0 : i32
      %dma_start3A_418 = arith.constant 0 : i32
      %dma_start3A_419 = tpu.memref_slice %arg4[%dma_start3A_417, %dma_start3A_418] : memref<20224x64xf32, #tpu.memory_space<hbm>> -> memref<20224x64xf32, #tpu.memory_space<hbm>>
      tpu.enqueue_indirect_dma source(%dma_start3A_419 : memref<20224x64xf32, #tpu.memory_space<hbm>>) target(%dma_start3A_413 : memref<128x64xf32, #tpu.memory_space<vmem>>) offsets(%dma_start3A_416 : memref<128xi32, #tpu.memory_space<vmem>>) semaphore(%arg13 : memref<!tpu.dma_semaphore, #tpu.memory_space<semaphore_mem>>)
    }
    %scan3A_101 = arith.constant 40 : i32
    %dma_wait3A_102 = arith.constant 162 : i32
    %dma_wait3A_103 = arith.constant 2 : i32
    %dma_wait3A_104 = arith.constant 0 : i32
    %dma_wait3A_105 = arith.constant 0 : i32
    %dma_wait3A_106 = tpu.memref_slice %arg9[%dma_wait3A_103, %dma_wait3A_104, %dma_wait3A_105] : memref<4x128x64xf32, #tpu.memory_space<vmem>> -> memref<1x128x64xf32, #tpu.memory_space<vmem>>
    %dma_wait3A_107 = tpu.memref_squeeze %dma_wait3A_106 : memref<1x128x64xf32, #tpu.memory_space<vmem>> -> memref<128x64xf32, #tpu.memory_space<vmem>>
    %dma_wait3A_108 = arith.constant 0 : i32
    %dma_wait3A_109 = tpu.memref_slice %arg7[%dma_wait3A_102, %dma_wait3A_108] : memref<164x128xi32, #tpu.memory_space<vmem>> -> memref<1x128xi32, #tpu.memory_space<vmem>>
    %dma_wait3A_110 = tpu.memref_squeeze %dma_wait3A_109 : memref<1x128xi32, #tpu.memory_space<vmem>> -> memref<128xi32, #tpu.memory_space<vmem>>
    %dma_wait3A_111 = arith.constant 0 : i32
    %dma_wait3A_112 = arith.constant 0 : i32
    %dma_wait3A_113 = tpu.memref_slice %arg4[%dma_wait3A_111, %dma_wait3A_112] : memref<20224x64xf32, #tpu.memory_space<hbm>> -> memref<20224x64xf32, #tpu.memory_space<hbm>>
    tpu.wait_indirect_dma semaphore(%arg12 : memref<!tpu.dma_semaphore, #tpu.memory_space<semaphore_mem>>) src(%dma_wait3A_113 : memref<20224x64xf32, #tpu.memory_space<hbm>>) dst(%dma_wait3A_107 : memref<128x64xf32, #tpu.memory_space<vmem>>)
    %dma_start3A_114 = arith.constant 2 : i32
    %dma_start3A_115 = arith.constant 162 : i32
    %dma_start3A_116 = arith.constant 0 : i32
    %dma_start3A_117 = arith.constant 0 : i32
    %dma_start3A_118 = tpu.memref_slice %arg9[%dma_start3A_114, %dma_start3A_116, %dma_start3A_117] : memref<4x128x64xf32, #tpu.memory_space<vmem>> -> memref<1x128x64xf32, #tpu.memory_space<vmem>>
    %dma_start3A_119 = tpu.memref_squeeze %dma_start3A_118 : memref<1x128x64xf32, #tpu.memory_space<vmem>> -> memref<128x64xf32, #tpu.memory_space<vmem>>
    %dma_start3A_120 = arith.constant 0 : i32
    %dma_start3A_121 = tpu.memref_slice %arg8[%dma_start3A_115, %dma_start3A_120] : memref<164x128xi32, #tpu.memory_space<vmem>> -> memref<1x128xi32, #tpu.memory_space<vmem>>
    %dma_start3A_122 = tpu.memref_squeeze %dma_start3A_121 : memref<1x128xi32, #tpu.memory_space<vmem>> -> memref<128xi32, #tpu.memory_space<vmem>>
    %dma_start3A_123 = arith.constant 0 : i32
    %dma_start3A_124 = arith.constant 0 : i32
    %dma_start3A_125 = tpu.memref_slice %arg18[%dma_start3A_123, %dma_start3A_124] : memref<10112x64xf32, #tpu.memory_space<vmem_shared>> -> memref<10112x64xf32, #tpu.memory_space<vmem_shared>>
    tpu.enqueue_indirect_dma source(%dma_start3A_119 : memref<128x64xf32, #tpu.memory_space<vmem>>) target(%dma_start3A_125 : memref<10112x64xf32, #tpu.memory_space<vmem_shared>>) offsets(%dma_start3A_122 : memref<128xi32, #tpu.memory_space<vmem>>) semaphore(%arg16 : memref<!tpu.dma_semaphore, #tpu.memory_space<semaphore_mem>>) {add = true}
    %dma_wait3A_126 = arith.constant 0 : i32
    %dma_wait3A_127 = arith.constant 160 : i32
    %dma_wait3A_128 = arith.constant 0 : i32
    %dma_wait3A_129 = arith.constant 0 : i32
    %dma_wait3A_130 = tpu.memref_slice %arg9[%dma_wait3A_126, %dma_wait3A_128, %dma_wait3A_129] : memref<4x128x64xf32, #tpu.memory_space<vmem>> -> memref<1x128x64xf32, #tpu.memory_space<vmem>>
    %dma_wait3A_131 = tpu.memref_squeeze %dma_wait3A_130 : memref<1x128x64xf32, #tpu.memory_space<vmem>> -> memref<128x64xf32, #tpu.memory_space<vmem>>
    %dma_wait3A_132 = arith.constant 0 : i32
    %dma_wait3A_133 = tpu.memref_slice %arg8[%dma_wait3A_127, %dma_wait3A_132] : memref<164x128xi32, #tpu.memory_space<vmem>> -> memref<1x128xi32, #tpu.memory_space<vmem>>
    %dma_wait3A_134 = tpu.memref_squeeze %dma_wait3A_133 : memref<1x128xi32, #tpu.memory_space<vmem>> -> memref<128xi32, #tpu.memory_space<vmem>>
    %dma_wait3A_135 = arith.constant 0 : i32
    %dma_wait3A_136 = arith.constant 0 : i32
    %dma_wait3A_137 = tpu.memref_slice %arg18[%dma_wait3A_135, %dma_wait3A_136] : memref<10112x64xf32, #tpu.memory_space<vmem_shared>> -> memref<10112x64xf32, #tpu.memory_space<vmem_shared>>
    tpu.wait_indirect_dma semaphore(%arg14 : memref<!tpu.dma_semaphore, #tpu.memory_space<semaphore_mem>>) src(%dma_wait3A_131 : memref<128x64xf32, #tpu.memory_space<vmem>>) dst(%dma_wait3A_137 : memref<10112x64xf32, #tpu.memory_space<vmem_shared>>)
    %dma_wait3A_138 = arith.constant 163 : i32
    %dma_wait3A_139 = arith.constant 3 : i32
    %dma_wait3A_140 = arith.constant 0 : i32
    %dma_wait3A_141 = arith.constant 0 : i32
    %dma_wait3A_142 = tpu.memref_slice %arg9[%dma_wait3A_139, %dma_wait3A_140, %dma_wait3A_141] : memref<4x128x64xf32, #tpu.memory_space<vmem>> -> memref<1x128x64xf32, #tpu.memory_space<vmem>>
    %dma_wait3A_143 = tpu.memref_squeeze %dma_wait3A_142 : memref<1x128x64xf32, #tpu.memory_space<vmem>> -> memref<128x64xf32, #tpu.memory_space<vmem>>
    %dma_wait3A_144 = arith.constant 0 : i32
    %dma_wait3A_145 = tpu.memref_slice %arg7[%dma_wait3A_138, %dma_wait3A_144] : memref<164x128xi32, #tpu.memory_space<vmem>> -> memref<1x128xi32, #tpu.memory_space<vmem>>
    %dma_wait3A_146 = tpu.memref_squeeze %dma_wait3A_145 : memref<1x128xi32, #tpu.memory_space<vmem>> -> memref<128xi32, #tpu.memory_space<vmem>>
    %dma_wait3A_147 = arith.constant 0 : i32
    %dma_wait3A_148 = arith.constant 0 : i32
    %dma_wait3A_149 = tpu.memref_slice %arg4[%dma_wait3A_147, %dma_wait3A_148] : memref<20224x64xf32, #tpu.memory_space<hbm>> -> memref<20224x64xf32, #tpu.memory_space<hbm>>
    tpu.wait_indirect_dma semaphore(%arg13 : memref<!tpu.dma_semaphore, #tpu.memory_space<semaphore_mem>>) src(%dma_wait3A_149 : memref<20224x64xf32, #tpu.memory_space<hbm>>) dst(%dma_wait3A_143 : memref<128x64xf32, #tpu.memory_space<vmem>>)
    %dma_start3A_150 = arith.constant 3 : i32
    %dma_start3A_151 = arith.constant 163 : i32
    %dma_start3A_152 = arith.constant 0 : i32
    %dma_start3A_153 = arith.constant 0 : i32
    %dma_start3A_154 = tpu.memref_slice %arg9[%dma_start3A_150, %dma_start3A_152, %dma_start3A_153] : memref<4x128x64xf32, #tpu.memory_space<vmem>> -> memref<1x128x64xf32, #tpu.memory_space<vmem>>
    %dma_start3A_155 = tpu.memref_squeeze %dma_start3A_154 : memref<1x128x64xf32, #tpu.memory_space<vmem>> -> memref<128x64xf32, #tpu.memory_space<vmem>>
    %dma_start3A_156 = arith.constant 0 : i32
    %dma_start3A_157 = tpu.memref_slice %arg8[%dma_start3A_151, %dma_start3A_156] : memref<164x128xi32, #tpu.memory_space<vmem>> -> memref<1x128xi32, #tpu.memory_space<vmem>>
    %dma_start3A_158 = tpu.memref_squeeze %dma_start3A_157 : memref<1x128xi32, #tpu.memory_space<vmem>> -> memref<128xi32, #tpu.memory_space<vmem>>
    %dma_start3A_159 = arith.constant 0 : i32
    %dma_start3A_160 = arith.constant 0 : i32
    %dma_start3A_161 = tpu.memref_slice %arg18[%dma_start3A_159, %dma_start3A_160] : memref<10112x64xf32, #tpu.memory_space<vmem_shared>> -> memref<10112x64xf32, #tpu.memory_space<vmem_shared>>
    tpu.enqueue_indirect_dma source(%dma_start3A_155 : memref<128x64xf32, #tpu.memory_space<vmem>>) target(%dma_start3A_161 : memref<10112x64xf32, #tpu.memory_space<vmem_shared>>) offsets(%dma_start3A_158 : memref<128xi32, #tpu.memory_space<vmem>>) semaphore(%arg17 : memref<!tpu.dma_semaphore, #tpu.memory_space<semaphore_mem>>) {add = true}
    %dma_wait3A_162 = arith.constant 1 : i32
    %dma_wait3A_163 = arith.constant 161 : i32
    %dma_wait3A_164 = arith.constant 0 : i32
    %dma_wait3A_165 = arith.constant 0 : i32
    %dma_wait3A_166 = tpu.memref_slice %arg9[%dma_wait3A_162, %dma_wait3A_164, %dma_wait3A_165] : memref<4x128x64xf32, #tpu.memory_space<vmem>> -> memref<1x128x64xf32, #tpu.memory_space<vmem>>
    %dma_wait3A_167 = tpu.memref_squeeze %dma_wait3A_166 : memref<1x128x64xf32, #tpu.memory_space<vmem>> -> memref<128x64xf32, #tpu.memory_space<vmem>>
    %dma_wait3A_168 = arith.constant 0 : i32
    %dma_wait3A_169 = tpu.memref_slice %arg8[%dma_wait3A_163, %dma_wait3A_168] : memref<164x128xi32, #tpu.memory_space<vmem>> -> memref<1x128xi32, #tpu.memory_space<vmem>>
    %dma_wait3A_170 = tpu.memref_squeeze %dma_wait3A_169 : memref<1x128xi32, #tpu.memory_space<vmem>> -> memref<128xi32, #tpu.memory_space<vmem>>
    %dma_wait3A_171 = arith.constant 0 : i32
    %dma_wait3A_172 = arith.constant 0 : i32
    %dma_wait3A_173 = tpu.memref_slice %arg18[%dma_wait3A_171, %dma_wait3A_172] : memref<10112x64xf32, #tpu.memory_space<vmem_shared>> -> memref<10112x64xf32, #tpu.memory_space<vmem_shared>>
    tpu.wait_indirect_dma semaphore(%arg15 : memref<!tpu.dma_semaphore, #tpu.memory_space<semaphore_mem>>) src(%dma_wait3A_167 : memref<128x64xf32, #tpu.memory_space<vmem>>) dst(%dma_wait3A_173 : memref<10112x64xf32, #tpu.memory_space<vmem_shared>>)
    %dma_wait3A_174 = arith.constant 2 : i32
    %dma_wait3A_175 = arith.constant 162 : i32
    %dma_wait3A_176 = arith.constant 0 : i32
    %dma_wait3A_177 = arith.constant 0 : i32
    %dma_wait3A_178 = tpu.memref_slice %arg9[%dma_wait3A_174, %dma_wait3A_176, %dma_wait3A_177] : memref<4x128x64xf32, #tpu.memory_space<vmem>> -> memref<1x128x64xf32, #tpu.memory_space<vmem>>
    %dma_wait3A_179 = tpu.memref_squeeze %dma_wait3A_178 : memref<1x128x64xf32, #tpu.memory_space<vmem>> -> memref<128x64xf32, #tpu.memory_space<vmem>>
    %dma_wait3A_180 = arith.constant 0 : i32
    %dma_wait3A_181 = tpu.memref_slice %arg8[%dma_wait3A_175, %dma_wait3A_180] : memref<164x128xi32, #tpu.memory_space<vmem>> -> memref<1x128xi32, #tpu.memory_space<vmem>>
    %dma_wait3A_182 = tpu.memref_squeeze %dma_wait3A_181 : memref<1x128xi32, #tpu.memory_space<vmem>> -> memref<128xi32, #tpu.memory_space<vmem>>
    %dma_wait3A_183 = arith.constant 0 : i32
    %dma_wait3A_184 = arith.constant 0 : i32
    %dma_wait3A_185 = tpu.memref_slice %arg18[%dma_wait3A_183, %dma_wait3A_184] : memref<10112x64xf32, #tpu.memory_space<vmem_shared>> -> memref<10112x64xf32, #tpu.memory_space<vmem_shared>>
    tpu.wait_indirect_dma semaphore(%arg16 : memref<!tpu.dma_semaphore, #tpu.memory_space<semaphore_mem>>) src(%dma_wait3A_179 : memref<128x64xf32, #tpu.memory_space<vmem>>) dst(%dma_wait3A_185 : memref<10112x64xf32, #tpu.memory_space<vmem_shared>>)
    %dma_wait3A_186 = arith.constant 3 : i32
    %dma_wait3A_187 = arith.constant 163 : i32
    %dma_wait3A_188 = arith.constant 0 : i32
    %dma_wait3A_189 = arith.constant 0 : i32
    %dma_wait3A_190 = tpu.memref_slice %arg9[%dma_wait3A_186, %dma_wait3A_188, %dma_wait3A_189] : memref<4x128x64xf32, #tpu.memory_space<vmem>> -> memref<1x128x64xf32, #tpu.memory_space<vmem>>
    %dma_wait3A_191 = tpu.memref_squeeze %dma_wait3A_190 : memref<1x128x64xf32, #tpu.memory_space<vmem>> -> memref<128x64xf32, #tpu.memory_space<vmem>>
    %dma_wait3A_192 = arith.constant 0 : i32
    %dma_wait3A_193 = tpu.memref_slice %arg8[%dma_wait3A_187, %dma_wait3A_192] : memref<164x128xi32, #tpu.memory_space<vmem>> -> memref<1x128xi32, #tpu.memory_space<vmem>>
    %dma_wait3A_194 = tpu.memref_squeeze %dma_wait3A_193 : memref<1x128xi32, #tpu.memory_space<vmem>> -> memref<128xi32, #tpu.memory_space<vmem>>
    %dma_wait3A_195 = arith.constant 0 : i32
    %dma_wait3A_196 = arith.constant 0 : i32
    %dma_wait3A_197 = tpu.memref_slice %arg18[%dma_wait3A_195, %dma_wait3A_196] : memref<10112x64xf32, #tpu.memory_space<vmem_shared>> -> memref<10112x64xf32, #tpu.memory_space<vmem_shared>>
    tpu.wait_indirect_dma semaphore(%arg17 : memref<!tpu.dma_semaphore, #tpu.memory_space<semaphore_mem>>) src(%dma_wait3A_191 : memref<128x64xf32, #tpu.memory_space<vmem>>) dst(%dma_wait3A_197 : memref<10112x64xf32, #tpu.memory_space<vmem_shared>>)
    %barrier3A_198 = arith.constant 0 : index
    tpu.barrier barrier_id(%barrier3A_198)
    %mul3A_199 = arith.constant 632 : i32
    %mul3A_200 = arith.muli %arg1, %mul3A_199 : i32
    %mul3A_201 = arith.constant 632 : i32
    %mul3A_202 = arith.muli %arg1, %mul3A_201 : i32
    %mul3A_203 = arith.constant 64 : i32
    %mul3A_204 = arith.muli %arg0, %mul3A_203 : i32
    "tpu.region"() ({
      %run_scoped3A = tpu.sem_alloc : memref<!tpu.dma_semaphore, #tpu.memory_space<semaphore_mem>>
      %dma_start3A_205 = tpu.memref_slice %arg6[%mul3A_202, %mul3A_204] : memref<10112x128xf32, #tpu.memory_space<hbm>> -> memref<632x64xf32, #tpu.memory_space<hbm>>
      %dma_start3A_206 = arith.constant 0 : i32
      %dma_start3A_207 = tpu.memref_slice %arg18[%mul3A_200, %dma_start3A_206] : memref<10112x64xf32, #tpu.memory_space<vmem_shared>> -> memref<632x64xf32, #tpu.memory_space<vmem_shared>>
      tpu.enqueue_dma source(%dma_start3A_207 : memref<632x64xf32, #tpu.memory_space<vmem_shared>>) target(%dma_start3A_205 : memref<632x64xf32, #tpu.memory_space<hbm>>) target_semaphore(%run_scoped3A : memref<!tpu.dma_semaphore, #tpu.memory_space<semaphore_mem>>)
      %dma_wait3A_208 = tpu.memref_slice %arg6[%mul3A_202, %mul3A_204] : memref<10112x128xf32, #tpu.memory_space<hbm>> -> memref<632x64xf32, #tpu.memory_space<hbm>>
      %dma_wait3A_209 = arith.constant 0 : i32
      %dma_wait3A_210 = tpu.memref_slice %arg18[%mul3A_200, %dma_wait3A_209] : memref<10112x64xf32, #tpu.memory_space<vmem_shared>> -> memref<632x64xf32, #tpu.memory_space<vmem_shared>>
      tpu.wait_dma2 semaphore(%run_scoped3A : memref<!tpu.dma_semaphore, #tpu.memory_space<semaphore_mem>>) src(%dma_wait3A_210 : memref<632x64xf32, #tpu.memory_space<vmem_shared>>) dst(%dma_wait3A_208 : memref<632x64xf32, #tpu.memory_space<hbm>>)
      tpu.yield
    }) : () -> ()
    return
  }
}

module attributes {stable_mosaic.version = 14 : i64} {
  func.func @_prep_body(%arg0: memref<2x2500x128xi32, #tpu.memory_space<vmem>>, %arg1: memref<2x2624x128xi32, #tpu.memory_space<vmem>>, %arg2: memref<2624x128xi32, #tpu.memory_space<vmem>>) attributes {dimension_semantics = [], scalar_prefetch = 0 : i64, scratch_operands = 0 : i64, tpu.core_type = #tpu.core_type<tc>} {
    %iota3A = tpu.iota {dimensions = array<i32: 0>} : vector<2624x128xi32>
    %iota3A_0 = tpu.iota {dimensions = array<i32: 1>} : vector<2624x128xi32>
    %mul3A = arith.constant 128 : i32
    %mul3A_1 = vector.broadcast %mul3A : i32 to vector<2624x128xi32>
    %mul3A_2 = arith.muli %iota3A, %mul3A_1 : vector<2624x128xi32>
    %add3A = arith.addi %mul3A_2, %iota3A_0 : vector<2624x128xi32>
    %lt3A = arith.constant 330000 : i32
    %lt3A_3 = vector.broadcast %lt3A : i32 to vector<2624x128xi32>
    %lt3A_4 = arith.cmpi slt, %add3A, %lt3A_3 : vector<2624x128xi32>
    %sub3A = arith.constant 320000 : i32
    %sub3A_5 = vector.broadcast %sub3A : i32 to vector<2624x128xi32>
    %sub3A_6 = arith.subi %add3A, %sub3A_5 : vector<2624x128xi32>
    %sub3A_7 = arith.constant 330000 : i32
    %sub3A_8 = vector.broadcast %sub3A_7 : i32 to vector<2624x128xi32>
    %sub3A_9 = arith.subi %add3A, %sub3A_8 : vector<2624x128xi32>
    %and3A = arith.constant 15 : i32
    %and3A_10 = vector.broadcast %and3A : i32 to vector<2624x128xi32>
    %and3A_11 = arith.andi %sub3A_9, %and3A_10 : vector<2624x128xi32>
    %add3A_12 = arith.constant 10000 : i32
    %add3A_13 = vector.broadcast %add3A_12 : i32 to vector<2624x128xi32>
    %add3A_14 = arith.addi %add3A_13, %and3A_11 : vector<2624x128xi32>
    %select_n3A = arith.select %lt3A_4, %sub3A_6, %add3A_14 : vector<2624x128xi1>, vector<2624x128xi32>
    %broadcast_in_dim3A = arith.constant 0 : i32
    %broadcast_in_dim3A_15 = vector.broadcast %broadcast_in_dim3A : i32 to vector<124x128xi32>
    %lt3A_16 = arith.constant 320000 : i32
    %lt3A_17 = vector.broadcast %lt3A_16 : i32 to vector<2624x128xi32>
    %lt3A_18 = arith.cmpi slt, %add3A, %lt3A_17 : vector<2624x128xi32>
    %get3A = arith.constant 0 : index
    %get3A_19 = arith.constant 0 : index
    %get3A_20 = arith.constant 0 : index
    %get3A_21 = vector.load %arg0[%get3A, %get3A_19, %get3A_20] : memref<2x2500x128xi32, #tpu.memory_space<vmem>>, vector<1x2500x128xi32>
    %get3A_22 = vector.shape_cast %get3A_21 : vector<1x2500x128xi32> to vector<2500x128xi32>
    %concatenate3A = tpu.concatenate %get3A_22, %broadcast_in_dim3A_15 in 0 : vector<2500x128xi32>, vector<124x128xi32> -> vector<2624x128xi32>
    %select_n3A_23 = arith.select %lt3A_18, %concatenate3A, %select_n3A : vector<2624x128xi1>, vector<2624x128xi32>
    %lt3A_24 = arith.constant 320000 : i32
    %lt3A_25 = vector.broadcast %lt3A_24 : i32 to vector<2624x128xi32>
    %lt3A_26 = arith.cmpi slt, %add3A, %lt3A_25 : vector<2624x128xi32>
    %get3A_27 = arith.constant 1 : index
    %get3A_28 = arith.constant 0 : index
    %get3A_29 = arith.constant 0 : index
    %get3A_30 = vector.load %arg0[%get3A_27, %get3A_28, %get3A_29] : memref<2x2500x128xi32, #tpu.memory_space<vmem>>, vector<1x2500x128xi32>
    %get3A_31 = vector.shape_cast %get3A_30 : vector<1x2500x128xi32> to vector<2500x128xi32>
    %concatenate3A_32 = tpu.concatenate %get3A_31, %broadcast_in_dim3A_15 in 0 : vector<2500x128xi32>, vector<124x128xi32> -> vector<2624x128xi32>
    %select_n3A_33 = arith.select %lt3A_26, %concatenate3A_32, %select_n3A : vector<2624x128xi1>, vector<2624x128xi32>
    %mul3A_34 = arith.constant 2 : i32
    %mul3A_35 = vector.broadcast %mul3A_34 : i32 to vector<2624x128xi32>
    %mul3A_36 = arith.muli %mul3A_35, %select_n3A_23 : vector<2624x128xi32>
    %swap3A = arith.constant 0 : index
    %swap3A_37 = arith.constant 0 : index
    %swap3A_38 = arith.constant 0 : index
    %swap3A_39 = vector.load %arg1[%swap3A, %swap3A_37, %swap3A_38] : memref<2x2624x128xi32, #tpu.memory_space<vmem>>, vector<1x2624x128xi32>
    %swap3A_40 = vector.shape_cast %swap3A_39 : vector<1x2624x128xi32> to vector<2624x128xi32>
    %swap3A_41 = vector.shape_cast %mul3A_36 : vector<2624x128xi32> to vector<1x2624x128xi32>
    tpu.vector_store %arg1[%swap3A, %swap3A_37, %swap3A_38], %swap3A_41 {strides = array<i32>} : memref<2x2624x128xi32, #tpu.memory_space<vmem>>, vector<1x2624x128xi32>,
    %mul3A_42 = arith.constant 2 : i32
    %mul3A_43 = vector.broadcast %mul3A_42 : i32 to vector<2624x128xi32>
    %mul3A_44 = arith.muli %mul3A_43, %select_n3A_23 : vector<2624x128xi32>
    %add3A_45 = arith.constant 1 : i32
    %add3A_46 = vector.broadcast %add3A_45 : i32 to vector<2624x128xi32>
    %add3A_47 = arith.addi %mul3A_44, %add3A_46 : vector<2624x128xi32>
    %swap3A_48 = arith.constant 1 : index
    %swap3A_49 = arith.constant 0 : index
    %swap3A_50 = arith.constant 0 : index
    %swap3A_51 = vector.load %arg1[%swap3A_48, %swap3A_49, %swap3A_50] : memref<2x2624x128xi32, #tpu.memory_space<vmem>>, vector<1x2624x128xi32>
    %swap3A_52 = vector.shape_cast %swap3A_51 : vector<1x2624x128xi32> to vector<2624x128xi32>
    %swap3A_53 = vector.shape_cast %add3A_47 : vector<2624x128xi32> to vector<1x2624x128xi32>
    tpu.vector_store %arg1[%swap3A_48, %swap3A_49, %swap3A_50], %swap3A_53 {strides = array<i32>} : memref<2x2624x128xi32, #tpu.memory_space<vmem>>, vector<1x2624x128xi32>,
    %swap3A_54 = arith.constant 0 : index
    %swap3A_55 = arith.constant 0 : index
    %swap3A_56 = vector.load %arg2[%swap3A_54, %swap3A_55] : memref<2624x128xi32, #tpu.memory_space<vmem>>, vector<2624x128xi32>
    tpu.vector_store %arg2[%swap3A_54, %swap3A_55], %select_n3A_33 {strides = array<i32>} : memref<2624x128xi32, #tpu.memory_space<vmem>>, vector<2624x128xi32>,
    return
  }
}

module attributes {stable_mosaic.version = 14 : i64} {
  func.func @_dense0_body(%arg0: memref<10000x15xf32, #tpu.memory_space<vmem>>, %arg1: memref<15x128xf32, #tpu.memory_space<vmem>>, %arg2: memref<10112x128xf32, #tpu.memory_space<vmem>>) attributes {dimension_semantics = [], scalar_prefetch = 0 : i64, scratch_operands = 0 : i64, tpu.core_type = #tpu.core_type<tc>} {
    %get3A = arith.constant 0 : index
    %get3A_0 = arith.constant 0 : index
    %get3A_1 = vector.load %arg0[%get3A, %get3A_0] : memref<10000x15xf32, #tpu.memory_space<vmem>>, vector<10000x15xf32>
    %get3A_2 = arith.constant 0 : index
    %get3A_3 = arith.constant 0 : index
    %get3A_4 = vector.load %arg1[%get3A_2, %get3A_3] : memref<15x128xf32, #tpu.memory_space<vmem>>, vector<15x128xf32>
    %dot_general3A = arith.constant dense<0.000000e+00> : vector<10000x128xf32>
    %dot_general3A_5 = tpu.matmul %get3A_1, %get3A_4, %dot_general3A {dimension_numbers = #tpu.dot_dimension_numbers<[1], [0], [0], [1], [0, 0, 1, 1], [], []>, transpose_lhs_hint = false} : vector<10000x15xf32>, vector<15x128xf32>, vector<10000x128xf32> -> vector<10000x128xf32>
    %broadcast_in_dim3A = arith.constant 0.000000e+00 : f32
    %broadcast_in_dim3A_6 = vector.broadcast %broadcast_in_dim3A : f32 to vector<112x128xf32>
    %concatenate3A = tpu.concatenate %dot_general3A_5, %broadcast_in_dim3A_6 in 0 : vector<10000x128xf32>, vector<112x128xf32> -> vector<10112x128xf32>
    %swap3A = arith.constant 0 : index
    %swap3A_7 = arith.constant 0 : index
    %swap3A_8 = vector.load %arg2[%swap3A, %swap3A_7] : memref<10112x128xf32, #tpu.memory_space<vmem>>, vector<10112x128xf32>
    tpu.vector_store %arg2[%swap3A, %swap3A_7], %concatenate3A {strides = array<i32>} : memref<10112x128xf32, #tpu.memory_space<vmem>>, vector<10112x128xf32>,
    return
  }
}

module attributes {stable_mosaic.version = 14 : i64} {
  func.func @_dense1_body(%arg0: memref<2x1264x128xf32, #tpu.memory_space<vmem>>, %arg1: memref<10112x128xf32, #tpu.memory_space<vmem>>, %arg2: memref<10112x128xf32, #tpu.memory_space<vmem>>, %arg3: memref<1264x8xf32, #tpu.memory_space<vmem>>) attributes {dimension_semantics = [], scalar_prefetch = 0 : i64, scratch_operands = 0 : i64, tpu.core_type = #tpu.core_type<tc>} {
    %iota3A = tpu.iota {dimensions = array<i32: 0>} : vector<128x8xi32>
    %iota3A_0 = tpu.iota {dimensions = array<i32: 1>} : vector<128x8xi32>
    %mul3A = arith.constant 16 : i32
    %mul3A_1 = vector.broadcast %mul3A : i32 to vector<128x8xi32>
    %mul3A_2 = arith.muli %mul3A_1, %iota3A_0 : vector<128x8xi32>
    %eq3A = arith.cmpi eq, %iota3A, %mul3A_2 : vector<128x8xi32>
    %jit3A = arith.constant 1.000000e+00 : f32
    %jit3A_3 = arith.constant 0.000000e+00 : f32
    %broadcast_in_dim3A = vector.broadcast %jit3A : f32 to vector<128x8xf32>
    %broadcast_in_dim3A_4 = vector.broadcast %jit3A_3 : f32 to vector<128x8xf32>
    %select_n3A = arith.select %eq3A, %broadcast_in_dim3A, %broadcast_in_dim3A_4 : vector<128x8xi1>, vector<128x8xf32>
    %get3A = arith.constant 0 : index
    %get3A_5 = arith.constant 0 : index
    %get3A_6 = arith.constant 0 : index
    %get3A_7 = vector.load %arg0[%get3A, %get3A_5, %get3A_6] : memref<2x1264x128xf32, #tpu.memory_space<vmem>>, vector<1x1264x128xf32>
    %get3A_8 = vector.shape_cast %get3A_7 : vector<1x1264x128xf32> to vector<1264x128xf32>
    %dot_general3A = arith.constant dense<0.000000e+00> : vector<1264x8xf32>
    %dot_general3A_9 = tpu.matmul %get3A_8, %select_n3A, %dot_general3A {dimension_numbers = #tpu.dot_dimension_numbers<[1], [0], [0], [1], [0, 0, 1, 1], [], []>, transpose_lhs_hint = false} : vector<1264x128xf32>, vector<128x8xf32>, vector<1264x8xf32> -> vector<1264x8xf32>
    %get3A_10 = arith.constant 1 : index
    %get3A_11 = arith.constant 0 : index
    %get3A_12 = arith.constant 0 : index
    %get3A_13 = vector.load %arg0[%get3A_10, %get3A_11, %get3A_12] : memref<2x1264x128xf32, #tpu.memory_space<vmem>>, vector<1x1264x128xf32>
    %get3A_14 = vector.shape_cast %get3A_13 : vector<1x1264x128xf32> to vector<1264x128xf32>
    %dot_general3A_15 = arith.constant dense<0.000000e+00> : vector<1264x8xf32>
    %dot_general3A_16 = tpu.matmul %get3A_14, %select_n3A, %dot_general3A_15 {dimension_numbers = #tpu.dot_dimension_numbers<[1], [0], [0], [1], [0, 0, 1, 1], [], []>, transpose_lhs_hint = false} : vector<1264x128xf32>, vector<128x8xf32>, vector<1264x8xf32> -> vector<1264x8xf32>
    %add3A = arith.addf %dot_general3A_9, %dot_general3A_16 : vector<1264x8xf32>
    %max3A = arith.constant 1.000000e+00 : f32
    %max3A_17 = vector.broadcast %max3A : f32 to vector<1264x8xf32>
    %max3A_18 = arith.maximumf %add3A, %max3A_17 : vector<1264x8xf32>
    %rsqrt3A = math.rsqrt %max3A_18 : vector<1264x8xf32>
    %get3A_19 = arith.constant 0 : index
    %get3A_20 = arith.constant 0 : index
    %get3A_21 = vector.load %arg1[%get3A_19, %get3A_20] : memref<10112x128xf32, #tpu.memory_space<vmem>>, vector<10112x128xf32>
    %reshape3A = vector.shape_cast %get3A_21 : vector<10112x128xf32> to vector<1264x8x128xf32>
    %broadcast_in_dim3A_22 = vector.shape_cast %rsqrt3A : vector<1264x8xf32> to vector<1264x8x1xf32>
    %mul3A_23 = vector.broadcast %broadcast_in_dim3A_22 : vector<1264x8x1xf32> to vector<1264x8x128xf32>
    %mul3A_24 = arith.mulf %reshape3A, %mul3A_23 : vector<1264x8x128xf32>
    %reshape3A_25 = vector.shape_cast %mul3A_24 : vector<1264x8x128xf32> to vector<10112x128xf32>
    %swap3A = arith.constant 0 : index
    %swap3A_26 = arith.constant 0 : index
    %swap3A_27 = vector.load %arg2[%swap3A, %swap3A_26] : memref<10112x128xf32, #tpu.memory_space<vmem>>, vector<10112x128xf32>
    tpu.vector_store %arg2[%swap3A, %swap3A_26], %reshape3A_25 {strides = array<i32>} : memref<10112x128xf32, #tpu.memory_space<vmem>>, vector<10112x128xf32>,
    %swap3A_28 = arith.constant 0 : index
    %swap3A_29 = arith.constant 0 : index
    %swap3A_30 = vector.load %arg3[%swap3A_28, %swap3A_29] : memref<1264x8xf32, #tpu.memory_space<vmem>>, vector<1264x8xf32>
    tpu.vector_store %arg3[%swap3A_28, %swap3A_29], %rsqrt3A {strides = array<i32>} : memref<1264x8xf32, #tpu.memory_space<vmem>>, vector<1264x8xf32>,
    return
  }
}

module attributes {stable_mosaic.version = 14 : i64} {
  func.func @_dense2_body(%arg0: memref<10112x128xf32, #tpu.memory_space<vmem>>, %arg1: memref<1264x8xf32, #tpu.memory_space<vmem>>, %arg2: memref<1x1x128xf32, #tpu.memory_space<vmem>>, %arg3: memref<128x128xf32, #tpu.memory_space<vmem>>, %arg4: memref<10112x128xf32, #tpu.memory_space<vmem>>) attributes {dimension_semantics = [], scalar_prefetch = 0 : i64, scratch_operands = 0 : i64, tpu.core_type = #tpu.core_type<tc>} {
    %get3A = arith.constant 0 : index
    %get3A_0 = arith.constant 0 : index
    %get3A_1 = vector.load %arg1[%get3A, %get3A_0] : memref<1264x8xf32, #tpu.memory_space<vmem>>, vector<1264x8xf32>
    %get3A_2 = arith.constant 0 : index
    %get3A_3 = arith.constant 0 : index
    %get3A_4 = vector.load %arg0[%get3A_2, %get3A_3] : memref<10112x128xf32, #tpu.memory_space<vmem>>, vector<10112x128xf32>
    %reshape3A = vector.shape_cast %get3A_4 : vector<10112x128xf32> to vector<1264x8x128xf32>
    %broadcast_in_dim3A = vector.shape_cast %get3A_1 : vector<1264x8xf32> to vector<1264x8x1xf32>
    %mul3A = vector.broadcast %broadcast_in_dim3A : vector<1264x8x1xf32> to vector<1264x8x128xf32>
    %mul3A_5 = arith.mulf %reshape3A, %mul3A : vector<1264x8x128xf32>
    %get3A_6 = arith.constant 0 : index
    %get3A_7 = arith.constant 0 : index
    %get3A_8 = arith.constant 0 : index
    %get3A_9 = vector.load %arg2[%get3A_6, %get3A_7, %get3A_8] : memref<1x1x128xf32, #tpu.memory_space<vmem>>, vector<1x1x128xf32>
    %add3A = vector.broadcast %get3A_9 : vector<1x1x128xf32> to vector<1264x8x128xf32>
    %add3A_10 = arith.addf %mul3A_5, %add3A : vector<1264x8x128xf32>
    %max3A = arith.constant 0.000000e+00 : f32
    %max3A_11 = vector.broadcast %max3A : f32 to vector<1264x8x128xf32>
    %max3A_12 = arith.maximumf %add3A_10, %max3A_11 : vector<1264x8x128xf32>
    %reshape3A_13 = vector.shape_cast %max3A_12 : vector<1264x8x128xf32> to vector<10112x128xf32>
    %get3A_14 = arith.constant 0 : index
    %get3A_15 = arith.constant 0 : index
    %get3A_16 = vector.load %arg3[%get3A_14, %get3A_15] : memref<128x128xf32, #tpu.memory_space<vmem>>, vector<128x128xf32>
    %dot_general3A = arith.constant dense<0.000000e+00> : vector<10112x128xf32>
    %dot_general3A_17 = tpu.matmul %reshape3A_13, %get3A_16, %dot_general3A {dimension_numbers = #tpu.dot_dimension_numbers<[1], [0], [0], [1], [0, 0, 1, 1], [], []>, transpose_lhs_hint = false} : vector<10112x128xf32>, vector<128x128xf32>, vector<10112x128xf32> -> vector<10112x128xf32>
    %reshape3A_18 = vector.shape_cast %dot_general3A_17 : vector<10112x128xf32> to vector<1264x8x128xf32>
    %broadcast_in_dim3A_19 = vector.shape_cast %get3A_1 : vector<1264x8xf32> to vector<1264x8x1xf32>
    %mul3A_20 = vector.broadcast %broadcast_in_dim3A_19 : vector<1264x8x1xf32> to vector<1264x8x128xf32>
    %mul3A_21 = arith.mulf %reshape3A_18, %mul3A_20 : vector<1264x8x128xf32>
    %reshape3A_22 = vector.shape_cast %mul3A_21 : vector<1264x8x128xf32> to vector<10112x128xf32>
    %swap3A = arith.constant 0 : index
    %swap3A_23 = arith.constant 0 : index
    %swap3A_24 = vector.load %arg4[%swap3A, %swap3A_23] : memref<10112x128xf32, #tpu.memory_space<vmem>>, vector<10112x128xf32>
    tpu.vector_store %arg4[%swap3A, %swap3A_23], %reshape3A_22 {strides = array<i32>} : memref<10112x128xf32, #tpu.memory_space<vmem>>, vector<10112x128xf32>,
    return
  }
}

module attributes {stable_mosaic.version = 14 : i64} {
  func.func @_pool_body(%arg0: memref<10112x128xf32, #tpu.memory_space<vmem>>, %arg1: memref<1264x8xf32, #tpu.memory_space<vmem>>, %arg2: memref<1x1x128xf32, #tpu.memory_space<vmem>>, %arg3: memref<1x10112xi32, #tpu.memory_space<vmem>>, %arg4: memref<256x128xf32, #tpu.memory_space<vmem>>) attributes {dimension_semantics = [], scalar_prefetch = 0 : i64, scratch_operands = 0 : i64, tpu.core_type = #tpu.core_type<tc>} {
    %get3A = arith.constant 0 : index
    %get3A_0 = arith.constant 0 : index
    %get3A_1 = vector.load %arg1[%get3A, %get3A_0] : memref<1264x8xf32, #tpu.memory_space<vmem>>, vector<1264x8xf32>
    %get3A_2 = arith.constant 0 : index
    %get3A_3 = arith.constant 0 : index
    %get3A_4 = vector.load %arg0[%get3A_2, %get3A_3] : memref<10112x128xf32, #tpu.memory_space<vmem>>, vector<10112x128xf32>
    %reshape3A = vector.shape_cast %get3A_4 : vector<10112x128xf32> to vector<1264x8x128xf32>
    %broadcast_in_dim3A = vector.shape_cast %get3A_1 : vector<1264x8xf32> to vector<1264x8x1xf32>
    %mul3A = vector.broadcast %broadcast_in_dim3A : vector<1264x8x1xf32> to vector<1264x8x128xf32>
    %mul3A_5 = arith.mulf %reshape3A, %mul3A : vector<1264x8x128xf32>
    %get3A_6 = arith.constant 0 : index
    %get3A_7 = arith.constant 0 : index
    %get3A_8 = arith.constant 0 : index
    %get3A_9 = vector.load %arg2[%get3A_6, %get3A_7, %get3A_8] : memref<1x1x128xf32, #tpu.memory_space<vmem>>, vector<1x1x128xf32>
    %add3A = vector.broadcast %get3A_9 : vector<1x1x128xf32> to vector<1264x8x128xf32>
    %add3A_10 = arith.addf %mul3A_5, %add3A : vector<1264x8x128xf32>
    %max3A = arith.constant 0.000000e+00 : f32
    %max3A_11 = vector.broadcast %max3A : f32 to vector<1264x8x128xf32>
    %max3A_12 = arith.maximumf %add3A_10, %max3A_11 : vector<1264x8x128xf32>
    %reshape3A_13 = vector.shape_cast %max3A_12 : vector<1264x8x128xf32> to vector<10112x128xf32>
    %iota3A = tpu.iota {dimensions = array<i32: 0>} : vector<256x10112xi32>
    %get3A_14 = arith.constant 0 : index
    %get3A_15 = arith.constant 0 : index
    %get3A_16 = vector.load %arg3[%get3A_14, %get3A_15] : memref<1x10112xi32, #tpu.memory_space<vmem>>, vector<1x10112xi32>
    %eq3A = vector.broadcast %get3A_16 : vector<1x10112xi32> to vector<256x10112xi32>
    %eq3A_17 = arith.cmpi eq, %iota3A, %eq3A : vector<256x10112xi32>
    %jit3A = arith.constant 1.000000e+00 : f32
    %jit3A_18 = arith.constant 0.000000e+00 : f32
    %broadcast_in_dim3A_19 = vector.broadcast %jit3A : f32 to vector<256x10112xf32>
    %broadcast_in_dim3A_20 = vector.broadcast %jit3A_18 : f32 to vector<256x10112xf32>
    %select_n3A = arith.select %eq3A_17, %broadcast_in_dim3A_19, %broadcast_in_dim3A_20 : vector<256x10112xi1>, vector<256x10112xf32>
    %dot_general3A = arith.constant dense<0.000000e+00> : vector<256x128xf32>
    %dot_general3A_21 = tpu.matmul %select_n3A, %reshape3A_13, %dot_general3A {dimension_numbers = #tpu.dot_dimension_numbers<[1], [0], [0], [1], [0, 0, 1, 1], [], []>, transpose_lhs_hint = false} : vector<256x10112xf32>, vector<10112x128xf32>, vector<256x128xf32> -> vector<256x128xf32>
    %swap3A = arith.constant 0 : index
    %swap3A_22 = arith.constant 0 : index
    %swap3A_23 = vector.load %arg4[%swap3A, %swap3A_22] : memref<256x128xf32, #tpu.memory_space<vmem>>, vector<256x128xf32>
    tpu.vector_store %arg4[%swap3A, %swap3A_22], %dot_general3A_21 {strides = array<i32>} : memref<256x128xf32, #tpu.memory_space<vmem>>, vector<256x128xf32>,
    return
  }
}

</mosaic_0001>

<sc_bundles>
// kernel: kernel.12.cloned.1.call-start
scs
__scs_entry_jumppad:
0x0: {  	(pc) =	sbr.rel $0x88, $3  }
0x1: {  	(tag) =	ssettag $0x0;
	lr =	simm.s32 $0x1  }
0x2: {  	[smem:$0x3F98] =	sst lr;
	_ =	strace $0xD0000000  }
0x3: {  	_ = 	snop  }
0x4: {  	_ = 	snop  }
0x5: {  	_ = 	snop  }
0x6: {  	_ = 	snop  }
0x7: {  	_ = 	snop  }
__scs_overlays_trampoline_lowered:
0x8: {  	[smem:$0x3FA7] =	sst s0  }
0x9: {  	[smem:$0x3FA8] =	sst s1  }
0xa: {  	[smem:$0x3FA9] =	sst s2  }
0xb: {  	[smem:$0x3FAA] =	sst s3  }
0xc: {  	[smem:$0x3FAB] =	sst s4  }
0xd: {  	[smem:$0x3FAC] =	sst s5  }
0xe: {  	[smem:$0x3FAD] =	sst s6  }
0xf: {  	[smem:$0x3FAE] =	sst s7  }
0x10: {  	[smem:$0x3FAF] =	sst s8  }
0x11: {  	[smem:$0x3FB0] =	sst s9;
	s0 =	simm.s32 @!p0 $0x0  }
0x12: {  	s1 =	sld [smem:$0x3F96];
	s0 =	simm.s32 @p0 $0x1  }
0x13: {  	[smem:$0x3FB1] =	sst s0;
	s0 =	simm.s32 @!p1 $0x0  }
0x14: {  	s2 =	sld [smem:$0x3F95];
	s0 =	simm.s32 @p1 $0x1  }
0x15: {  	[smem:$0x3FB2] =	sst s0;
	s0 =	simm.s32 @!p2 $0x0  }
0x16: {  	s3 =	sld [smem:$0x3FDB];
	s0 =	simm.s32 @p2 $0x1  }
0x17: {  	s4 =	simm.s32 $0x1BF5;
	[smem:$0x3FB4] =	sst s0  }
0x18: {  	s0 =	sld [smem:$0x3F97];
	_ =	swait.ge [sflag:s4], $0x0  }
0x19: {  	s7 =	sld [smem:$0x3F98]  }
0x1a: {  	s8 =	sadd.s32 $0xFFFFE003, lr  }
0x1b: {  	s9 =	sadd.s32 $0xFFFFFEF7, lr;
	s5 =	simm.s32 $0xFFFFFFFF;
	p2 =	slt.u32 s8, $0xFFFFF086  }
0x1c: {  	p1 =	slt.u32 s9, $0xF7A;
	s5 =	simm.s32 @!p2 $0x0  }
0x1d: {  	s5 =	simm.s32 @p1 $0x1;
	p0 =	seq.s32 s7, s2  }
0x1e: {  	s7 =	smul.u32 @!p0 $0xF7A, s2;
	p2 =	seq.s32 @!p0 s5, $0x0  }
0x1f: {  	s9 =	smul.u32 $0xF7A, s1;
	s8 =	simm.s32 @!p0 $0x1BF5;
	p2 =	por !p2, p0  }
0x20: {  	[sflag:s8] =	ssyncset.s32 @!p0 $0xFFFFF086;
	s6 =	sadd.s32 @!p0 s3, s7;
	s7 =	simm.s32 @!p0 $0x108  }
0x21: {  	s3 =	sadd.s32 s3, s9;
	s6 =	sadd.s32 @!p0 $0x88, s6;
	s7 =	simm.s32 @p2 $0x1082  }
0x22: {  	[simem:s7], [sflag:s8] =	dma.local @!p0 [hbm:s6], $0xF7A  }
0x23: {  	s9 =	sor.u32 $0xD0000000, s2;
	s6 =	simm.s32 $0x108;
	_ =	swait.ge @!p0 [sflag:s8], $0x0  }
0x24: {  	s3 =	sadd.s32 $0x88, s3;
	s6 =	simm.s32 @!p1 $0x1082;
	[sflag:s4] =	ssyncset.s32 $0xFFFFF086  }
0x25: {  	[simem:s6], [sflag:s4] =	dma.local [hbm:s3], $0xF7A  }
0x26: {  	[smem:$0x3F98] =	sst s1;
	(tag) =	ssettag s2;
	_ =	strace s9  }
0x27: {  	s1 =	sld [smem:$0x3FA8]  }
0x28: {  	s2 =	sld [smem:$0x3FA9]  }
0x29: {  	s4 =	sld [smem:$0x3FAB]  }
0x2a: {  	p0 =	seq.s32 s5, $0x0;
	s5 =	sld [smem:$0x3FAC]  }
0x2b: {  	s6 =	sld [smem:$0x3FAD]  }
0x2c: {  	s7 =	sld [smem:$0x3FAE]  }
0x2d: {  	s3 =	simm.s32 $0x108;
	s8 =	sld [smem:$0x3FAF]  }
0x2e: {  	s3 =	simm.s32 @!p0 $0x1082;
	s9 =	sld [smem:$0x3FB0]  }
0x2f: {  	lr =	sadd.s32 s0, s3;
	s0 =	sld [smem:$0x3FA7]  }
0x30: {  	s3 =	sld [smem:$0x3FAA]  }
0x31: {  	[smem:$0x3FB3] =	sst s10  }
0x32: {  	s10 =	sld [smem:$0x3FB1];
	_ =	sdelay $0x3  }
0x33: {  	p0 =	seq.s32 s10, $0x1;
	s10 =	sld [smem:$0x3FB3];
	_ =	sdelay $0x3  }
0x34: {  	[smem:$0x3FB3] =	sst s10  }
0x35: {  	s10 =	sld [smem:$0x3FB2];
	_ =	sdelay $0x3  }
0x36: {  	p1 =	seq.s32 s10, $0x1;
	s10 =	sld [smem:$0x3FB3];
	_ =	sdelay $0x3  }
0x37: {  	[smem:$0x3FB3] =	sst s10  }
0x38: {  	s10 =	sld [smem:$0x3FB4]  }
0x39: {  	_ = 	snop;
	(pc) =	sbr.ind lr, $3  }
0x3a: {  	_ = 	snop  }
0x3b: {  	_ = 	snop  }
0x3c: {  	p2 =	seq.s32 s10, $0x1;
	s10 =	sld [smem:$0x3FB3]  }
0x3d: {  	_ =	shalt  }
0x3e: {  	_ =	shalt  }
0x3f: {  	_ =	shalt  }
0x40: {  	_ =	shalt  }
0x41: {  	_ =	shalt  }
0x42: {  	_ =	shalt  }
0x43: {  	_ =	shalt  }
0x44: {  	_ =	shalt  }
0x45: {  	_ =	shalt  }
0x46: {  	_ =	shalt  }
0x47: {  	_ =	shalt  }
0x48: {  	_ =	shalt  }
0x49: {  	_ =	shalt  }
0x4a: {  	_ =	shalt  }
0x4b: {  	_ =	shalt  }
0x4c: {  	_ =	shalt  }
0x4d: {  	_ =	shalt  }
0x4e: {  	_ =	shalt  }
0x4f: {  	_ =	shalt  }
0x50: {  	_ =	shalt  }
0x51: {  	_ =	shalt  }
0x52: {  	_ =	shalt  }
0x53: {  	_ =	shalt  }
0x54: {  	_ =	shalt  }
0x55: {  	_ =	shalt  }
0x56: {  	_ =	shalt  }
0x57: {  	_ =	shalt  }
0x58: {  	_ =	shalt  }
0x59: {  	_ =	shalt  }
0x5a: {  	_ =	shalt  }
0x5b: {  	_ =	shalt  }
0x5c: {  	_ =	shalt  }
0x5d: {  	_ =	shalt  }
0x5e: {  	_ =	shalt  }
0x5f: {  	_ =	shalt  }
0x60: {  	_ =	shalt  }
0x61: {  	_ =	shalt  }
0x62: {  	_ =	shalt  }
0x63: {  	_ =	shalt  }
0x64: {  	_ =	shalt  }
0x65: {  	_ =	shalt  }
0x66: {  	_ =	shalt  }
0x67: {  	_ =	shalt  }
0x68: {  	_ =	shalt  }
0x69: {  	_ =	shalt  }
0x6a: {  	_ =	shalt  }
0x6b: {  	_ =	shalt  }
0x6c: {  	_ =	shalt  }
0x6d: {  	_ =	shalt  }
0x6e: {  	_ =	shalt  }
0x6f: {  	_ =	shalt  }
0x70: {  	_ =	shalt  }
0x71: {  	_ =	shalt  }
0x72: {  	_ =	shalt  }
0x73: {  	_ =	shalt  }
0x74: {  	_ =	shalt  }
0x75: {  	_ =	shalt  }
0x76: {  	_ =	shalt  }
0x77: {  	_ =	shalt  }
0x78: {  	_ =	shalt  }
0x79: {  	_ =	shalt  }
0x7a: {  	_ =	shalt  }
0x7b: {  	_ =	shalt  }
0x7c: {  	_ =	shalt  }
0x7d: {  	_ =	shalt  }
0x7e: {  	_ =	shalt  }
0x7f: {  	_ =	shalt  }
0x80: {  	_ =	shalt  }
0x81: {  	_ =	shalt  }
0x82: {  	_ =	shalt  }
0x83: {  	_ =	shalt  }
0x84: {  	_ =	shalt  }
0x85: {  	_ =	shalt  }
0x86: {  	_ =	shalt  }
0x87: {  	_ =	shalt  }
.Lfunc_end0:
.L_simem_size_0:
called_computation_lowered:
.L_overlay_start_0:
0x88: {  	s2 =	sld [smem:$0x3FD9]  }
0x89: {  	s3 =	sld [smem:$0x3FFE];
	_ =	sdelay $0x1  }
0x8a: {  	s1 =	srdreg.scid  }
0x8b: {  	s0 =	sand.u32 $0x1, s1  }
0x8c: {  	s17 =	sshll.u32 s0, $0xA;
	s2 =	sadd.s32 s3, s2  }
0x8d: {  	s2 =	sadd.s32 s2, s17  }
0x8e: {  	[smem:$0x3FBF] =	sst s2  }
0x8f: {  	_ = 	snop  }
0x90: {  	s2 =	sld [smem:$0x3FD0];
	(tm) =	ssettm $0x1  }
0x91: {  	s18 =	sld [smem:$0x3FFB];
	_ =	sdelay $0x3  }
0x92: {  	_ =	strace s18  }
0x93: {  	s3 =	sld [smem:$0x3FFC];
	_ =	sdelay $0x3  }
0x94: {  	_ =	strace s3  }
0x95: {  	s3 =	sld [smem:$0x3FFD];
	_ =	sdelay $0x3  }
0x96: {  	_ =	strace s3  }
0x97: {  	_ =	strace $0x8FFFFFFF  }
0x98: {  	s19 =	sld [smem:$0x3FDB];
	_ =	sdelay $0x1  }
0x99: {  	s4 =	simm.s32 $_scs_section_size  }
0x9a: {  	s5 =	simm.s32 $_size__tile_overlayer_lowered;
	s6 =	simm.s32 $_tile_overlayer_lowered  }
0x9b: {  	s22 =	simm.s32 $0x1BFF;
	s21 =	sshll.u32 s6, $0x1;
	s3 =	sadd.s32 s4, s19  }
0x9c: {  	s7 =	simm.s32 $0x0;
	s20 =	sshll.u32 s5, $0x1;
	s5 =	sadd.s32 s21, s3  }
0x9d: {  	[timem:s7], [sflag:s22] =	dma.local [hbm:s5], s20  }
0x9e: {  	_ =	swait.ge [sflag:s22], s20  }
0x9f: {  	s4 =	ssub.s32 $0x0, s20;
	[sflag:s22] =	ssyncset.done $0x0  }
0xa0: {  	[sflag:s22] =	ssyncadd.s32 s4;
	_ =	sdelay $0x1  }
0xa1: {  	s23 =	simm.s32 $0x1B8B  }
0xa2: {  	_ =	swait.ge [sflag:s23], $0x1  }
0xa3: {  	[sflag:s23] =	ssyncset.done $0x0  }
0xa4: {  	s25 =	simm.s32 $0x1B8E;
	s24 =	sld [smem:$0x3FFE];
	[sflag:s23] =	ssyncadd.s32 $0xFFFFFFFF  }
0xa5: {  	s26 =	simm.s32 $execute0_lowered;
	[smem:$0x3FD2] =	sst s25  }
0xa6: {  	s5 =	sshll.u32 s26, $0x1;
	_ =	strace $0x80000046;
	[dreg:$0x1] =	wrdreg $0xFFFFFFFF  }
0xa7: {  	s28 =	simm.s32 $_size_execute0_lowered;
	s3 =	sadd.s32 s3, s5;
	[dreg:$0x0] =	wrdreg $0x0  }
0xa8: {  	s5 =	sshll.u32 s28, $0x1;
	[dreg:$0x2] =	wrdreg s3  }
0xa9: {  	[dreg:$0x3] =	wrdreg s5  }
0xaa: {  	[dreg:$0x4] =	wrdreg $0xC0  }
0xab: {  	_ =	task [dreg:s7], $0x5FFFF  }
0xac: {  	[dreg:$0x1] =	wrdreg $0xFFFFFFFF  }
0xad: {  	[dreg:$0x0] =	wrdreg $0x60  }
0xae: {  	[dreg:$0x2] =	wrdreg s24  }
0xaf: {  	[dreg:$0x3] =	wrdreg s2  }
0xb0: {  	[dreg:$0x4] =	wrdreg $0x31000  }
0xb1: {  	[dreg:$0x5] =	wrdreg $0x9  }
0xb2: {  	_ =	task.clear_ibuf [dreg:s7], $0x6FFFF;
	_ =	strace $0x90000046  }
0xb3: {  	s29 =	simm.s32 $0x9;
	_ =	strace $0x80000048  }
0xb4: {  	_ =	swait.ge [sflag:s29], $0x1  }
0xb5: {  	[sflag:s29] =	ssyncadd.s32 $0xFFFFFFFF  }
0xb6: {  	_ =	strace $0x90000048  }
0xb7: {  	_ =	sfence  }
0xb8: {  	s30 =	sld [smem:$0x0];
	_ =	sdelay $0x2  }
0xb9: {  	s31 =	sshll.u32 s1, $0xD;
	s1 =	sshrl.u32 s1, $0x2  }
0xba: {  	s3 =	sand.u32 $0x4000, s31;
	s1 =	sadd.s32 s1, s30  }
0xbb: {  	s0 =	sor.u32 s3, s0;
	s1 =	sshll.u32 s1, $0x11  }
0xbc: {  	s0 =	sor.u32 s1, s0  }
0xbd: {  	s0 =	sadd.s32 $0x8F2B, s0  }
0xbe: {  	[sflag:s0] =	ssyncadd.remote.s32 $0x1  }
0xbf: {  	_ =	sfence.sel $0xFFFF  }
0xc0: {  	[dreg:$0x0] =	wrdreg $0xFFFFFFFF;
	(pc) =	sbr.abs _section_cstart, $3  }
0xc1: {  	[dreg:$0x1] =	wrdreg $0xFFFFFFFF  }
0xc2: {  	_ =	task.clear_ibuf [dreg:s7], $0x2FFFF;
	_ =	strace $0x9FFFFFFF  }
0xc3: {  	(tm) =	ssettm $0x7FFFFFFF  }
tec
execute0_lowered:
.L_overlay_start_1:
0x0: {  	(tag) =	ssettag $0x1  }
0x1: {  	s6 =	rddreg [dreg:$0x0]  }
0x2: {  	s0 =	srdreg.scid;
	s2 =	rddreg [dreg:$0x1]  }
0x3: {  	s3 =	rddreg [dreg:$0x2];
	s4 =	simm.s32 $0x0;
	s13 =	simm.s32 $0x80  }
0x4: {  	s14 =	simm.s32 $0x0;
	s5 =	sand.u32 $0x1, s0;
	s0 =	stileid.u32  }
0x5: {  	[smem:$0x7FF] =	sst s4;
	s1 =	sshll.u32 s5, $0x4;
	s8 =	smul.u32 $0x2780, s0  }
0x6: {  	s9 =	smul.u32 $0x27800, s5;
	s5 =	ssub.s32 $0x2, s5;
	s1 =	sor.u32 s0, s1  }
0x7: {  	s31 =	sshll.u32 s0, $0x6;
	s11 =	sshrl.u32 s5, $0x1;
	s7 =	smul.u32 $0x520, s1  }
0x8: {  	s1 =	rddreg [dreg:$0x3];
	_ =	strace $0x80000047;
	s9 =	sadd.s32 s8, s9  }
0x9: {  	s10 =	sshrl.u32 s8, $0x3;
	s11 =	ssub.s32 s5, s11;
	s12 =	sadd.s32 s8, s3  }
0xa: {  	s9 =	sshrl.u32 s9, $0x3;
	s10 =	sadd.s32 s10, s6;
	s8 =	smax.u32 s11, $0x1  }
0xb: {  	s11 =	sor.u32 $0x1C01, s31;
	s12 =	sshrl.u32 s12, $0x3;
	s7 =	sadd.s32 s7, s6  }
0xc: {  	s9 =	sadd.s32 s9, s6;
	s6 =	sadd.s32 $0x21E00, s10;
	s10 =	simm.s32 $0x2900  }
0xd: {  	s5 =	sadd.s32 $0x3200, s7;
	s7 =	sadd.s32 $0x26E00, s9;
	s9 =	simm.s32 $0x1  }
.LBB2_1:
0xe: {  	[tilespmem:s4], [sflag:$0x1] =	stream.linear.gather [hbm4b:s5+s4], $0x2900, $0x38;
	[tilespmem:$0x5880] =	vst v63  }
0xf: {  	_ =	swait.ge [sflag:s9], $0x2900  }
0x10: {  	[sflag:s9] =	ssyncset.done $0x0  }
0x11: {  	[sflag:s9] =	ssyncadd.s32 $0xFFFFD700  }
0x12: {  	[tilespmem:s10], [sflag:$0x1] =	stream.linear.gather [hbm4b:s2+s4], $0x800, $0x38;
	[tilespmem:$0x5880] =	vst v63  }
0x13: {  	_ =	swait.ge [sflag:s9], $0x800  }
0x14: {  	[sflag:s9] =	ssyncset.done $0x0  }
0x15: {  	[sflag:s9] =	ssyncadd.s32 $0xFFFFF800  }
0x16: {  	[spmem:s12], [sflag:s11] =	dma.local [hbm:s6], $0x4F0  }
0x17: {  	_ =	swait.ge [sflag:s9], $0x4F0  }
0x18: {  	[sflag:s9] =	ssyncset.done $0x0  }
0x19: {  	[sflag:s9] =	ssyncadd.s32 $0xFFFFFB10  }
0x1a: {  	s15 =	simm.s32 $0x0;
	[bflag:$0x0] =	sbarrier.arrive $0xFFFF  }
0x1b: {  	[spmem:s3] =	stream.indirect.scatter.add.f32 [tilespmem:s10], [sflag:$0x1], $0x10, s15, s13, $0xb8;
	[tilespmem:$0x5880] =	vst v63  }
0x1c: {  	_ =	swait.ge [sflag:s9], $0x800  }
0x1d: {  	s15 =	simm.s32 $0x200;
	[sflag:s9] =	ssyncset.done $0x0  }
.LBB2_2:
0x1e: {  	s16 =	sshra.s32 s15, $0x2;
	[sflag:s9] =	ssyncadd.s32 $0xFFFFF800;
	p0 =	sne.s32 s15, $0xA200  }
0x1f: {  	[spmem:s3] =	stream.indirect.scatter.add.f32 [tilespmem:s10], [sflag:$0x1], $0x10, s16, s13, $0xb8;
	[tilespmem:$0x5880] =	vst v63  }
.Ltmp0:
0x20: {  	_ = 	snop;
	(pc) =	sbr.rel @p0 .LBB2_2-.Ltmp0, $4  }
0x21: {  	_ = 	snop  }
0x22: {  	s15 =	sadd.s32 $0x200, s15  }
0x23: {  	_ =	swait.ge [sflag:s9], $0x800  }
0x24: {  	[sflag:s9] =	ssyncset.done $0x0  }
0x25: {  	s14 =	sadd.s32 $0x1, s14  }
0x26: {  	[sflag:s9] =	ssyncadd.s32 $0xFFFFF800;
	p0 =	sne.s32 s14, s8  }
.Ltmp1:
0x27: {  	[bflag:$0x0] =	sbarrier.arrive $0xFFFF;
	(pc) =	sbr.rel @p0 .LBB2_1-.Ltmp1, $4  }
0x28: {  	[hbm:s7], [sflag:s11] =	dma.local [spmem:s12], $0x4F0  }
0x29: {  	_ =	swait.ge [sflag:s9], $0x4F0  }
0x2a: {  	[sflag:s9] =	ssyncset.done $0x0  }
0x2b: {  	[sflag:s9] =	ssyncadd.s32 $0xFFFFFB10  }
0x2c: {  	_ =	sfence.sel $0x180000  }
0x2d: {  	[bflag:$0x0] =	sbarrier.arrive $0xFFFF  }
0x2e: {  	p0 =	sne.s32 s0, $0x0;
	_ =	strace $0x90000047  }
0x2f: {  	s0 =	sadd.s32 @!p0 $0x100000, s1;
	[bflag:$0x2] =	sbarrier.arrive $0xFFFF  }
0x30: {  	[sflag:s0] =	ssyncadd.tile.s32 @!p0 $0x1;
	_ =	shalt  }
.Lfunc_end2:
_tile_overlayer_lowered:
.L_overlay_start_2:
0x31: {  	(tag) =	ssettag $0x2  }
0x32: {  	s0 =	rddreg [dreg:$0x0];
	s2 =	stileid.u32  }
0x33: {  	s1 =	rddreg [dreg:$0x1];
	p0 =	sne.s32 s2, $0x0  }
0x34: {  	s3 =	rddreg [dreg:$0x2];
	[bflag:$0x3] =	sbarrier.arrive $0xFFFF;
	s2 =	simm.s32 @!p0 $0x1C01  }
0x35: {  	[timem:s3], [sflag:s2] =	dma.local @!p0 [hbm:s0], s1  }
0x36: {  	s0 =	simm.s32 @!p0 $0x1  }
0x37: {  	_ =	swait.ge @!p0 [sflag:s0], s1  }
0x38: {  	s1 =	ssub.s32 @!p0 $0x0, s1;
	[sflag:s0] =	ssyncset.done @!p0 $0x0  }
0x39: {  	[sflag:s0] =	ssyncadd.s32 @!p0 s1  }
0x3a: {  	[bflag:$0x3] =	sbarrier.arrive $0xFFFF  }
0x3b: {  	_ =	shalt  }

// kernel: kernel.15.cloned.1.call-start
scs
__scs_entry_jumppad:
0x0: {  	(pc) =	sbr.rel $0x88, $3  }
0x1: {  	(tag) =	ssettag $0x0;
	lr =	simm.s32 $0x1  }
0x2: {  	[smem:$0x3F98] =	sst lr;
	_ =	strace $0xD0000000  }
0x3: {  	_ = 	snop  }
0x4: {  	_ = 	snop  }
0x5: {  	_ = 	snop  }
0x6: {  	_ = 	snop  }
0x7: {  	_ = 	snop  }
__scs_overlays_trampoline_lowered:
0x8: {  	[smem:$0x3FA7] =	sst s0  }
0x9: {  	[smem:$0x3FA8] =	sst s1  }
0xa: {  	[smem:$0x3FA9] =	sst s2  }
0xb: {  	[smem:$0x3FAA] =	sst s3  }
0xc: {  	[smem:$0x3FAB] =	sst s4  }
0xd: {  	[smem:$0x3FAC] =	sst s5  }
0xe: {  	[smem:$0x3FAD] =	sst s6  }
0xf: {  	[smem:$0x3FAE] =	sst s7  }
0x10: {  	[smem:$0x3FAF] =	sst s8  }
0x11: {  	[smem:$0x3FB0] =	sst s9;
	s0 =	simm.s32 @!p0 $0x0  }
0x12: {  	s1 =	sld [smem:$0x3F96];
	s0 =	simm.s32 @p0 $0x1  }
0x13: {  	[smem:$0x3FB1] =	sst s0;
	s0 =	simm.s32 @!p1 $0x0  }
0x14: {  	s2 =	sld [smem:$0x3F95];
	s0 =	simm.s32 @p1 $0x1  }
0x15: {  	[smem:$0x3FB2] =	sst s0;
	s0 =	simm.s32 @!p2 $0x0  }
0x16: {  	s3 =	sld [smem:$0x3FDB];
	s0 =	simm.s32 @p2 $0x1  }
0x17: {  	s4 =	simm.s32 $0x1BF5;
	[smem:$0x3FB4] =	sst s0  }
0x18: {  	s0 =	sld [smem:$0x3F97];
	_ =	swait.ge [sflag:s4], $0x0  }
0x19: {  	s7 =	sld [smem:$0x3F98]  }
0x1a: {  	s8 =	sadd.s32 $0xFFFFE003, lr  }
0x1b: {  	s9 =	sadd.s32 $0xFFFFFEF7, lr;
	s5 =	simm.s32 $0xFFFFFFFF;
	p2 =	slt.u32 s8, $0xFFFFF086  }
0x1c: {  	p1 =	slt.u32 s9, $0xF7A;
	s5 =	simm.s32 @!p2 $0x0  }
0x1d: {  	s5 =	simm.s32 @p1 $0x1;
	p0 =	seq.s32 s7, s2  }
0x1e: {  	s7 =	smul.u32 @!p0 $0xF7A, s2;
	p2 =	seq.s32 @!p0 s5, $0x0  }
0x1f: {  	s9 =	smul.u32 $0xF7A, s1;
	s8 =	simm.s32 @!p0 $0x1BF5;
	p2 =	por !p2, p0  }
0x20: {  	[sflag:s8] =	ssyncset.s32 @!p0 $0xFFFFF086;
	s6 =	sadd.s32 @!p0 s3, s7;
	s7 =	simm.s32 @!p0 $0x108  }
0x21: {  	s3 =	sadd.s32 s3, s9;
	s6 =	sadd.s32 @!p0 $0x88, s6;
	s7 =	simm.s32 @p2 $0x1082  }
0x22: {  	[simem:s7], [sflag:s8] =	dma.local @!p0 [hbm:s6], $0xF7A  }
0x23: {  	s9 =	sor.u32 $0xD0000000, s2;
	s6 =	simm.s32 $0x108;
	_ =	swait.ge @!p0 [sflag:s8], $0x0  }
0x24: {  	s3 =	sadd.s32 $0x88, s3;
	s6 =	simm.s32 @!p1 $0x1082;
	[sflag:s4] =	ssyncset.s32 $0xFFFFF086  }
0x25: {  	[simem:s6], [sflag:s4] =	dma.local [hbm:s3], $0xF7A  }
0x26: {  	[smem:$0x3F98] =	sst s1;
	(tag) =	ssettag s2;
	_ =	strace s9  }
0x27: {  	s1 =	sld [smem:$0x3FA8]  }
0x28: {  	s2 =	sld [smem:$0x3FA9]  }
0x29: {  	s4 =	sld [smem:$0x3FAB]  }
0x2a: {  	p0 =	seq.s32 s5, $0x0;
	s5 =	sld [smem:$0x3FAC]  }
0x2b: {  	s6 =	sld [smem:$0x3FAD]  }
0x2c: {  	s7 =	sld [smem:$0x3FAE]  }
0x2d: {  	s3 =	simm.s32 $0x108;
	s8 =	sld [smem:$0x3FAF]  }
0x2e: {  	s3 =	simm.s32 @!p0 $0x1082;
	s9 =	sld [smem:$0x3FB0]  }
0x2f: {  	lr =	sadd.s32 s0, s3;
	s0 =	sld [smem:$0x3FA7]  }
0x30: {  	s3 =	sld [smem:$0x3FAA]  }
0x31: {  	[smem:$0x3FB3] =	sst s10  }
0x32: {  	s10 =	sld [smem:$0x3FB1];
	_ =	sdelay $0x3  }
0x33: {  	p0 =	seq.s32 s10, $0x1;
	s10 =	sld [smem:$0x3FB3];
	_ =	sdelay $0x3  }
0x34: {  	[smem:$0x3FB3] =	sst s10  }
0x35: {  	s10 =	sld [smem:$0x3FB2];
	_ =	sdelay $0x3  }
0x36: {  	p1 =	seq.s32 s10, $0x1;
	s10 =	sld [smem:$0x3FB3];
	_ =	sdelay $0x3  }
0x37: {  	[smem:$0x3FB3] =	sst s10  }
0x38: {  	s10 =	sld [smem:$0x3FB4]  }
0x39: {  	_ = 	snop;
	(pc) =	sbr.ind lr, $3  }
0x3a: {  	_ = 	snop  }
0x3b: {  	_ = 	snop  }
0x3c: {  	p2 =	seq.s32 s10, $0x1;
	s10 =	sld [smem:$0x3FB3]  }
0x3d: {  	_ =	shalt  }
0x3e: {  	_ =	shalt  }
0x3f: {  	_ =	shalt  }
0x40: {  	_ =	shalt  }
0x41: {  	_ =	shalt  }
0x42: {  	_ =	shalt  }
0x43: {  	_ =	shalt  }
0x44: {  	_ =	shalt  }
0x45: {  	_ =	shalt  }
0x46: {  	_ =	shalt  }
0x47: {  	_ =	shalt  }
0x48: {  	_ =	shalt  }
0x49: {  	_ =	shalt  }
0x4a: {  	_ =	shalt  }
0x4b: {  	_ =	shalt  }
0x4c: {  	_ =	shalt  }
0x4d: {  	_ =	shalt  }
0x4e: {  	_ =	shalt  }
0x4f: {  	_ =	shalt  }
0x50: {  	_ =	shalt  }
0x51: {  	_ =	shalt  }
0x52: {  	_ =	shalt  }
0x53: {  	_ =	shalt  }
0x54: {  	_ =	shalt  }
0x55: {  	_ =	shalt  }
0x56: {  	_ =	shalt  }
0x57: {  	_ =	shalt  }
0x58: {  	_ =	shalt  }
0x59: {  	_ =	shalt  }
0x5a: {  	_ =	shalt  }
0x5b: {  	_ =	shalt  }
0x5c: {  	_ =	shalt  }
0x5d: {  	_ =	shalt  }
0x5e: {  	_ =	shalt  }
0x5f: {  	_ =	shalt  }
0x60: {  	_ =	shalt  }
0x61: {  	_ =	shalt  }
0x62: {  	_ =	shalt  }
0x63: {  	_ =	shalt  }
0x64: {  	_ =	shalt  }
0x65: {  	_ =	shalt  }
0x66: {  	_ =	shalt  }
0x67: {  	_ =	shalt  }
0x68: {  	_ =	shalt  }
0x69: {  	_ =	shalt  }
0x6a: {  	_ =	shalt  }
0x6b: {  	_ =	shalt  }
0x6c: {  	_ =	shalt  }
0x6d: {  	_ =	shalt  }
0x6e: {  	_ =	shalt  }
0x6f: {  	_ =	shalt  }
0x70: {  	_ =	shalt  }
0x71: {  	_ =	shalt  }
0x72: {  	_ =	shalt  }
0x73: {  	_ =	shalt  }
0x74: {  	_ =	shalt  }
0x75: {  	_ =	shalt  }
0x76: {  	_ =	shalt  }
0x77: {  	_ =	shalt  }
0x78: {  	_ =	shalt  }
0x79: {  	_ =	shalt  }
0x7a: {  	_ =	shalt  }
0x7b: {  	_ =	shalt  }
0x7c: {  	_ =	shalt  }
0x7d: {  	_ =	shalt  }
0x7e: {  	_ =	shalt  }
0x7f: {  	_ =	shalt  }
0x80: {  	_ =	shalt  }
0x81: {  	_ =	shalt  }
0x82: {  	_ =	shalt  }
0x83: {  	_ =	shalt  }
0x84: {  	_ =	shalt  }
0x85: {  	_ =	shalt  }
0x86: {  	_ =	shalt  }
0x87: {  	_ =	shalt  }
.Lfunc_end0:
.L_simem_size_0:
called_computation.1_lowered:
.L_overlay_start_0:
0x88: {  	s2 =	sld [smem:$0x3FD9]  }
0x89: {  	s3 =	sld [smem:$0x3FFE];
	_ =	sdelay $0x1  }
0x8a: {  	s1 =	srdreg.scid  }
0x8b: {  	s0 =	sand.u32 $0x1, s1  }
0x8c: {  	s16 =	sshll.u32 s0, $0xA;
	s2 =	sadd.s32 s3, s2  }
0x8d: {  	s2 =	sadd.s32 s2, s16  }
0x8e: {  	[smem:$0x3FBF] =	sst s2  }
0x8f: {  	_ = 	snop  }
0x90: {  	(tm) =	ssettm $0x1  }
0x91: {  	s17 =	sld [smem:$0x3FFB];
	_ =	sdelay $0x3  }
0x92: {  	_ =	strace s17  }
0x93: {  	s2 =	sld [smem:$0x3FFC];
	_ =	sdelay $0x3  }
0x94: {  	_ =	strace s2  }
0x95: {  	s2 =	sld [smem:$0x3FFD];
	_ =	sdelay $0x3  }
0x96: {  	_ =	strace s2  }
0x97: {  	_ =	strace $0x8FFFFFFF  }
0x98: {  	s18 =	sld [smem:$0x3FDB];
	_ =	sdelay $0x1  }
0x99: {  	s19 =	simm.s32 $_scs_section_size  }
0x9a: {  	s4 =	simm.s32 $_size__tile_overlayer_lowered;
	s5 =	simm.s32 $_tile_overlayer_lowered  }
0x9b: {  	s22 =	simm.s32 $0x1BFF;
	s21 =	sshll.u32 s5, $0x1;
	s2 =	sadd.s32 s19, s18  }
0x9c: {  	s6 =	simm.s32 $0x0;
	s20 =	sshll.u32 s4, $0x1;
	s4 =	sadd.s32 s21, s2  }
0x9d: {  	[timem:s6], [sflag:s22] =	dma.local [hbm:s4], s20  }
0x9e: {  	_ =	swait.ge [sflag:s22], s20  }
0x9f: {  	s3 =	ssub.s32 $0x0, s20;
	[sflag:s22] =	ssyncset.done $0x0  }
0xa0: {  	[sflag:s22] =	ssyncadd.s32 s3;
	_ =	sdelay $0x1  }
0xa1: {  	s23 =	simm.s32 $0x1B8B  }
0xa2: {  	_ =	swait.ge [sflag:s23], $0x1  }
0xa3: {  	[sflag:s23] =	ssyncset.done $0x0  }
0xa4: {  	s25 =	simm.s32 $0x1B8E;
	s24 =	sld [smem:$0x3FFE];
	[sflag:s23] =	ssyncadd.s32 $0xFFFFFFFF  }
0xa5: {  	s26 =	simm.s32 $execute0_lowered;
	[smem:$0x3FD2] =	sst s25  }
0xa6: {  	s4 =	sshll.u32 s26, $0x1;
	_ =	strace $0x80000049;
	[dreg:$0x1] =	wrdreg $0xFFFFFFFF  }
0xa7: {  	s28 =	simm.s32 $_size_execute0_lowered;
	s2 =	sadd.s32 s2, s4;
	[dreg:$0x0] =	wrdreg $0x0  }
0xa8: {  	s4 =	sshll.u32 s28, $0x1;
	[dreg:$0x2] =	wrdreg s2  }
0xa9: {  	[dreg:$0x3] =	wrdreg s4  }
0xaa: {  	[dreg:$0x4] =	wrdreg $0xC0  }
0xab: {  	_ =	task [dreg:s6], $0x5FFFF  }
0xac: {  	[dreg:$0x1] =	wrdreg $0xFFFFFFFF  }
0xad: {  	[dreg:$0x0] =	wrdreg $0x60  }
0xae: {  	[dreg:$0x2] =	wrdreg s24  }
0xaf: {  	[dreg:$0x3] =	wrdreg $0x124000  }
0xb0: {  	[dreg:$0x4] =	wrdreg $0x9  }
0xb1: {  	_ =	task.clear_ibuf [dreg:s6], $0x5FFFF;
	_ =	strace $0x90000049  }
0xb2: {  	s29 =	simm.s32 $0x9;
	_ =	strace $0x8000004B  }
0xb3: {  	_ =	swait.ge [sflag:s29], $0x1  }
0xb4: {  	[sflag:s29] =	ssyncadd.s32 $0xFFFFFFFF  }
0xb5: {  	_ =	strace $0x9000004B  }
0xb6: {  	_ =	sfence  }
0xb7: {  	s30 =	sld [smem:$0x0];
	_ =	sdelay $0x2  }
0xb8: {  	s31 =	sshll.u32 s1, $0xD;
	s1 =	sshrl.u32 s1, $0x2  }
0xb9: {  	s3 =	sand.u32 $0x4000, s31;
	s1 =	sadd.s32 s1, s30  }
0xba: {  	s0 =	sor.u32 s3, s0;
	s1 =	sshll.u32 s1, $0x11  }
0xbb: {  	s0 =	sor.u32 s1, s0  }
0xbc: {  	s0 =	sadd.s32 $0x8F2B, s0  }
0xbd: {  	[sflag:s0] =	ssyncadd.remote.s32 $0x1  }
0xbe: {  	_ =	sfence.sel $0xFFFF  }
0xbf: {  	[dreg:$0x0] =	wrdreg $0xFFFFFFFF;
	(pc) =	sbr.abs _section_cstart, $3  }
0xc0: {  	[dreg:$0x1] =	wrdreg $0xFFFFFFFF  }
0xc1: {  	_ =	task.clear_ibuf [dreg:s6], $0x2FFFF;
	_ =	strace $0x9FFFFFFF  }
0xc2: {  	(tm) =	ssettm $0x7FFFFFFF  }
0xc3: {  	_ =	shalt  }
tec
execute0_lowered:
.L_overlay_start_1:
0x0: {  	(tag) =	ssettag $0x1  }
0x1: {  	s0 =	srdreg.scid  }
0x2: {  	s11 =	stileid.u32;
	s1 =	rddreg [dreg:$0x0]  }
0x3: {  	s2 =	rddreg [dreg:$0x1];
	s3 =	simm.s32 $0x0;
	s14 =	simm.s32 $0x80  }
0x4: {  	s15 =	simm.s32 $0xA400;
	s16 =	simm.s32 $0xC400;
	s17 =	simm.s32 $0x1  }
0x5: {  	s19 =	simm.s32 $0xE400;
	s20 =	simm.s32 $0x2;
	s23 =	simm.s32 $0x10400  }
0x6: {  	s24 =	simm.s32 $0x3;
	s28 =	simm.s32 $0x6;
	s29 =	simm.s32 $0x7  }
0x7: {  	s30 =	simm.s32 $0x8;
	s18 =	simm.s32 $0x0;
	s4 =	smul.u32 $0x5200, s11  }
0x8: {  	s0 =	sand.u32 $0x1, s0;
	[smem:$0x7FF] =	sst s3;
	s7 =	smul.u32 $0x9E00, s11  }
0x9: {  	s6 =	smul.u32 $0x13C00, s11;
	s31 =	sshll.u32 s11, $0x6;
	s11 =	simm.s32 $0x5200  }
0xa: {  	s5 =	smul.u32 $0x52000, s0;
	_ =	strace $0x8000004A;
	s9 =	sshll.u32 s0, $0x6  }
0xb: {  	s0 =	ssub.s32 $0x2, s0;
	s12 =	sor.u32 $0x1C09, s31;
	s10 =	sshrl.u32 s7, $0x3  }
0xc: {  	s6 =	sor.u32 s9, s6;
	s26 =	sshrl.u32 s0, $0x1;
	s13 =	sadd.s32 s7, s2  }
0xd: {  	s5 =	sadd.s32 s4, s5;
	s4 =	sshrl.u32 s4, $0x3;
	s25 =	sadd.s32 s10, s1  }
0xe: {  	s6 =	sshrl.u32 s6, $0x3;
	s0 =	ssub.s32 s0, s26;
	s10 =	simm.s32 $0x9  }
0xf: {  	s13 =	sshrl.u32 s13, $0x3;
	s26 =	simm.s32 $0x4;
	s5 =	sshrl.u32 s5, $0x3  }
0x10: {  	s8 =	sadd.s32 s4, s1;
	s4 =	sadd.s32 $0x21E00, s1;
	s7 =	sadd.s32 $0x49600, s25  }
0x11: {  	s9 =	smax.u32 s0, $0x1;
	s25 =	simm.s32 $0x5;
	s0 =	simm.s32 $0x10  }
0x12: {  	s5 =	sadd.s32 s5, s1;
	s1 =	sadd.s32 s6, s1;
	s6 =	sadd.s32 $0x3200, s8  }
0x13: {  	s5 =	sadd.s32 $0xD600, s5;
	s8 =	sadd.s32 $0x5D200, s1;
	s1 =	simm.s32 $0xA380  }
.LBB2_1:
0x14: {  	[tilespmem:s3], [sflag:$0x9] =	stream.linear.gather [hbm4b:s5+s3], $0x5200, $0x38;
	[tilespmem:$0x1C200] =	vst v63  }
0x15: {  	_ =	swait.ge [sflag:s10], $0x5200  }
0x16: {  	[sflag:s10] =	ssyncset.done $0x0  }
0x17: {  	[sflag:s10] =	ssyncadd.s32 $0xFFFFAE00  }
0x18: {  	[tilespmem:s11], [sflag:$0x9] =	stream.linear.gather [hbm4b:s6+s3], $0x5200, $0x38;
	[tilespmem:$0x1C200] =	vst v63  }
0x19: {  	_ =	swait.ge [sflag:s10], $0x5200  }
0x1a: {  	[sflag:s10] =	ssyncset.done $0x0  }
0x1b: {  	[sflag:s10] =	ssyncadd.s32 $0xFFFFAE00  }
0x1c: {  	[spmem:s13], [sflag:s12] =	dma.local [hbm:s7], $0x13C0  }
0x1d: {  	_ =	swait.ge [sflag:s10], $0x13C0  }
0x1e: {  	[sflag:s10] =	ssyncset.done $0x0  }
0x1f: {  	[sflag:s10] =	ssyncadd.s32 $0xFFFFEC40  }
0x20: {  	[bflag:$0x0] =	sbarrier.arrive $0xFFFF  }
0x21: {  	[tilespmem:s15], [sflag:$0x1] =	stream.indirect.gather [hbm4b:s4+s14], $0x40, s3, s14, $0xb8;
	[tilespmem:$0x1C200] =	vst v63  }
0x22: {  	_ = 	snop  }
0x23: {  	[tilespmem:s16], [sflag:$0x2] =	stream.indirect.gather [hbm4b:s4+s14], $0x40, s14, s14, $0xb8;
	[tilespmem:$0x1C200] =	vst v63  }
0x24: {  	_ =	swait.ge [sflag:s17], $0x2000  }
0x25: {  	[sflag:s17] =	ssyncset.done $0x0  }
0x26: {  	[sflag:s17] =	ssyncadd.s32 $0xFFFFE000  }
0x27: {  	[spmem:s2] =	stream.indirect.scatter.add.f32 [tilespmem:s15], [sflag:$0x5], $0x40, s11, s14, $0xb8;
	[tilespmem:$0x1C200] =	vst v63  }
0x28: {  	s21 =	simm.s32 $0x100  }
0x29: {  	[tilespmem:s19], [sflag:$0x3] =	stream.indirect.gather [hbm4b:s4+s14], $0x40, s21, s14, $0xb8;
	[tilespmem:$0x1C200] =	vst v63  }
0x2a: {  	_ =	swait.ge [sflag:s20], $0x2000  }
0x2b: {  	[sflag:s20] =	ssyncset.done $0x0  }
0x2c: {  	s31 =	simm.s32 $0x5280;
	[sflag:s20] =	ssyncadd.s32 $0xFFFFE000  }
0x2d: {  	[spmem:s2] =	stream.indirect.scatter.add.f32 [tilespmem:s16], [sflag:$0x6], $0x40, s31, s14, $0xb8;
	[tilespmem:$0x1C200] =	vst v63  }
0x2e: {  	s22 =	simm.s32 $0x180  }
0x2f: {  	[tilespmem:s23], [sflag:$0x4] =	stream.indirect.gather [hbm4b:s4+s14], $0x40, s22, s14, $0xb8;
	[tilespmem:$0x1C200] =	vst v63  }
0x30: {  	_ =	swait.ge [sflag:s24], $0x2000  }
0x31: {  	[sflag:s24] =	ssyncset.done $0x0  }
0x32: {  	s31 =	simm.s32 $0x5300;
	[sflag:s24] =	ssyncadd.s32 $0xFFFFE000  }
0x33: {  	[spmem:s2] =	stream.indirect.scatter.add.f32 [tilespmem:s19], [sflag:$0x7], $0x40, s31, s14, $0xb8;
	[tilespmem:$0x1C200] =	vst v63  }
0x34: {  	_ =	swait.ge [sflag:s25], $0x2000  }
0x35: {  	[sflag:s25] =	ssyncset.done $0x0  }
0x36: {  	s22 =	simm.s32 $0x200;
	[sflag:s25] =	ssyncadd.s32 $0xFFFFE000  }
0x37: {  	[tilespmem:s15], [sflag:$0x1] =	stream.indirect.gather [hbm4b:s4+s14], $0x40, s22, s14, $0xb8;
	[tilespmem:$0x1C200] =	vst v63  }
0x38: {  	_ =	swait.ge [sflag:s26], $0x2000  }
0x39: {  	[sflag:s26] =	ssyncset.done $0x0  }
0x3a: {  	s31 =	simm.s32 $0x5380;
	[sflag:s26] =	ssyncadd.s32 $0xFFFFE000  }
0x3b: {  	[spmem:s2] =	stream.indirect.scatter.add.f32 [tilespmem:s23], [sflag:$0x8], $0x40, s31, s14, $0xb8;
	[tilespmem:$0x1C200] =	vst v63  }
0x3c: {  	_ =	swait.ge [sflag:s28], $0x2000  }
0x3d: {  	[sflag:s28] =	ssyncset.done $0x0  }
0x3e: {  	s22 =	simm.s32 $0x280;
	[sflag:s28] =	ssyncadd.s32 $0xFFFFE000  }
0x3f: {  	[tilespmem:s16], [sflag:$0x2] =	stream.indirect.gather [hbm4b:s4+s14], $0x40, s22, s14, $0xb8;
	[tilespmem:$0x1C200] =	vst v63  }
0x40: {  	_ =	swait.ge [sflag:s17], $0x2000  }
0x41: {  	[sflag:s17] =	ssyncset.done $0x0  }
0x42: {  	s31 =	simm.s32 $0x5400;
	[sflag:s17] =	ssyncadd.s32 $0xFFFFE000  }
0x43: {  	[spmem:s2] =	stream.indirect.scatter.add.f32 [tilespmem:s15], [sflag:$0x5], $0x40, s31, s14, $0xb8;
	[tilespmem:$0x1C200] =	vst v63  }
0x44: {  	_ =	swait.ge [sflag:s29], $0x2000  }
0x45: {  	[sflag:s29] =	ssyncset.done $0x0  }
0x46: {  	s22 =	simm.s32 $0x300;
	[sflag:s29] =	ssyncadd.s32 $0xFFFFE000  }
0x47: {  	[tilespmem:s19], [sflag:$0x3] =	stream.indirect.gather [hbm4b:s4+s14], $0x40, s22, s14, $0xb8;
	[tilespmem:$0x1C200] =	vst v63  }
0x48: {  	_ =	swait.ge [sflag:s20], $0x2000  }
0x49: {  	[sflag:s20] =	ssyncset.done $0x0  }
0x4a: {  	s31 =	simm.s32 $0x5480;
	[sflag:s20] =	ssyncadd.s32 $0xFFFFE000  }
0x4b: {  	[spmem:s2] =	stream.indirect.scatter.add.f32 [tilespmem:s16], [sflag:$0x6], $0x40, s31, s14, $0xb8;
	[tilespmem:$0x1C200] =	vst v63  }
0x4c: {  	_ =	swait.ge [sflag:s30], $0x2000  }
0x4d: {  	[sflag:s30] =	ssyncset.done $0x0  }
0x4e: {  	s21 =	simm.s32 $0x800;
	s22 =	simm.s32 $0x380;
	[sflag:s30] =	ssyncadd.s32 $0xFFFFE000  }
.LBB2_2:
0x4f: {  	[tilespmem:s23], [sflag:$0x4] =	stream.indirect.gather [hbm4b:s4+s14], $0x40, s22, s14, $0xb8;
	[tilespmem:$0x1C200] =	vst v63  }
0x50: {  	s22 =	smov.u32 s21  }
0x51: {  	p0 =	sne.s32 s21, $0x13800;
	s21 =	sadd.s32 $0x800, s21;
	_ =	swait.ge [sflag:s24], $0x2000  }
0x52: {  	s22 =	sshra.s32 s22, $0x2;
	[sflag:s24] =	ssyncset.done $0x0  }
0x53: {  	s31 =	sadd.s32 $0x5300, s22;
	[sflag:s24] =	ssyncadd.s32 $0xFFFFE000  }
0x54: {  	[spmem:s2] =	stream.indirect.scatter.add.f32 [tilespmem:s19], [sflag:$0x7], $0x40, s31, s14, $0xb8;
	[tilespmem:$0x1C200] =	vst v63  }
0x55: {  	_ =	swait.ge [sflag:s25], $0x2000  }
0x56: {  	[sflag:s25] =	ssyncset.done $0x0  }
0x57: {  	s31 =	sadd.s32 $0x200, s22;
	[sflag:s25] =	ssyncadd.s32 $0xFFFFE000  }
0x58: {  	[tilespmem:s15], [sflag:$0x1] =	stream.indirect.gather [hbm4b:s4+s14], $0x40, s31, s14, $0xb8;
	[tilespmem:$0x1C200] =	vst v63  }
0x59: {  	_ =	swait.ge [sflag:s26], $0x2000  }
0x5a: {  	[sflag:s26] =	ssyncset.done $0x0  }
0x5b: {  	s31 =	sadd.s32 $0x5380, s22;
	[sflag:s26] =	ssyncadd.s32 $0xFFFFE000  }
0x5c: {  	[spmem:s2] =	stream.indirect.scatter.add.f32 [tilespmem:s23], [sflag:$0x8], $0x40, s31, s14, $0xb8;
	[tilespmem:$0x1C200] =	vst v63  }
0x5d: {  	_ =	swait.ge [sflag:s28], $0x2000  }
0x5e: {  	[sflag:s28] =	ssyncset.done $0x0  }
0x5f: {  	s31 =	sadd.s32 $0x280, s22;
	[sflag:s28] =	ssyncadd.s32 $0xFFFFE000  }
0x60: {  	[tilespmem:s16], [sflag:$0x2] =	stream.indirect.gather [hbm4b:s4+s14], $0x40, s31, s14, $0xb8;
	[tilespmem:$0x1C200] =	vst v63  }
0x61: {  	_ =	swait.ge [sflag:s17], $0x2000  }
0x62: {  	[sflag:s17] =	ssyncset.done $0x0  }
0x63: {  	s31 =	sadd.s32 $0x5400, s22;
	[sflag:s17] =	ssyncadd.s32 $0xFFFFE000  }
0x64: {  	[spmem:s2] =	stream.indirect.scatter.add.f32 [tilespmem:s15], [sflag:$0x5], $0x40, s31, s14, $0xb8;
	[tilespmem:$0x1C200] =	vst v63  }
0x65: {  	_ =	swait.ge [sflag:s29], $0x2000  }
0x66: {  	[sflag:s29] =	ssyncset.done $0x0  }
0x67: {  	s31 =	sadd.s32 $0x300, s22;
	[sflag:s29] =	ssyncadd.s32 $0xFFFFE000  }
0x68: {  	[tilespmem:s19], [sflag:$0x3] =	stream.indirect.gather [hbm4b:s4+s14], $0x40, s31, s14, $0xb8;
	[tilespmem:$0x1C200] =	vst v63  }
0x69: {  	_ =	swait.ge [sflag:s20], $0x2000  }
0x6a: {  	[sflag:s20] =	ssyncset.done $0x0  }
.Ltmp0:
0x6b: {  	s31 =	sadd.s32 $0x5480, s22;
	[sflag:s20] =	ssyncadd.s32 $0xFFFFE000;
	(pc) =	sbr.rel @p0 .LBB2_2-.Ltmp0, $4  }
0x6c: {  	[spmem:s2] =	stream.indirect.scatter.add.f32 [tilespmem:s16], [sflag:$0x6], $0x40, s31, s14, $0xb8;
	[tilespmem:$0x1C200] =	vst v63  }
0x6d: {  	_ =	swait.ge [sflag:s30], $0x2000  }
0x6e: {  	[sflag:s30] =	ssyncset.done $0x0  }
0x6f: {  	s22 =	sadd.s32 $0x380, s22;
	[sflag:s30] =	ssyncadd.s32 $0xFFFFE000  }
0x70: {  	[tilespmem:s23], [sflag:$0x4] =	stream.indirect.gather [hbm4b:s4+s14], $0x40, s22, s14, $0xb8;
	[tilespmem:$0x1C200] =	vst v63  }
0x71: {  	_ =	swait.ge [sflag:s24], $0x2000  }
0x72: {  	[sflag:s24] =	ssyncset.done $0x0  }
0x73: {  	s21 =	simm.s32 $0xA300;
	[sflag:s24] =	ssyncadd.s32 $0xFFFFE000  }
0x74: {  	[spmem:s2] =	stream.indirect.scatter.add.f32 [tilespmem:s19], [sflag:$0x7], $0x40, s21, s14, $0xb8;
	[tilespmem:$0x1C200] =	vst v63  }
0x75: {  	_ =	swait.ge [sflag:s25], $0x2000  }
0x76: {  	[sflag:s25] =	ssyncset.done $0x0  }
0x77: {  	[sflag:s25] =	ssyncadd.s32 $0xFFFFE000  }
0x78: {  	_ =	swait.ge [sflag:s26], $0x2000  }
0x79: {  	[sflag:s26] =	ssyncset.done $0x0  }
0x7a: {  	[sflag:s26] =	ssyncadd.s32 $0xFFFFE000  }
0x7b: {  	[spmem:s2] =	stream.indirect.scatter.add.f32 [tilespmem:s23], [sflag:$0x8], $0x40, s1, s14, $0xb8;
	[tilespmem:$0x1C200] =	vst v63  }
0x7c: {  	_ =	swait.ge [sflag:s28], $0x2000  }
0x7d: {  	[sflag:s28] =	ssyncset.done $0x0  }
0x7e: {  	[sflag:s28] =	ssyncadd.s32 $0xFFFFE000  }
0x7f: {  	_ =	swait.ge [sflag:s29], $0x2000  }
0x80: {  	[sflag:s29] =	ssyncset.done $0x0  }
0x81: {  	[sflag:s29] =	ssyncadd.s32 $0xFFFFE000  }
0x82: {  	_ =	swait.ge [sflag:s30], $0x2000  }
0x83: {  	s18 =	sadd.s32 $0x1, s18;
	[sflag:s30] =	ssyncset.done $0x0  }
0x84: {  	p0 =	sne.s32 s18, s9;
	[sflag:s30] =	ssyncadd.s32 $0xFFFFE000  }
.Ltmp1:
0x85: {  	[bflag:$0x0] =	sbarrier.arrive $0xFFFF;
	(pc) =	sbr.rel @p0 .LBB2_1-.Ltmp1, $4  }
0x86: {  	[hbm:s8@s0], [sflag:s12] =	dma.strided [spmem:s13@s30], $0x13C0, s17, $0x8   }
0x87: {  	_ =	swait.ge [sflag:s10], $0x13C0  }
0x88: {  	[sflag:s10] =	ssyncset.done $0x0  }
0x89: {  	[sflag:s10] =	ssyncadd.s32 $0xFFFFEC40  }
0x8a: {  	_ =	sfence.sel $0x180000  }
0x8b: {  	[bflag:$0x0] =	sbarrier.arrive $0xFFFF  }
0x8c: {  	_ =	strace $0x9000004A  }
0x8d: {  	s0 =	stileid.u32;
	[bflag:$0x2] =	sbarrier.arrive $0xFFFF  }
0x8e: {  	p0 =	sne.s32 s0, $0x0;
	s0 =	rddreg [dreg:$0x2]  }
0x8f: {  	s0 =	sadd.s32 @!p0 $0x100000, s0  }
0x90: {  	[sflag:s0] =	ssyncadd.tile.s32 @!p0 $0x1;
	_ =	shalt  }
.Lfunc_end2:
_tile_overlayer_lowered:
.L_overlay_start_2:
0x91: {  	(tag) =	ssettag $0x2  }
0x92: {  	s0 =	rddreg [dreg:$0x0];
	s2 =	stileid.u32  }
0x93: {  	s1 =	rddreg [dreg:$0x1];
	p0 =	sne.s32 s2, $0x0  }
0x94: {  	s3 =	rddreg [dreg:$0x2];
	[bflag:$0x3] =	sbarrier.arrive $0xFFFF;
	s2 =	simm.s32 @!p0 $0x1C09  }
0x95: {  	[timem:s3], [sflag:s2] =	dma.local @!p0 [hbm:s0], s1  }
0x96: {  	s0 =	simm.s32 @!p0 $0x9  }
0x97: {  	_ =	swait.ge @!p0 [sflag:s0], s1  }
0x98: {  	s1 =	ssub.s32 @!p0 $0x0, s1;
	[sflag:s0] =	ssyncset.done @!p0 $0x0  }
0x99: {  	[sflag:s0] =	ssyncadd.s32 @!p0 s1  }
0x9a: {  	[bflag:$0x3] =	sbarrier.arrive $0xFFFF  }
0x9b: {  	_ =	shalt  }

// kernel: kernel.18.cloned.1.call-start
scs
__scs_entry_jumppad:
0x0: {  	(pc) =	sbr.rel $0x88, $3  }
0x1: {  	(tag) =	ssettag $0x0;
	lr =	simm.s32 $0x1  }
0x2: {  	[smem:$0x3F98] =	sst lr;
	_ =	strace $0xD0000000  }
0x3: {  	_ = 	snop  }
0x4: {  	_ = 	snop  }
0x5: {  	_ = 	snop  }
0x6: {  	_ = 	snop  }
0x7: {  	_ = 	snop  }
__scs_overlays_trampoline_lowered:
0x8: {  	[smem:$0x3FA7] =	sst s0  }
0x9: {  	[smem:$0x3FA8] =	sst s1  }
0xa: {  	[smem:$0x3FA9] =	sst s2  }
0xb: {  	[smem:$0x3FAA] =	sst s3  }
0xc: {  	[smem:$0x3FAB] =	sst s4  }
0xd: {  	[smem:$0x3FAC] =	sst s5  }
0xe: {  	[smem:$0x3FAD] =	sst s6  }
0xf: {  	[smem:$0x3FAE] =	sst s7  }
0x10: {  	[smem:$0x3FAF] =	sst s8  }
0x11: {  	[smem:$0x3FB0] =	sst s9;
	s0 =	simm.s32 @!p0 $0x0  }
0x12: {  	s1 =	sld [smem:$0x3F96];
	s0 =	simm.s32 @p0 $0x1  }
0x13: {  	[smem:$0x3FB1] =	sst s0;
	s0 =	simm.s32 @!p1 $0x0  }
0x14: {  	s2 =	sld [smem:$0x3F95];
	s0 =	simm.s32 @p1 $0x1  }
0x15: {  	[smem:$0x3FB2] =	sst s0;
	s0 =	simm.s32 @!p2 $0x0  }
0x16: {  	s3 =	sld [smem:$0x3FDB];
	s0 =	simm.s32 @p2 $0x1  }
0x17: {  	s4 =	simm.s32 $0x1BF5;
	[smem:$0x3FB4] =	sst s0  }
0x18: {  	s0 =	sld [smem:$0x3F97];
	_ =	swait.ge [sflag:s4], $0x0  }
0x19: {  	s7 =	sld [smem:$0x3F98]  }
0x1a: {  	s8 =	sadd.s32 $0xFFFFE003, lr  }
0x1b: {  	s9 =	sadd.s32 $0xFFFFFEF7, lr;
	s5 =	simm.s32 $0xFFFFFFFF;
	p2 =	slt.u32 s8, $0xFFFFF086  }
0x1c: {  	p1 =	slt.u32 s9, $0xF7A;
	s5 =	simm.s32 @!p2 $0x0  }
0x1d: {  	s5 =	simm.s32 @p1 $0x1;
	p0 =	seq.s32 s7, s2  }
0x1e: {  	s7 =	smul.u32 @!p0 $0xF7A, s2;
	p2 =	seq.s32 @!p0 s5, $0x0  }
0x1f: {  	s9 =	smul.u32 $0xF7A, s1;
	s8 =	simm.s32 @!p0 $0x1BF5;
	p2 =	por !p2, p0  }
0x20: {  	[sflag:s8] =	ssyncset.s32 @!p0 $0xFFFFF086;
	s6 =	sadd.s32 @!p0 s3, s7;
	s7 =	simm.s32 @!p0 $0x108  }
0x21: {  	s3 =	sadd.s32 s3, s9;
	s6 =	sadd.s32 @!p0 $0x88, s6;
	s7 =	simm.s32 @p2 $0x1082  }
0x22: {  	[simem:s7], [sflag:s8] =	dma.local @!p0 [hbm:s6], $0xF7A  }
0x23: {  	s9 =	sor.u32 $0xD0000000, s2;
	s6 =	simm.s32 $0x108;
	_ =	swait.ge @!p0 [sflag:s8], $0x0  }
0x24: {  	s3 =	sadd.s32 $0x88, s3;
	s6 =	simm.s32 @!p1 $0x1082;
	[sflag:s4] =	ssyncset.s32 $0xFFFFF086  }
0x25: {  	[simem:s6], [sflag:s4] =	dma.local [hbm:s3], $0xF7A  }
0x26: {  	[smem:$0x3F98] =	sst s1;
	(tag) =	ssettag s2;
	_ =	strace s9  }
0x27: {  	s1 =	sld [smem:$0x3FA8]  }
0x28: {  	s2 =	sld [smem:$0x3FA9]  }
0x29: {  	s4 =	sld [smem:$0x3FAB]  }
0x2a: {  	p0 =	seq.s32 s5, $0x0;
	s5 =	sld [smem:$0x3FAC]  }
0x2b: {  	s6 =	sld [smem:$0x3FAD]  }
0x2c: {  	s7 =	sld [smem:$0x3FAE]  }
0x2d: {  	s3 =	simm.s32 $0x108;
	s8 =	sld [smem:$0x3FAF]  }
0x2e: {  	s3 =	simm.s32 @!p0 $0x1082;
	s9 =	sld [smem:$0x3FB0]  }
0x2f: {  	lr =	sadd.s32 s0, s3;
	s0 =	sld [smem:$0x3FA7]  }
0x30: {  	s3 =	sld [smem:$0x3FAA]  }
0x31: {  	[smem:$0x3FB3] =	sst s10  }
0x32: {  	s10 =	sld [smem:$0x3FB1];
	_ =	sdelay $0x3  }
0x33: {  	p0 =	seq.s32 s10, $0x1;
	s10 =	sld [smem:$0x3FB3];
	_ =	sdelay $0x3  }
0x34: {  	[smem:$0x3FB3] =	sst s10  }
0x35: {  	s10 =	sld [smem:$0x3FB2];
	_ =	sdelay $0x3  }
0x36: {  	p1 =	seq.s32 s10, $0x1;
	s10 =	sld [smem:$0x3FB3];
	_ =	sdelay $0x3  }
0x37: {  	[smem:$0x3FB3] =	sst s10  }
0x38: {  	s10 =	sld [smem:$0x3FB4]  }
0x39: {  	_ = 	snop;
	(pc) =	sbr.ind lr, $3  }
0x3a: {  	_ = 	snop  }
0x3b: {  	_ = 	snop  }
0x3c: {  	p2 =	seq.s32 s10, $0x1;
	s10 =	sld [smem:$0x3FB3]  }
0x3d: {  	_ =	shalt  }
0x3e: {  	_ =	shalt  }
0x3f: {  	_ =	shalt  }
0x40: {  	_ =	shalt  }
0x41: {  	_ =	shalt  }
0x42: {  	_ =	shalt  }
0x43: {  	_ =	shalt  }
0x44: {  	_ =	shalt  }
0x45: {  	_ =	shalt  }
0x46: {  	_ =	shalt  }
0x47: {  	_ =	shalt  }
0x48: {  	_ =	shalt  }
0x49: {  	_ =	shalt  }
0x4a: {  	_ =	shalt  }
0x4b: {  	_ =	shalt  }
0x4c: {  	_ =	shalt  }
0x4d: {  	_ =	shalt  }
0x4e: {  	_ =	shalt  }
0x4f: {  	_ =	shalt  }
0x50: {  	_ =	shalt  }
0x51: {  	_ =	shalt  }
0x52: {  	_ =	shalt  }
0x53: {  	_ =	shalt  }
0x54: {  	_ =	shalt  }
0x55: {  	_ =	shalt  }
0x56: {  	_ =	shalt  }
0x57: {  	_ =	shalt  }
0x58: {  	_ =	shalt  }
0x59: {  	_ =	shalt  }
0x5a: {  	_ =	shalt  }
0x5b: {  	_ =	shalt  }
0x5c: {  	_ =	shalt  }
0x5d: {  	_ =	shalt  }
0x5e: {  	_ =	shalt  }
0x5f: {  	_ =	shalt  }
0x60: {  	_ =	shalt  }
0x61: {  	_ =	shalt  }
0x62: {  	_ =	shalt  }
0x63: {  	_ =	shalt  }
0x64: {  	_ =	shalt  }
0x65: {  	_ =	shalt  }
0x66: {  	_ =	shalt  }
0x67: {  	_ =	shalt  }
0x68: {  	_ =	shalt  }
0x69: {  	_ =	shalt  }
0x6a: {  	_ =	shalt  }
0x6b: {  	_ =	shalt  }
0x6c: {  	_ =	shalt  }
0x6d: {  	_ =	shalt  }
0x6e: {  	_ =	shalt  }
0x6f: {  	_ =	shalt  }
0x70: {  	_ =	shalt  }
0x71: {  	_ =	shalt  }
0x72: {  	_ =	shalt  }
0x73: {  	_ =	shalt  }
0x74: {  	_ =	shalt  }
0x75: {  	_ =	shalt  }
0x76: {  	_ =	shalt  }
0x77: {  	_ =	shalt  }
0x78: {  	_ =	shalt  }
0x79: {  	_ =	shalt  }
0x7a: {  	_ =	shalt  }
0x7b: {  	_ =	shalt  }
0x7c: {  	_ =	shalt  }
0x7d: {  	_ =	shalt  }
0x7e: {  	_ =	shalt  }
0x7f: {  	_ =	shalt  }
0x80: {  	_ =	shalt  }
0x81: {  	_ =	shalt  }
0x82: {  	_ =	shalt  }
0x83: {  	_ =	shalt  }
0x84: {  	_ =	shalt  }
0x85: {  	_ =	shalt  }
0x86: {  	_ =	shalt  }
0x87: {  	_ =	shalt  }
.Lfunc_end0:
.L_simem_size_0:
called_computation.2_lowered:
.L_overlay_start_0:
0x88: {  	s2 =	sld [smem:$0x3FD9]  }
0x89: {  	s3 =	sld [smem:$0x3FFE];
	_ =	sdelay $0x1  }
0x8a: {  	s1 =	srdreg.scid  }
0x8b: {  	s0 =	sand.u32 $0x1, s1  }
0x8c: {  	s16 =	sshll.u32 s0, $0xA;
	s2 =	sadd.s32 s3, s2  }
0x8d: {  	s2 =	sadd.s32 s2, s16  }
0x8e: {  	[smem:$0x3FBF] =	sst s2  }
0x8f: {  	_ = 	snop  }
0x90: {  	(tm) =	ssettm $0x1  }
0x91: {  	s17 =	sld [smem:$0x3FFB];
	_ =	sdelay $0x3  }
0x92: {  	_ =	strace s17  }
0x93: {  	s2 =	sld [smem:$0x3FFC];
	_ =	sdelay $0x3  }
0x94: {  	_ =	strace s2  }
0x95: {  	s2 =	sld [smem:$0x3FFD];
	_ =	sdelay $0x3  }
0x96: {  	_ =	strace s2  }
0x97: {  	_ =	strace $0x8FFFFFFF  }
0x98: {  	s18 =	sld [smem:$0x3FDB];
	_ =	sdelay $0x1  }
0x99: {  	s19 =	simm.s32 $_scs_section_size  }
0x9a: {  	s4 =	simm.s32 $_size__tile_overlayer_lowered;
	s5 =	simm.s32 $_tile_overlayer_lowered  }
0x9b: {  	s22 =	simm.s32 $0x1BFF;
	s21 =	sshll.u32 s5, $0x1;
	s2 =	sadd.s32 s19, s18  }
0x9c: {  	s6 =	simm.s32 $0x0;
	s20 =	sshll.u32 s4, $0x1;
	s4 =	sadd.s32 s21, s2  }
0x9d: {  	[timem:s6], [sflag:s22] =	dma.local [hbm:s4], s20  }
0x9e: {  	_ =	swait.ge [sflag:s22], s20  }
0x9f: {  	s3 =	ssub.s32 $0x0, s20;
	[sflag:s22] =	ssyncset.done $0x0  }
0xa0: {  	[sflag:s22] =	ssyncadd.s32 s3;
	_ =	sdelay $0x1  }
0xa1: {  	s23 =	simm.s32 $0x1B8B  }
0xa2: {  	_ =	swait.ge [sflag:s23], $0x1  }
0xa3: {  	[sflag:s23] =	ssyncset.done $0x0  }
0xa4: {  	s25 =	simm.s32 $0x1B8E;
	s24 =	sld [smem:$0x3FFE];
	[sflag:s23] =	ssyncadd.s32 $0xFFFFFFFF  }
0xa5: {  	s26 =	simm.s32 $execute0_lowered;
	[smem:$0x3FD2] =	sst s25  }
0xa6: {  	s4 =	sshll.u32 s26, $0x1;
	_ =	strace $0x8000004C;
	[dreg:$0x1] =	wrdreg $0xFFFFFFFF  }
0xa7: {  	s28 =	simm.s32 $_size_execute0_lowered;
	s2 =	sadd.s32 s2, s4;
	[dreg:$0x0] =	wrdreg $0x0  }
0xa8: {  	s4 =	sshll.u32 s28, $0x1;
	[dreg:$0x2] =	wrdreg s2  }
0xa9: {  	[dreg:$0x3] =	wrdreg s4  }
0xaa: {  	[dreg:$0x4] =	wrdreg $0xC0  }
0xab: {  	_ =	task [dreg:s6], $0x5FFFF  }
0xac: {  	[dreg:$0x1] =	wrdreg $0xFFFFFFFF  }
0xad: {  	[dreg:$0x0] =	wrdreg $0x60  }
0xae: {  	[dreg:$0x2] =	wrdreg s24  }
0xaf: {  	[dreg:$0x3] =	wrdreg $0x124000  }
0xb0: {  	[dreg:$0x4] =	wrdreg $0x9  }
0xb1: {  	_ =	task.clear_ibuf [dreg:s6], $0x5FFFF;
	_ =	strace $0x9000004C  }
0xb2: {  	s29 =	simm.s32 $0x9;
	_ =	strace $0x8000004E  }
0xb3: {  	_ =	swait.ge [sflag:s29], $0x1  }
0xb4: {  	[sflag:s29] =	ssyncadd.s32 $0xFFFFFFFF  }
0xb5: {  	_ =	strace $0x9000004E  }
0xb6: {  	_ =	sfence  }
0xb7: {  	s30 =	sld [smem:$0x0];
	_ =	sdelay $0x2  }
0xb8: {  	s31 =	sshll.u32 s1, $0xD;
	s1 =	sshrl.u32 s1, $0x2  }
0xb9: {  	s3 =	sand.u32 $0x4000, s31;
	s1 =	sadd.s32 s1, s30  }
0xba: {  	s0 =	sor.u32 s3, s0;
	s1 =	sshll.u32 s1, $0x11  }
0xbb: {  	s0 =	sor.u32 s1, s0  }
0xbc: {  	s0 =	sadd.s32 $0x8F2B, s0  }
0xbd: {  	[sflag:s0] =	ssyncadd.remote.s32 $0x1  }
0xbe: {  	_ =	sfence.sel $0xFFFF  }
0xbf: {  	[dreg:$0x0] =	wrdreg $0xFFFFFFFF;
	(pc) =	sbr.abs _section_cstart, $3  }
0xc0: {  	[dreg:$0x1] =	wrdreg $0xFFFFFFFF  }
0xc1: {  	_ =	task.clear_ibuf [dreg:s6], $0x2FFFF;
	_ =	strace $0x9FFFFFFF  }
0xc2: {  	(tm) =	ssettm $0x7FFFFFFF  }
0xc3: {  	_ =	shalt  }
tec
execute0_lowered:
.L_overlay_start_1:
0x0: {  	(tag) =	ssettag $0x1  }
0x1: {  	s0 =	srdreg.scid  }
0x2: {  	s11 =	stileid.u32;
	s1 =	rddreg [dreg:$0x0]  }
0x3: {  	s2 =	rddreg [dreg:$0x1];
	s3 =	simm.s32 $0x0;
	s14 =	simm.s32 $0x80  }
0x4: {  	s15 =	simm.s32 $0xA400;
	s16 =	simm.s32 $0xC400;
	s17 =	simm.s32 $0x1  }
0x5: {  	s19 =	simm.s32 $0xE400;
	s20 =	simm.s32 $0x2;
	s23 =	simm.s32 $0x10400  }
0x6: {  	s24 =	simm.s32 $0x3;
	s28 =	simm.s32 $0x6;
	s29 =	simm.s32 $0x7  }
0x7: {  	s30 =	simm.s32 $0x8;
	s18 =	simm.s32 $0x0;
	s4 =	smul.u32 $0x5200, s11  }
0x8: {  	s0 =	sand.u32 $0x1, s0;
	[smem:$0x7FF] =	sst s3;
	s7 =	smul.u32 $0x9E00, s11  }
0x9: {  	s6 =	smul.u32 $0x13C00, s11;
	s31 =	sshll.u32 s11, $0x6;
	s11 =	simm.s32 $0x5200  }
0xa: {  	s5 =	smul.u32 $0x52000, s0;
	_ =	strace $0x8000004D;
	s9 =	sshll.u32 s0, $0x6  }
0xb: {  	s0 =	ssub.s32 $0x2, s0;
	s12 =	sor.u32 $0x1C09, s31;
	s10 =	sshrl.u32 s7, $0x3  }
0xc: {  	s6 =	sor.u32 s9, s6;
	s26 =	sshrl.u32 s0, $0x1;
	s13 =	sadd.s32 s7, s2  }
0xd: {  	s5 =	sadd.s32 s4, s5;
	s4 =	sshrl.u32 s4, $0x3;
	s25 =	sadd.s32 s10, s1  }
0xe: {  	s6 =	sshrl.u32 s6, $0x3;
	s0 =	ssub.s32 s0, s26;
	s10 =	simm.s32 $0x9  }
0xf: {  	s13 =	sshrl.u32 s13, $0x3;
	s26 =	simm.s32 $0x4;
	s5 =	sshrl.u32 s5, $0x3  }
0x10: {  	s8 =	sadd.s32 s4, s1;
	s4 =	sadd.s32 $0x21E00, s1;
	s7 =	sadd.s32 $0x49600, s25  }
0x11: {  	s9 =	smax.u32 s0, $0x1;
	s25 =	simm.s32 $0x5;
	s0 =	simm.s32 $0x10  }
0x12: {  	s5 =	sadd.s32 s5, s1;
	s1 =	sadd.s32 s6, s1;
	s6 =	sadd.s32 $0x3200, s8  }
0x13: {  	s5 =	sadd.s32 $0xD600, s5;
	s8 =	sadd.s32 $0x5D200, s1;
	s1 =	simm.s32 $0xA380  }
.LBB2_1:
0x14: {  	[tilespmem:s3], [sflag:$0x9] =	stream.linear.gather [hbm4b:s5+s3], $0x5200, $0x38;
	[tilespmem:$0x1C200] =	vst v63  }
0x15: {  	_ =	swait.ge [sflag:s10], $0x5200  }
0x16: {  	[sflag:s10] =	ssyncset.done $0x0  }
0x17: {  	[sflag:s10] =	ssyncadd.s32 $0xFFFFAE00  }
0x18: {  	[tilespmem:s11], [sflag:$0x9] =	stream.linear.gather [hbm4b:s6+s3], $0x5200, $0x38;
	[tilespmem:$0x1C200] =	vst v63  }
0x19: {  	_ =	swait.ge [sflag:s10], $0x5200  }
0x1a: {  	[sflag:s10] =	ssyncset.done $0x0  }
0x1b: {  	[sflag:s10] =	ssyncadd.s32 $0xFFFFAE00  }
0x1c: {  	[spmem:s13], [sflag:s12] =	dma.local [hbm:s7], $0x13C0  }
0x1d: {  	_ =	swait.ge [sflag:s10], $0x13C0  }
0x1e: {  	[sflag:s10] =	ssyncset.done $0x0  }
0x1f: {  	[sflag:s10] =	ssyncadd.s32 $0xFFFFEC40  }
0x20: {  	[bflag:$0x0] =	sbarrier.arrive $0xFFFF  }
0x21: {  	[tilespmem:s15], [sflag:$0x1] =	stream.indirect.gather [hbm4b:s4+s14], $0x40, s3, s14, $0xb8;
	[tilespmem:$0x1C200] =	vst v63  }
0x22: {  	_ = 	snop  }
0x23: {  	[tilespmem:s16], [sflag:$0x2] =	stream.indirect.gather [hbm4b:s4+s14], $0x40, s14, s14, $0xb8;
	[tilespmem:$0x1C200] =	vst v63  }
0x24: {  	_ =	swait.ge [sflag:s17], $0x2000  }
0x25: {  	[sflag:s17] =	ssyncset.done $0x0  }
0x26: {  	[sflag:s17] =	ssyncadd.s32 $0xFFFFE000  }
0x27: {  	[spmem:s2] =	stream.indirect.scatter.add.f32 [tilespmem:s15], [sflag:$0x5], $0x40, s11, s14, $0xb8;
	[tilespmem:$0x1C200] =	vst v63  }
0x28: {  	s21 =	simm.s32 $0x100  }
0x29: {  	[tilespmem:s19], [sflag:$0x3] =	stream.indirect.gather [hbm4b:s4+s14], $0x40, s21, s14, $0xb8;
	[tilespmem:$0x1C200] =	vst v63  }
0x2a: {  	_ =	swait.ge [sflag:s20], $0x2000  }
0x2b: {  	[sflag:s20] =	ssyncset.done $0x0  }
0x2c: {  	s31 =	simm.s32 $0x5280;
	[sflag:s20] =	ssyncadd.s32 $0xFFFFE000  }
0x2d: {  	[spmem:s2] =	stream.indirect.scatter.add.f32 [tilespmem:s16], [sflag:$0x6], $0x40, s31, s14, $0xb8;
	[tilespmem:$0x1C200] =	vst v63  }
0x2e: {  	s22 =	simm.s32 $0x180  }
0x2f: {  	[tilespmem:s23], [sflag:$0x4] =	stream.indirect.gather [hbm4b:s4+s14], $0x40, s22, s14, $0xb8;
	[tilespmem:$0x1C200] =	vst v63  }
0x30: {  	_ =	swait.ge [sflag:s24], $0x2000  }
0x31: {  	[sflag:s24] =	ssyncset.done $0x0  }
0x32: {  	s31 =	simm.s32 $0x5300;
	[sflag:s24] =	ssyncadd.s32 $0xFFFFE000  }
0x33: {  	[spmem:s2] =	stream.indirect.scatter.add.f32 [tilespmem:s19], [sflag:$0x7], $0x40, s31, s14, $0xb8;
	[tilespmem:$0x1C200] =	vst v63  }
0x34: {  	_ =	swait.ge [sflag:s25], $0x2000  }
0x35: {  	[sflag:s25] =	ssyncset.done $0x0  }
0x36: {  	s22 =	simm.s32 $0x200;
	[sflag:s25] =	ssyncadd.s32 $0xFFFFE000  }
0x37: {  	[tilespmem:s15], [sflag:$0x1] =	stream.indirect.gather [hbm4b:s4+s14], $0x40, s22, s14, $0xb8;
	[tilespmem:$0x1C200] =	vst v63  }
0x38: {  	_ =	swait.ge [sflag:s26], $0x2000  }
0x39: {  	[sflag:s26] =	ssyncset.done $0x0  }
0x3a: {  	s31 =	simm.s32 $0x5380;
	[sflag:s26] =	ssyncadd.s32 $0xFFFFE000  }
0x3b: {  	[spmem:s2] =	stream.indirect.scatter.add.f32 [tilespmem:s23], [sflag:$0x8], $0x40, s31, s14, $0xb8;
	[tilespmem:$0x1C200] =	vst v63  }
0x3c: {  	_ =	swait.ge [sflag:s28], $0x2000  }
0x3d: {  	[sflag:s28] =	ssyncset.done $0x0  }
0x3e: {  	s22 =	simm.s32 $0x280;
	[sflag:s28] =	ssyncadd.s32 $0xFFFFE000  }
0x3f: {  	[tilespmem:s16], [sflag:$0x2] =	stream.indirect.gather [hbm4b:s4+s14], $0x40, s22, s14, $0xb8;
	[tilespmem:$0x1C200] =	vst v63  }
0x40: {  	_ =	swait.ge [sflag:s17], $0x2000  }
0x41: {  	[sflag:s17] =	ssyncset.done $0x0  }
0x42: {  	s31 =	simm.s32 $0x5400;
	[sflag:s17] =	ssyncadd.s32 $0xFFFFE000  }
0x43: {  	[spmem:s2] =	stream.indirect.scatter.add.f32 [tilespmem:s15], [sflag:$0x5], $0x40, s31, s14, $0xb8;
	[tilespmem:$0x1C200] =	vst v63  }
0x44: {  	_ =	swait.ge [sflag:s29], $0x2000  }
0x45: {  	[sflag:s29] =	ssyncset.done $0x0  }
0x46: {  	s22 =	simm.s32 $0x300;
	[sflag:s29] =	ssyncadd.s32 $0xFFFFE000  }
0x47: {  	[tilespmem:s19], [sflag:$0x3] =	stream.indirect.gather [hbm4b:s4+s14], $0x40, s22, s14, $0xb8;
	[tilespmem:$0x1C200] =	vst v63  }
0x48: {  	_ =	swait.ge [sflag:s20], $0x2000  }
0x49: {  	[sflag:s20] =	ssyncset.done $0x0  }
0x4a: {  	s31 =	simm.s32 $0x5480;
	[sflag:s20] =	ssyncadd.s32 $0xFFFFE000  }
0x4b: {  	[spmem:s2] =	stream.indirect.scatter.add.f32 [tilespmem:s16], [sflag:$0x6], $0x40, s31, s14, $0xb8;
	[tilespmem:$0x1C200] =	vst v63  }
0x4c: {  	_ =	swait.ge [sflag:s30], $0x2000  }
0x4d: {  	[sflag:s30] =	ssyncset.done $0x0  }
0x4e: {  	s21 =	simm.s32 $0x800;
	s22 =	simm.s32 $0x380;
	[sflag:s30] =	ssyncadd.s32 $0xFFFFE000  }
.LBB2_2:
0x4f: {  	[tilespmem:s23], [sflag:$0x4] =	stream.indirect.gather [hbm4b:s4+s14], $0x40, s22, s14, $0xb8;
	[tilespmem:$0x1C200] =	vst v63  }
0x50: {  	s22 =	smov.u32 s21  }
0x51: {  	p0 =	sne.s32 s21, $0x13800;
	s21 =	sadd.s32 $0x800, s21;
	_ =	swait.ge [sflag:s24], $0x2000  }
0x52: {  	s22 =	sshra.s32 s22, $0x2;
	[sflag:s24] =	ssyncset.done $0x0  }
0x53: {  	s31 =	sadd.s32 $0x5300, s22;
	[sflag:s24] =	ssyncadd.s32 $0xFFFFE000  }
0x54: {  	[spmem:s2] =	stream.indirect.scatter.add.f32 [tilespmem:s19], [sflag:$0x7], $0x40, s31, s14, $0xb8;
	[tilespmem:$0x1C200] =	vst v63  }
0x55: {  	_ =	swait.ge [sflag:s25], $0x2000  }
0x56: {  	[sflag:s25] =	ssyncset.done $0x0  }
0x57: {  	s31 =	sadd.s32 $0x200, s22;
	[sflag:s25] =	ssyncadd.s32 $0xFFFFE000  }
0x58: {  	[tilespmem:s15], [sflag:$0x1] =	stream.indirect.gather [hbm4b:s4+s14], $0x40, s31, s14, $0xb8;
	[tilespmem:$0x1C200] =	vst v63  }
0x59: {  	_ =	swait.ge [sflag:s26], $0x2000  }
0x5a: {  	[sflag:s26] =	ssyncset.done $0x0  }
0x5b: {  	s31 =	sadd.s32 $0x5380, s22;
	[sflag:s26] =	ssyncadd.s32 $0xFFFFE000  }
0x5c: {  	[spmem:s2] =	stream.indirect.scatter.add.f32 [tilespmem:s23], [sflag:$0x8], $0x40, s31, s14, $0xb8;
	[tilespmem:$0x1C200] =	vst v63  }
0x5d: {  	_ =	swait.ge [sflag:s28], $0x2000  }
0x5e: {  	[sflag:s28] =	ssyncset.done $0x0  }
0x5f: {  	s31 =	sadd.s32 $0x280, s22;
	[sflag:s28] =	ssyncadd.s32 $0xFFFFE000  }
0x60: {  	[tilespmem:s16], [sflag:$0x2] =	stream.indirect.gather [hbm4b:s4+s14], $0x40, s31, s14, $0xb8;
	[tilespmem:$0x1C200] =	vst v63  }
0x61: {  	_ =	swait.ge [sflag:s17], $0x2000  }
0x62: {  	[sflag:s17] =	ssyncset.done $0x0  }
0x63: {  	s31 =	sadd.s32 $0x5400, s22;
	[sflag:s17] =	ssyncadd.s32 $0xFFFFE000  }
0x64: {  	[spmem:s2] =	stream.indirect.scatter.add.f32 [tilespmem:s15], [sflag:$0x5], $0x40, s31, s14, $0xb8;
	[tilespmem:$0x1C200] =	vst v63  }
0x65: {  	_ =	swait.ge [sflag:s29], $0x2000  }
0x66: {  	[sflag:s29] =	ssyncset.done $0x0  }
0x67: {  	s31 =	sadd.s32 $0x300, s22;
	[sflag:s29] =	ssyncadd.s32 $0xFFFFE000  }
0x68: {  	[tilespmem:s19], [sflag:$0x3] =	stream.indirect.gather [hbm4b:s4+s14], $0x40, s31, s14, $0xb8;
	[tilespmem:$0x1C200] =	vst v63  }
0x69: {  	_ =	swait.ge [sflag:s20], $0x2000  }
0x6a: {  	[sflag:s20] =	ssyncset.done $0x0  }
.Ltmp0:
0x6b: {  	s31 =	sadd.s32 $0x5480, s22;
	[sflag:s20] =	ssyncadd.s32 $0xFFFFE000;
	(pc) =	sbr.rel @p0 .LBB2_2-.Ltmp0, $4  }
0x6c: {  	[spmem:s2] =	stream.indirect.scatter.add.f32 [tilespmem:s16], [sflag:$0x6], $0x40, s31, s14, $0xb8;
	[tilespmem:$0x1C200] =	vst v63  }
0x6d: {  	_ =	swait.ge [sflag:s30], $0x2000  }
0x6e: {  	[sflag:s30] =	ssyncset.done $0x0  }
0x6f: {  	s22 =	sadd.s32 $0x380, s22;
	[sflag:s30] =	ssyncadd.s32 $0xFFFFE000  }
0x70: {  	[tilespmem:s23], [sflag:$0x4] =	stream.indirect.gather [hbm4b:s4+s14], $0x40, s22, s14, $0xb8;
	[tilespmem:$0x1C200] =	vst v63  }
0x71: {  	_ =	swait.ge [sflag:s24], $0x2000  }
0x72: {  	[sflag:s24] =	ssyncset.done $0x0  }
0x73: {  	s21 =	simm.s32 $0xA300;
	[sflag:s24] =	ssyncadd.s32 $0xFFFFE000  }
0x74: {  	[spmem:s2] =	stream.indirect.scatter.add.f32 [tilespmem:s19], [sflag:$0x7], $0x40, s21, s14, $0xb8;
	[tilespmem:$0x1C200] =	vst v63  }
0x75: {  	_ =	swait.ge [sflag:s25], $0x2000  }
0x76: {  	[sflag:s25] =	ssyncset.done $0x0  }
0x77: {  	[sflag:s25] =	ssyncadd.s32 $0xFFFFE000  }
0x78: {  	_ =	swait.ge [sflag:s26], $0x2000  }
0x79: {  	[sflag:s26] =	ssyncset.done $0x0  }
0x7a: {  	[sflag:s26] =	ssyncadd.s32 $0xFFFFE000  }
0x7b: {  	[spmem:s2] =	stream.indirect.scatter.add.f32 [tilespmem:s23], [sflag:$0x8], $0x40, s1, s14, $0xb8;
	[tilespmem:$0x1C200] =	vst v63  }
0x7c: {  	_ =	swait.ge [sflag:s28], $0x2000  }
0x7d: {  	[sflag:s28] =	ssyncset.done $0x0  }
0x7e: {  	[sflag:s28] =	ssyncadd.s32 $0xFFFFE000  }
0x7f: {  	_ =	swait.ge [sflag:s29], $0x2000  }
0x80: {  	[sflag:s29] =	ssyncset.done $0x0  }
0x81: {  	[sflag:s29] =	ssyncadd.s32 $0xFFFFE000  }
0x82: {  	_ =	swait.ge [sflag:s30], $0x2000  }
0x83: {  	s18 =	sadd.s32 $0x1, s18;
	[sflag:s30] =	ssyncset.done $0x0  }
0x84: {  	p0 =	sne.s32 s18, s9;
	[sflag:s30] =	ssyncadd.s32 $0xFFFFE000  }
.Ltmp1:
0x85: {  	[bflag:$0x0] =	sbarrier.arrive $0xFFFF;
	(pc) =	sbr.rel @p0 .LBB2_1-.Ltmp1, $4  }
0x86: {  	[hbm:s8@s0], [sflag:s12] =	dma.strided [spmem:s13@s30], $0x13C0, s17, $0x8   }
0x87: {  	_ =	swait.ge [sflag:s10], $0x13C0  }
0x88: {  	[sflag:s10] =	ssyncset.done $0x0  }
0x89: {  	[sflag:s10] =	ssyncadd.s32 $0xFFFFEC40  }
0x8a: {  	_ =	sfence.sel $0x180000  }
0x8b: {  	[bflag:$0x0] =	sbarrier.arrive $0xFFFF  }
0x8c: {  	_ =	strace $0x9000004D  }
0x8d: {  	s0 =	stileid.u32;
	[bflag:$0x2] =	sbarrier.arrive $0xFFFF  }
0x8e: {  	p0 =	sne.s32 s0, $0x0;
	s0 =	rddreg [dreg:$0x2]  }
0x8f: {  	s0 =	sadd.s32 @!p0 $0x100000, s0  }
0x90: {  	[sflag:s0] =	ssyncadd.tile.s32 @!p0 $0x1;
	_ =	shalt  }
.Lfunc_end2:
_tile_overlayer_lowered:
.L_overlay_start_2:
0x91: {  	(tag) =	ssettag $0x2  }
0x92: {  	s0 =	rddreg [dreg:$0x0];
	s2 =	stileid.u32  }
0x93: {  	s1 =	rddreg [dreg:$0x1];
	p0 =	sne.s32 s2, $0x0  }
0x94: {  	s3 =	rddreg [dreg:$0x2];
	[bflag:$0x3] =	sbarrier.arrive $0xFFFF;
	s2 =	simm.s32 @!p0 $0x1C09  }
0x95: {  	[timem:s3], [sflag:s2] =	dma.local @!p0 [hbm:s0], s1  }
0x96: {  	s0 =	simm.s32 @!p0 $0x9  }
0x97: {  	_ =	swait.ge @!p0 [sflag:s0], s1  }
0x98: {  	s1 =	ssub.s32 @!p0 $0x0, s1;
	[sflag:s0] =	ssyncset.done @!p0 $0x0  }
0x99: {  	[sflag:s0] =	ssyncadd.s32 @!p0 s1  }
0x9a: {  	[bflag:$0x3] =	sbarrier.arrive $0xFFFF  }
0x9b: {  	_ =	shalt  }

// kernel: kernel.21.cloned.1.call-start
scs
__scs_entry_jumppad:
0x0: {  	(pc) =	sbr.rel $0x88, $3  }
0x1: {  	(tag) =	ssettag $0x0;
	lr =	simm.s32 $0x1  }
0x2: {  	[smem:$0x3F98] =	sst lr;
	_ =	strace $0xD0000000  }
0x3: {  	_ = 	snop  }
0x4: {  	_ = 	snop  }
0x5: {  	_ = 	snop  }
0x6: {  	_ = 	snop  }
0x7: {  	_ = 	snop  }
__scs_overlays_trampoline_lowered:
0x8: {  	[smem:$0x3FA7] =	sst s0  }
0x9: {  	[smem:$0x3FA8] =	sst s1  }
0xa: {  	[smem:$0x3FA9] =	sst s2  }
0xb: {  	[smem:$0x3FAA] =	sst s3  }
0xc: {  	[smem:$0x3FAB] =	sst s4  }
0xd: {  	[smem:$0x3FAC] =	sst s5  }
0xe: {  	[smem:$0x3FAD] =	sst s6  }
0xf: {  	[smem:$0x3FAE] =	sst s7  }
0x10: {  	[smem:$0x3FAF] =	sst s8  }
0x11: {  	[smem:$0x3FB0] =	sst s9;
	s0 =	simm.s32 @!p0 $0x0  }
0x12: {  	s1 =	sld [smem:$0x3F96];
	s0 =	simm.s32 @p0 $0x1  }
0x13: {  	[smem:$0x3FB1] =	sst s0;
	s0 =	simm.s32 @!p1 $0x0  }
0x14: {  	s2 =	sld [smem:$0x3F95];
	s0 =	simm.s32 @p1 $0x1  }
0x15: {  	[smem:$0x3FB2] =	sst s0;
	s0 =	simm.s32 @!p2 $0x0  }
0x16: {  	s3 =	sld [smem:$0x3FDB];
	s0 =	simm.s32 @p2 $0x1  }
0x17: {  	s4 =	simm.s32 $0x1BF5;
	[smem:$0x3FB4] =	sst s0  }
0x18: {  	s0 =	sld [smem:$0x3F97];
	_ =	swait.ge [sflag:s4], $0x0  }
0x19: {  	s7 =	sld [smem:$0x3F98]  }
0x1a: {  	s8 =	sadd.s32 $0xFFFFE003, lr  }
0x1b: {  	s9 =	sadd.s32 $0xFFFFFEF7, lr;
	s5 =	simm.s32 $0xFFFFFFFF;
	p2 =	slt.u32 s8, $0xFFFFF086  }
0x1c: {  	p1 =	slt.u32 s9, $0xF7A;
	s5 =	simm.s32 @!p2 $0x0  }
0x1d: {  	s5 =	simm.s32 @p1 $0x1;
	p0 =	seq.s32 s7, s2  }
0x1e: {  	s7 =	smul.u32 @!p0 $0xF7A, s2;
	p2 =	seq.s32 @!p0 s5, $0x0  }
0x1f: {  	s9 =	smul.u32 $0xF7A, s1;
	s8 =	simm.s32 @!p0 $0x1BF5;
	p2 =	por !p2, p0  }
0x20: {  	[sflag:s8] =	ssyncset.s32 @!p0 $0xFFFFF086;
	s6 =	sadd.s32 @!p0 s3, s7;
	s7 =	simm.s32 @!p0 $0x108  }
0x21: {  	s3 =	sadd.s32 s3, s9;
	s6 =	sadd.s32 @!p0 $0x88, s6;
	s7 =	simm.s32 @p2 $0x1082  }
0x22: {  	[simem:s7], [sflag:s8] =	dma.local @!p0 [hbm:s6], $0xF7A  }
0x23: {  	s9 =	sor.u32 $0xD0000000, s2;
	s6 =	simm.s32 $0x108;
	_ =	swait.ge @!p0 [sflag:s8], $0x0  }
0x24: {  	s3 =	sadd.s32 $0x88, s3;
	s6 =	simm.s32 @!p1 $0x1082;
	[sflag:s4] =	ssyncset.s32 $0xFFFFF086  }
0x25: {  	[simem:s6], [sflag:s4] =	dma.local [hbm:s3], $0xF7A  }
0x26: {  	[smem:$0x3F98] =	sst s1;
	(tag) =	ssettag s2;
	_ =	strace s9  }
0x27: {  	s1 =	sld [smem:$0x3FA8]  }
0x28: {  	s2 =	sld [smem:$0x3FA9]  }
0x29: {  	s4 =	sld [smem:$0x3FAB]  }
0x2a: {  	p0 =	seq.s32 s5, $0x0;
	s5 =	sld [smem:$0x3FAC]  }
0x2b: {  	s6 =	sld [smem:$0x3FAD]  }
0x2c: {  	s7 =	sld [smem:$0x3FAE]  }
0x2d: {  	s3 =	simm.s32 $0x108;
	s8 =	sld [smem:$0x3FAF]  }
0x2e: {  	s3 =	simm.s32 @!p0 $0x1082;
	s9 =	sld [smem:$0x3FB0]  }
0x2f: {  	lr =	sadd.s32 s0, s3;
	s0 =	sld [smem:$0x3FA7]  }
0x30: {  	s3 =	sld [smem:$0x3FAA]  }
0x31: {  	[smem:$0x3FB3] =	sst s10  }
0x32: {  	s10 =	sld [smem:$0x3FB1];
	_ =	sdelay $0x3  }
0x33: {  	p0 =	seq.s32 s10, $0x1;
	s10 =	sld [smem:$0x3FB3];
	_ =	sdelay $0x3  }
0x34: {  	[smem:$0x3FB3] =	sst s10  }
0x35: {  	s10 =	sld [smem:$0x3FB2];
	_ =	sdelay $0x3  }
0x36: {  	p1 =	seq.s32 s10, $0x1;
	s10 =	sld [smem:$0x3FB3];
	_ =	sdelay $0x3  }
0x37: {  	[smem:$0x3FB3] =	sst s10  }
0x38: {  	s10 =	sld [smem:$0x3FB4]  }
0x39: {  	_ = 	snop;
	(pc) =	sbr.ind lr, $3  }
0x3a: {  	_ = 	snop  }
0x3b: {  	_ = 	snop  }
0x3c: {  	p2 =	seq.s32 s10, $0x1;
	s10 =	sld [smem:$0x3FB3]  }
0x3d: {  	_ =	shalt  }
0x3e: {  	_ =	shalt  }
0x3f: {  	_ =	shalt  }
0x40: {  	_ =	shalt  }
0x41: {  	_ =	shalt  }
0x42: {  	_ =	shalt  }
0x43: {  	_ =	shalt  }
0x44: {  	_ =	shalt  }
0x45: {  	_ =	shalt  }
0x46: {  	_ =	shalt  }
0x47: {  	_ =	shalt  }
0x48: {  	_ =	shalt  }
0x49: {  	_ =	shalt  }
0x4a: {  	_ =	shalt  }
0x4b: {  	_ =	shalt  }
0x4c: {  	_ =	shalt  }
0x4d: {  	_ =	shalt  }
0x4e: {  	_ =	shalt  }
0x4f: {  	_ =	shalt  }
0x50: {  	_ =	shalt  }
0x51: {  	_ =	shalt  }
0x52: {  	_ =	shalt  }
0x53: {  	_ =	shalt  }
0x54: {  	_ =	shalt  }
0x55: {  	_ =	shalt  }
0x56: {  	_ =	shalt  }
0x57: {  	_ =	shalt  }
0x58: {  	_ =	shalt  }
0x59: {  	_ =	shalt  }
0x5a: {  	_ =	shalt  }
0x5b: {  	_ =	shalt  }
0x5c: {  	_ =	shalt  }
0x5d: {  	_ =	shalt  }
0x5e: {  	_ =	shalt  }
0x5f: {  	_ =	shalt  }
0x60: {  	_ =	shalt  }
0x61: {  	_ =	shalt  }
0x62: {  	_ =	shalt  }
0x63: {  	_ =	shalt  }
0x64: {  	_ =	shalt  }
0x65: {  	_ =	shalt  }
0x66: {  	_ =	shalt  }
0x67: {  	_ =	shalt  }
0x68: {  	_ =	shalt  }
0x69: {  	_ =	shalt  }
0x6a: {  	_ =	shalt  }
0x6b: {  	_ =	shalt  }
0x6c: {  	_ =	shalt  }
0x6d: {  	_ =	shalt  }
0x6e: {  	_ =	shalt  }
0x6f: {  	_ =	shalt  }
0x70: {  	_ =	shalt  }
0x71: {  	_ =	shalt  }
0x72: {  	_ =	shalt  }
0x73: {  	_ =	shalt  }
0x74: {  	_ =	shalt  }
0x75: {  	_ =	shalt  }
0x76: {  	_ =	shalt  }
0x77: {  	_ =	shalt  }
0x78: {  	_ =	shalt  }
0x79: {  	_ =	shalt  }
0x7a: {  	_ =	shalt  }
0x7b: {  	_ =	shalt  }
0x7c: {  	_ =	shalt  }
0x7d: {  	_ =	shalt  }
0x7e: {  	_ =	shalt  }
0x7f: {  	_ =	shalt  }
0x80: {  	_ =	shalt  }
0x81: {  	_ =	shalt  }
0x82: {  	_ =	shalt  }
0x83: {  	_ =	shalt  }
0x84: {  	_ =	shalt  }
0x85: {  	_ =	shalt  }
0x86: {  	_ =	shalt  }
0x87: {  	_ =	shalt  }
.Lfunc_end0:
.L_simem_size_0:
called_computation.3_lowered:
.L_overlay_start_0:
0x88: {  	s2 =	sld [smem:$0x3FD9]  }
0x89: {  	s3 =	sld [smem:$0x3FFE];
	_ =	sdelay $0x1  }
0x8a: {  	s1 =	srdreg.scid  }
0x8b: {  	s0 =	sand.u32 $0x1, s1  }
0x8c: {  	s16 =	sshll.u32 s0, $0xA;
	s2 =	sadd.s32 s3, s2  }
0x8d: {  	s2 =	sadd.s32 s2, s16  }
0x8e: {  	[smem:$0x3FBF] =	sst s2  }
0x8f: {  	_ = 	snop  }
0x90: {  	(tm) =	ssettm $0x1  }
0x91: {  	s17 =	sld [smem:$0x3FFB];
	_ =	sdelay $0x3  }
0x92: {  	_ =	strace s17  }
0x93: {  	s2 =	sld [smem:$0x3FFC];
	_ =	sdelay $0x3  }
0x94: {  	_ =	strace s2  }
0x95: {  	s2 =	sld [smem:$0x3FFD];
	_ =	sdelay $0x3  }
0x96: {  	_ =	strace s2  }
0x97: {  	_ =	strace $0x8FFFFFFF  }
0x98: {  	s18 =	sld [smem:$0x3FDB];
	_ =	sdelay $0x1  }
0x99: {  	s19 =	simm.s32 $_scs_section_size  }
0x9a: {  	s4 =	simm.s32 $_size__tile_overlayer_lowered;
	s5 =	simm.s32 $_tile_overlayer_lowered  }
0x9b: {  	s22 =	simm.s32 $0x1BFF;
	s21 =	sshll.u32 s5, $0x1;
	s2 =	sadd.s32 s19, s18  }
0x9c: {  	s6 =	simm.s32 $0x0;
	s20 =	sshll.u32 s4, $0x1;
	s4 =	sadd.s32 s21, s2  }
0x9d: {  	[timem:s6], [sflag:s22] =	dma.local [hbm:s4], s20  }
0x9e: {  	_ =	swait.ge [sflag:s22], s20  }
0x9f: {  	s3 =	ssub.s32 $0x0, s20;
	[sflag:s22] =	ssyncset.done $0x0  }
0xa0: {  	[sflag:s22] =	ssyncadd.s32 s3;
	_ =	sdelay $0x1  }
0xa1: {  	s23 =	simm.s32 $0x1B8B  }
0xa2: {  	_ =	swait.ge [sflag:s23], $0x1  }
0xa3: {  	[sflag:s23] =	ssyncset.done $0x0  }
0xa4: {  	s25 =	simm.s32 $0x1B8E;
	s24 =	sld [smem:$0x3FFE];
	[sflag:s23] =	ssyncadd.s32 $0xFFFFFFFF  }
0xa5: {  	s26 =	simm.s32 $execute0_lowered;
	[smem:$0x3FD2] =	sst s25  }
0xa6: {  	s4 =	sshll.u32 s26, $0x1;
	_ =	strace $0x8000004F;
	[dreg:$0x1] =	wrdreg $0xFFFFFFFF  }
0xa7: {  	s28 =	simm.s32 $_size_execute0_lowered;
	s2 =	sadd.s32 s2, s4;
	[dreg:$0x0] =	wrdreg $0x0  }
0xa8: {  	s4 =	sshll.u32 s28, $0x1;
	[dreg:$0x2] =	wrdreg s2  }
0xa9: {  	[dreg:$0x3] =	wrdreg s4  }
0xaa: {  	[dreg:$0x4] =	wrdreg $0xC0  }
0xab: {  	_ =	task [dreg:s6], $0x5FFFF  }
0xac: {  	[dreg:$0x1] =	wrdreg $0xFFFFFFFF  }
0xad: {  	[dreg:$0x0] =	wrdreg $0x60  }
0xae: {  	[dreg:$0x2] =	wrdreg s24  }
0xaf: {  	[dreg:$0x3] =	wrdreg $0x124000  }
0xb0: {  	[dreg:$0x4] =	wrdreg $0x9  }
0xb1: {  	_ =	task.clear_ibuf [dreg:s6], $0x5FFFF;
	_ =	strace $0x9000004F  }
0xb2: {  	s29 =	simm.s32 $0x9;
	_ =	strace $0x80000051  }
0xb3: {  	_ =	swait.ge [sflag:s29], $0x1  }
0xb4: {  	[sflag:s29] =	ssyncadd.s32 $0xFFFFFFFF  }
0xb5: {  	_ =	strace $0x90000051  }
0xb6: {  	_ =	sfence  }
0xb7: {  	s30 =	sld [smem:$0x0];
	_ =	sdelay $0x2  }
0xb8: {  	s31 =	sshll.u32 s1, $0xD;
	s1 =	sshrl.u32 s1, $0x2  }
0xb9: {  	s3 =	sand.u32 $0x4000, s31;
	s1 =	sadd.s32 s1, s30  }
0xba: {  	s0 =	sor.u32 s3, s0;
	s1 =	sshll.u32 s1, $0x11  }
0xbb: {  	s0 =	sor.u32 s1, s0  }
0xbc: {  	s0 =	sadd.s32 $0x8F2B, s0  }
0xbd: {  	[sflag:s0] =	ssyncadd.remote.s32 $0x1  }
0xbe: {  	_ =	sfence.sel $0xFFFF  }
0xbf: {  	[dreg:$0x0] =	wrdreg $0xFFFFFFFF;
	(pc) =	sbr.abs _section_cstart, $3  }
0xc0: {  	[dreg:$0x1] =	wrdreg $0xFFFFFFFF  }
0xc1: {  	_ =	task.clear_ibuf [dreg:s6], $0x2FFFF;
	_ =	strace $0x9FFFFFFF  }
0xc2: {  	(tm) =	ssettm $0x7FFFFFFF  }
0xc3: {  	_ =	shalt  }
tec
execute0_lowered:
.L_overlay_start_1:
0x0: {  	(tag) =	ssettag $0x1  }
0x1: {  	s0 =	srdreg.scid  }
0x2: {  	s11 =	stileid.u32;
	s1 =	rddreg [dreg:$0x0]  }
0x3: {  	s2 =	rddreg [dreg:$0x1];
	s3 =	simm.s32 $0x0;
	s14 =	simm.s32 $0x80  }
0x4: {  	s15 =	simm.s32 $0xA400;
	s16 =	simm.s32 $0xC400;
	s17 =	simm.s32 $0x1  }
0x5: {  	s19 =	simm.s32 $0xE400;
	s20 =	simm.s32 $0x2;
	s23 =	simm.s32 $0x10400  }
0x6: {  	s24 =	simm.s32 $0x3;
	s28 =	simm.s32 $0x6;
	s29 =	simm.s32 $0x7  }
0x7: {  	s30 =	simm.s32 $0x8;
	s18 =	simm.s32 $0x0;
	s4 =	smul.u32 $0x5200, s11  }
0x8: {  	s0 =	sand.u32 $0x1, s0;
	[smem:$0x7FF] =	sst s3;
	s7 =	smul.u32 $0x9E00, s11  }
0x9: {  	s6 =	smul.u32 $0x13C00, s11;
	s31 =	sshll.u32 s11, $0x6;
	s11 =	simm.s32 $0x5200  }
0xa: {  	s5 =	smul.u32 $0x52000, s0;
	_ =	strace $0x80000050;
	s9 =	sshll.u32 s0, $0x6  }
0xb: {  	s0 =	ssub.s32 $0x2, s0;
	s12 =	sor.u32 $0x1C09, s31;
	s10 =	sshrl.u32 s7, $0x3  }
0xc: {  	s6 =	sor.u32 s9, s6;
	s26 =	sshrl.u32 s0, $0x1;
	s13 =	sadd.s32 s7, s2  }
0xd: {  	s5 =	sadd.s32 s4, s5;
	s4 =	sshrl.u32 s4, $0x3;
	s25 =	sadd.s32 s10, s1  }
0xe: {  	s6 =	sshrl.u32 s6, $0x3;
	s0 =	ssub.s32 s0, s26;
	s10 =	simm.s32 $0x9  }
0xf: {  	s13 =	sshrl.u32 s13, $0x3;
	s26 =	simm.s32 $0x4;
	s5 =	sshrl.u32 s5, $0x3  }
0x10: {  	s8 =	sadd.s32 s4, s1;
	s4 =	sadd.s32 $0x21E00, s1;
	s7 =	sadd.s32 $0x49600, s25  }
0x11: {  	s9 =	smax.u32 s0, $0x1;
	s25 =	simm.s32 $0x5;
	s0 =	simm.s32 $0x10  }
0x12: {  	s5 =	sadd.s32 s5, s1;
	s1 =	sadd.s32 s6, s1;
	s6 =	sadd.s32 $0x3200, s8  }
0x13: {  	s5 =	sadd.s32 $0xD600, s5;
	s8 =	sadd.s32 $0x5D200, s1;
	s1 =	simm.s32 $0xA380  }
.LBB2_1:
0x14: {  	[tilespmem:s3], [sflag:$0x9] =	stream.linear.gather [hbm4b:s5+s3], $0x5200, $0x38;
	[tilespmem:$0x1C200] =	vst v63  }
0x15: {  	_ =	swait.ge [sflag:s10], $0x5200  }
0x16: {  	[sflag:s10] =	ssyncset.done $0x0  }
0x17: {  	[sflag:s10] =	ssyncadd.s32 $0xFFFFAE00  }
0x18: {  	[tilespmem:s11], [sflag:$0x9] =	stream.linear.gather [hbm4b:s6+s3], $0x5200, $0x38;
	[tilespmem:$0x1C200] =	vst v63  }
0x19: {  	_ =	swait.ge [sflag:s10], $0x5200  }
0x1a: {  	[sflag:s10] =	ssyncset.done $0x0  }
0x1b: {  	[sflag:s10] =	ssyncadd.s32 $0xFFFFAE00  }
0x1c: {  	[spmem:s13], [sflag:s12] =	dma.local [hbm:s7], $0x13C0  }
0x1d: {  	_ =	swait.ge [sflag:s10], $0x13C0  }
0x1e: {  	[sflag:s10] =	ssyncset.done $0x0  }
0x1f: {  	[sflag:s10] =	ssyncadd.s32 $0xFFFFEC40  }
0x20: {  	[bflag:$0x0] =	sbarrier.arrive $0xFFFF  }
0x21: {  	[tilespmem:s15], [sflag:$0x1] =	stream.indirect.gather [hbm4b:s4+s14], $0x40, s3, s14, $0xb8;
	[tilespmem:$0x1C200] =	vst v63  }
0x22: {  	_ = 	snop  }
0x23: {  	[tilespmem:s16], [sflag:$0x2] =	stream.indirect.gather [hbm4b:s4+s14], $0x40, s14, s14, $0xb8;
	[tilespmem:$0x1C200] =	vst v63  }
0x24: {  	_ =	swait.ge [sflag:s17], $0x2000  }
0x25: {  	[sflag:s17] =	ssyncset.done $0x0  }
0x26: {  	[sflag:s17] =	ssyncadd.s32 $0xFFFFE000  }
0x27: {  	[spmem:s2] =	stream.indirect.scatter.add.f32 [tilespmem:s15], [sflag:$0x5], $0x40, s11, s14, $0xb8;
	[tilespmem:$0x1C200] =	vst v63  }
0x28: {  	s21 =	simm.s32 $0x100  }
0x29: {  	[tilespmem:s19], [sflag:$0x3] =	stream.indirect.gather [hbm4b:s4+s14], $0x40, s21, s14, $0xb8;
	[tilespmem:$0x1C200] =	vst v63  }
0x2a: {  	_ =	swait.ge [sflag:s20], $0x2000  }
0x2b: {  	[sflag:s20] =	ssyncset.done $0x0  }
0x2c: {  	s31 =	simm.s32 $0x5280;
	[sflag:s20] =	ssyncadd.s32 $0xFFFFE000  }
0x2d: {  	[spmem:s2] =	stream.indirect.scatter.add.f32 [tilespmem:s16], [sflag:$0x6], $0x40, s31, s14, $0xb8;
	[tilespmem:$0x1C200] =	vst v63  }
0x2e: {  	s22 =	simm.s32 $0x180  }
0x2f: {  	[tilespmem:s23], [sflag:$0x4] =	stream.indirect.gather [hbm4b:s4+s14], $0x40, s22, s14, $0xb8;
	[tilespmem:$0x1C200] =	vst v63  }
0x30: {  	_ =	swait.ge [sflag:s24], $0x2000  }
0x31: {  	[sflag:s24] =	ssyncset.done $0x0  }
0x32: {  	s31 =	simm.s32 $0x5300;
	[sflag:s24] =	ssyncadd.s32 $0xFFFFE000  }
0x33: {  	[spmem:s2] =	stream.indirect.scatter.add.f32 [tilespmem:s19], [sflag:$0x7], $0x40, s31, s14, $0xb8;
	[tilespmem:$0x1C200] =	vst v63  }
0x34: {  	_ =	swait.ge [sflag:s25], $0x2000  }
0x35: {  	[sflag:s25] =	ssyncset.done $0x0  }
0x36: {  	s22 =	simm.s32 $0x200;
	[sflag:s25] =	ssyncadd.s32 $0xFFFFE000  }
0x37: {  	[tilespmem:s15], [sflag:$0x1] =	stream.indirect.gather [hbm4b:s4+s14], $0x40, s22, s14, $0xb8;
	[tilespmem:$0x1C200] =	vst v63  }
0x38: {  	_ =	swait.ge [sflag:s26], $0x2000  }
0x39: {  	[sflag:s26] =	ssyncset.done $0x0  }
0x3a: {  	s31 =	simm.s32 $0x5380;
	[sflag:s26] =	ssyncadd.s32 $0xFFFFE000  }
0x3b: {  	[spmem:s2] =	stream.indirect.scatter.add.f32 [tilespmem:s23], [sflag:$0x8], $0x40, s31, s14, $0xb8;
	[tilespmem:$0x1C200] =	vst v63  }
0x3c: {  	_ =	swait.ge [sflag:s28], $0x2000  }
0x3d: {  	[sflag:s28] =	ssyncset.done $0x0  }
0x3e: {  	s22 =	simm.s32 $0x280;
	[sflag:s28] =	ssyncadd.s32 $0xFFFFE000  }
0x3f: {  	[tilespmem:s16], [sflag:$0x2] =	stream.indirect.gather [hbm4b:s4+s14], $0x40, s22, s14, $0xb8;
	[tilespmem:$0x1C200] =	vst v63  }
0x40: {  	_ =	swait.ge [sflag:s17], $0x2000  }
0x41: {  	[sflag:s17] =	ssyncset.done $0x0  }
0x42: {  	s31 =	simm.s32 $0x5400;
	[sflag:s17] =	ssyncadd.s32 $0xFFFFE000  }
0x43: {  	[spmem:s2] =	stream.indirect.scatter.add.f32 [tilespmem:s15], [sflag:$0x5], $0x40, s31, s14, $0xb8;
	[tilespmem:$0x1C200] =	vst v63  }
0x44: {  	_ =	swait.ge [sflag:s29], $0x2000  }
0x45: {  	[sflag:s29] =	ssyncset.done $0x0  }
0x46: {  	s22 =	simm.s32 $0x300;
	[sflag:s29] =	ssyncadd.s32 $0xFFFFE000  }
0x47: {  	[tilespmem:s19], [sflag:$0x3] =	stream.indirect.gather [hbm4b:s4+s14], $0x40, s22, s14, $0xb8;
	[tilespmem:$0x1C200] =	vst v63  }
0x48: {  	_ =	swait.ge [sflag:s20], $0x2000  }
0x49: {  	[sflag:s20] =	ssyncset.done $0x0  }
0x4a: {  	s31 =	simm.s32 $0x5480;
	[sflag:s20] =	ssyncadd.s32 $0xFFFFE000  }
0x4b: {  	[spmem:s2] =	stream.indirect.scatter.add.f32 [tilespmem:s16], [sflag:$0x6], $0x40, s31, s14, $0xb8;
	[tilespmem:$0x1C200] =	vst v63  }
0x4c: {  	_ =	swait.ge [sflag:s30], $0x2000  }
0x4d: {  	[sflag:s30] =	ssyncset.done $0x0  }
0x4e: {  	s21 =	simm.s32 $0x800;
	s22 =	simm.s32 $0x380;
	[sflag:s30] =	ssyncadd.s32 $0xFFFFE000  }
.LBB2_2:
0x4f: {  	[tilespmem:s23], [sflag:$0x4] =	stream.indirect.gather [hbm4b:s4+s14], $0x40, s22, s14, $0xb8;
	[tilespmem:$0x1C200] =	vst v63  }
0x50: {  	s22 =	smov.u32 s21  }
0x51: {  	p0 =	sne.s32 s21, $0x13800;
	s21 =	sadd.s32 $0x800, s21;
	_ =	swait.ge [sflag:s24], $0x2000  }
0x52: {  	s22 =	sshra.s32 s22, $0x2;
	[sflag:s24] =	ssyncset.done $0x0  }
0x53: {  	s31 =	sadd.s32 $0x5300, s22;
	[sflag:s24] =	ssyncadd.s32 $0xFFFFE000  }
0x54: {  	[spmem:s2] =	stream.indirect.scatter.add.f32 [tilespmem:s19], [sflag:$0x7], $0x40, s31, s14, $0xb8;
	[tilespmem:$0x1C200] =	vst v63  }
0x55: {  	_ =	swait.ge [sflag:s25], $0x2000  }
0x56: {  	[sflag:s25] =	ssyncset.done $0x0  }
0x57: {  	s31 =	sadd.s32 $0x200, s22;
	[sflag:s25] =	ssyncadd.s32 $0xFFFFE000  }
0x58: {  	[tilespmem:s15], [sflag:$0x1] =	stream.indirect.gather [hbm4b:s4+s14], $0x40, s31, s14, $0xb8;
	[tilespmem:$0x1C200] =	vst v63  }
0x59: {  	_ =	swait.ge [sflag:s26], $0x2000  }
0x5a: {  	[sflag:s26] =	ssyncset.done $0x0  }
0x5b: {  	s31 =	sadd.s32 $0x5380, s22;
	[sflag:s26] =	ssyncadd.s32 $0xFFFFE000  }
0x5c: {  	[spmem:s2] =	stream.indirect.scatter.add.f32 [tilespmem:s23], [sflag:$0x8], $0x40, s31, s14, $0xb8;
	[tilespmem:$0x1C200] =	vst v63  }
0x5d: {  	_ =	swait.ge [sflag:s28], $0x2000  }
0x5e: {  	[sflag:s28] =	ssyncset.done $0x0  }
0x5f: {  	s31 =	sadd.s32 $0x280, s22;
	[sflag:s28] =	ssyncadd.s32 $0xFFFFE000  }
0x60: {  	[tilespmem:s16], [sflag:$0x2] =	stream.indirect.gather [hbm4b:s4+s14], $0x40, s31, s14, $0xb8;
	[tilespmem:$0x1C200] =	vst v63  }
0x61: {  	_ =	swait.ge [sflag:s17], $0x2000  }
0x62: {  	[sflag:s17] =	ssyncset.done $0x0  }
0x63: {  	s31 =	sadd.s32 $0x5400, s22;
	[sflag:s17] =	ssyncadd.s32 $0xFFFFE000  }
0x64: {  	[spmem:s2] =	stream.indirect.scatter.add.f32 [tilespmem:s15], [sflag:$0x5], $0x40, s31, s14, $0xb8;
	[tilespmem:$0x1C200] =	vst v63  }
0x65: {  	_ =	swait.ge [sflag:s29], $0x2000  }
0x66: {  	[sflag:s29] =	ssyncset.done $0x0  }
0x67: {  	s31 =	sadd.s32 $0x300, s22;
	[sflag:s29] =	ssyncadd.s32 $0xFFFFE000  }
0x68: {  	[tilespmem:s19], [sflag:$0x3] =	stream.indirect.gather [hbm4b:s4+s14], $0x40, s31, s14, $0xb8;
	[tilespmem:$0x1C200] =	vst v63  }
0x69: {  	_ =	swait.ge [sflag:s20], $0x2000  }
0x6a: {  	[sflag:s20] =	ssyncset.done $0x0  }
.Ltmp0:
0x6b: {  	s31 =	sadd.s32 $0x5480, s22;
	[sflag:s20] =	ssyncadd.s32 $0xFFFFE000;
	(pc) =	sbr.rel @p0 .LBB2_2-.Ltmp0, $4  }
0x6c: {  	[spmem:s2] =	stream.indirect.scatter.add.f32 [tilespmem:s16], [sflag:$0x6], $0x40, s31, s14, $0xb8;
	[tilespmem:$0x1C200] =	vst v63  }
0x6d: {  	_ =	swait.ge [sflag:s30], $0x2000  }
0x6e: {  	[sflag:s30] =	ssyncset.done $0x0  }
0x6f: {  	s22 =	sadd.s32 $0x380, s22;
	[sflag:s30] =	ssyncadd.s32 $0xFFFFE000  }
0x70: {  	[tilespmem:s23], [sflag:$0x4] =	stream.indirect.gather [hbm4b:s4+s14], $0x40, s22, s14, $0xb8;
	[tilespmem:$0x1C200] =	vst v63  }
0x71: {  	_ =	swait.ge [sflag:s24], $0x2000  }
0x72: {  	[sflag:s24] =	ssyncset.done $0x0  }
0x73: {  	s21 =	simm.s32 $0xA300;
	[sflag:s24] =	ssyncadd.s32 $0xFFFFE000  }
0x74: {  	[spmem:s2] =	stream.indirect.scatter.add.f32 [tilespmem:s19], [sflag:$0x7], $0x40, s21, s14, $0xb8;
	[tilespmem:$0x1C200] =	vst v63  }
0x75: {  	_ =	swait.ge [sflag:s25], $0x2000  }
0x76: {  	[sflag:s25] =	ssyncset.done $0x0  }
0x77: {  	[sflag:s25] =	ssyncadd.s32 $0xFFFFE000  }
0x78: {  	_ =	swait.ge [sflag:s26], $0x2000  }
0x79: {  	[sflag:s26] =	ssyncset.done $0x0  }
0x7a: {  	[sflag:s26] =	ssyncadd.s32 $0xFFFFE000  }
0x7b: {  	[spmem:s2] =	stream.indirect.scatter.add.f32 [tilespmem:s23], [sflag:$0x8], $0x40, s1, s14, $0xb8;
	[tilespmem:$0x1C200] =	vst v63  }
0x7c: {  	_ =	swait.ge [sflag:s28], $0x2000  }
0x7d: {  	[sflag:s28] =	ssyncset.done $0x0  }
0x7e: {  	[sflag:s28] =	ssyncadd.s32 $0xFFFFE000  }
0x7f: {  	_ =	swait.ge [sflag:s29], $0x2000  }
0x80: {  	[sflag:s29] =	ssyncset.done $0x0  }
0x81: {  	[sflag:s29] =	ssyncadd.s32 $0xFFFFE000  }
0x82: {  	_ =	swait.ge [sflag:s30], $0x2000  }
0x83: {  	s18 =	sadd.s32 $0x1, s18;
	[sflag:s30] =	ssyncset.done $0x0  }
0x84: {  	p0 =	sne.s32 s18, s9;
	[sflag:s30] =	ssyncadd.s32 $0xFFFFE000  }
.Ltmp1:
0x85: {  	[bflag:$0x0] =	sbarrier.arrive $0xFFFF;
	(pc) =	sbr.rel @p0 .LBB2_1-.Ltmp1, $4  }
0x86: {  	[hbm:s8@s0], [sflag:s12] =	dma.strided [spmem:s13@s30], $0x13C0, s17, $0x8   }
0x87: {  	_ =	swait.ge [sflag:s10], $0x13C0  }
0x88: {  	[sflag:s10] =	ssyncset.done $0x0  }
0x89: {  	[sflag:s10] =	ssyncadd.s32 $0xFFFFEC40  }
0x8a: {  	_ =	sfence.sel $0x180000  }
0x8b: {  	[bflag:$0x0] =	sbarrier.arrive $0xFFFF  }
0x8c: {  	_ =	strace $0x90000050  }
0x8d: {  	s0 =	stileid.u32;
	[bflag:$0x2] =	sbarrier.arrive $0xFFFF  }
0x8e: {  	p0 =	sne.s32 s0, $0x0;
	s0 =	rddreg [dreg:$0x2]  }
0x8f: {  	s0 =	sadd.s32 @!p0 $0x100000, s0  }
0x90: {  	[sflag:s0] =	ssyncadd.tile.s32 @!p0 $0x1;
	_ =	shalt  }
.Lfunc_end2:
_tile_overlayer_lowered:
.L_overlay_start_2:
0x91: {  	(tag) =	ssettag $0x2  }
0x92: {  	s0 =	rddreg [dreg:$0x0];
	s2 =	stileid.u32  }
0x93: {  	s1 =	rddreg [dreg:$0x1];
	p0 =	sne.s32 s2, $0x0  }
0x94: {  	s3 =	rddreg [dreg:$0x2];
	[bflag:$0x3] =	sbarrier.arrive $0xFFFF;
	s2 =	simm.s32 @!p0 $0x1C09  }
0x95: {  	[timem:s3], [sflag:s2] =	dma.local @!p0 [hbm:s0], s1  }
0x96: {  	s0 =	simm.s32 @!p0 $0x9  }
0x97: {  	_ =	swait.ge @!p0 [sflag:s0], s1  }
0x98: {  	s1 =	ssub.s32 @!p0 $0x0, s1;
	[sflag:s0] =	ssyncset.done @!p0 $0x0  }
0x99: {  	[sflag:s0] =	ssyncadd.s32 @!p0 s1  }
0x9a: {  	[bflag:$0x3] =	sbarrier.arrive $0xFFFF  }
0x9b: {  	_ =	shalt  }

</sc_bundles>
